<compile_context>
chip_gen: v7x
topology: tpu7x:2x2x1
jax: 0.10.2.dev20260603
libtpu: 0.0.44.dev20260713+nightly
codegen_flags: <defaults>
</compile_context>

<pallas_src>
import functools
import numpy as np
import jax
import jax.numpy as jnp
from jax import lax
from jax.experimental import pallas as pl
from jax.experimental.pallas import tpu as pltpu, tpu_sc as plsc


def _build_idx_list():
    num_candidates = 16
    indices = [0, 1, 2, 3, 4, 5, 6, 7, 8]
    base_idx = 9
    for i in range(num_candidates - 1):
        indices += [6, 7, base_idx + i]
    indices += [0, 3, 6, 1, 4, 7, 2, 5, 8]
    for i in range(num_candidates - 1):
        indices += [2, 5, base_idx + i]
    return indices


_IDX = _build_idx_list()


def _merge_runs(idx):
    runs = []
    o_start, s_start, length = 0, idx[0], 1
    for j in range(1, len(idx)):
        if idx[j] == s_start + length:
            length += 1
        else:
            runs.append((o_start, s_start, length))
            o_start, s_start, length = j, idx[j], 1
    runs.append((o_start, s_start, length))
    return runs


_RUNS = _merge_runs(_IDX)



def _tc_body(x_ref, o_hbm, sem):
    b = pl.program_id(0)
    copies = [
        pltpu.make_async_copy(
            x_ref.at[0, pl.ds(s_start, length)],
            o_hbm.at[b, pl.ds(o_start, length)],
            sem,
        )
        for o_start, s_start, length in _RUNS
    ]
    for c in copies:
        c.start()
    for c in copies:
        c.wait()



_CPS = 8
_ROWW = 8192
_SC_ROWS = 108 * _CPS
_NW = 32
_NSLAB = 108
_GMAX = (_NSLAB + _NW - 1) // _NW


def _sc_src_rows():
    idx = np.array(_IDX, dtype=np.int32)
    c = np.arange(_CPS, dtype=np.int32)
    src = idx[:, None] * _CPS + c[None, :]
    pad = np.zeros((_GMAX * _NW - _NSLAB, _CPS), dtype=np.int32)
    src = np.concatenate([src, pad], axis=0)
    return src.reshape(_GMAX, _NW, _CPS).transpose(1, 0, 2).copy()


_SC_SRC = _sc_src_rows()


def _sc_copy(x_flat, src):
    mesh = plsc.VectorSubcoreMesh(core_axis_name="c", subcore_axis_name="s")

    @functools.partial(
        pl.kernel,
        mesh=mesh,
        out_type=jax.ShapeDtypeStruct((_SC_ROWS, _ROWW), jnp.float32),
        scratch_types=[
            pltpu.VMEM((_GMAX, _CPS), jnp.int32),
            pltpu.VMEM((_CPS, _ROWW), jnp.float32),
            pltpu.SemaphoreType.DMA,
        ],
    )
    def k(x_hbm, src_hbm, out_hbm, idx_v, buf_v, sem):
        wid = lax.axis_index("s") * 2 + lax.axis_index("c")
        pltpu.sync_copy(src_hbm.at[wid], idx_v)

        for g in range(_GMAX):
            slab = g * _NW + wid

            @pl.when(slab < _NSLAB)
            def _():
                pltpu.async_copy(x_hbm.at[idx_v.at[g]], buf_v, sem).wait()
                pltpu.sync_copy(buf_v, out_hbm.at[pl.ds(slab * _CPS, _CPS)])

    return k(x_flat, src)


def kernel(x):
    b, n, s, d = x.shape
    n_out = len(_IDX)

    tc_out = pl.pallas_call(
        _tc_body,
        grid=(b - 1,),
        in_specs=[pl.BlockSpec((1, n, s, d), lambda i: (i, 0, 0, 0))],
        out_specs=pl.BlockSpec(memory_space=pl.ANY),
        out_shape=jax.ShapeDtypeStruct((b - 1, n_out, s, d), x.dtype),
        scratch_shapes=[pltpu.SemaphoreType.DMA],
    )(x[: b - 1])

    sc_out = _sc_copy(x[b - 1].reshape(n * _CPS, _ROWW), jnp.asarray(_SC_SRC))
    sc_out = sc_out.reshape(1, n_out, s, d)

    out = jnp.concatenate([tc_out, sc_out], axis=0)
    return out.reshape(b, n_out // 3, 3, s, d)

# --- scband reference (transcript-rebuilt; emitter-appended) ---
"""Pipeline reference for scband-recat-3582002725280 (READ-ONLY COPY).

The authoritative reference and input builder live on the scoring server;
editing this copy changes nothing except your own understanding.
"""

import jax, jax.numpy as jnp
import numpy as np

NUM_CANDIDATES = 16  # num_aux_candidates (8) + 8

def _build_indices():
    indices = [0, 1, 2, 3, 4, 5, 6, 7, 8]
    base_idx = 9
    for i in range(NUM_CANDIDATES - 1):
        indices += [6, 7, base_idx + i]
    indices += [0, 3, 6, 1, 4, 7, 2, 5, 8]
    for i in range(NUM_CANDIDATES - 1):
        indices += [2, 5, base_idx + i]
    return jnp.array(indices, dtype=jnp.int32)

def setup_inputs(seed: int = 0) -> dict:
    key = jax.random.key(seed)
    x = jax.random.normal(key, (8, 24, 512, 128), dtype=jnp.float32)
    return {"x": x}

def reference(x):
    b, n, s, d = x.shape
    idx = _build_indices()
    gathered = jnp.take(x, idx, axis=1)  # [b, 108, s, d]
    return gathered.reshape(b, -1, 3, s, d)

if __name__ == "__main__":
    import jax
    _d = setup_inputs()
    print(jax.jit(kernel)(*tuple(_d.values())))

</pallas_src>

<mosaic_0001>
#map = affine_map<(d0, d1) -> (0, 0)>
#map1 = affine_map<(d0, d1) -> (0, 0, 0)>
module attributes {stable_mosaic.version = 14 : i64} {
  func.func @k(%arg0: i32, %arg1: i32, %arg2: memref<192x8192xf32, #tpu.memory_space<hbm>>, %arg3: memref<32x4x8xi32, #tpu.memory_space<hbm>>, %arg4: memref<864x8192xf32, #tpu.memory_space<hbm>>, %arg5: memref<4x8xi32, #tpu.memory_space<vmem>>, %arg6: memref<8x8192xf32, #tpu.memory_space<vmem>>, %arg7: memref<!tpu.dma_semaphore, #tpu.memory_space<semaphore_mem>>) attributes {dimension_semantics = [#tpu.dimension_semantics<core_parallel>, #tpu.dimension_semantics<subcore_parallel>], iteration_bounds = array<i64: 2, 16>, scalar_prefetch = 0 : i64, scratch_operands = 3 : i64, tpu.core_type = #tpu.core_type<sc_vector_subcore>, window_params = [{transform_indices = #map}, {transform_indices = #map1}, {transform_indices = #map}]} {
    %mul3A = arith.constant 2 : i32
    %mul3A_0 = arith.muli %arg1, %mul3A : i32
    %add3A = arith.addi %mul3A_0, %arg0 : i32
    "tpu.region"() ({
      %run_scoped3A = tpu.sem_alloc : memref<!tpu.dma_semaphore, #tpu.memory_space<semaphore_mem>>
      %dma_start3A = arith.constant 0 : i32
      %dma_start3A_26 = arith.constant 0 : i32
      %dma_start3A_27 = tpu.memref_slice %arg3[%add3A, %dma_start3A, %dma_start3A_26] : memref<32x4x8xi32, #tpu.memory_space<hbm>> -> memref<1x4x8xi32, #tpu.memory_space<hbm>>
      %dma_start3A_28 = tpu.memref_squeeze %dma_start3A_27 : memref<1x4x8xi32, #tpu.memory_space<hbm>> -> memref<4x8xi32, #tpu.memory_space<hbm>>
      %dma_start3A_29 = arith.constant 0 : i32
      %dma_start3A_30 = arith.constant 0 : i32
      %dma_start3A_31 = tpu.memref_slice %arg3[%add3A, %dma_start3A_29, %dma_start3A_30] : memref<32x4x8xi32, #tpu.memory_space<hbm>> -> memref<1x4x8xi32, #tpu.memory_space<hbm>>
      %dma_start3A_32 = tpu.memref_squeeze %dma_start3A_31 : memref<1x4x8xi32, #tpu.memory_space<hbm>> -> memref<4x8xi32, #tpu.memory_space<hbm>>
      tpu.enqueue_dma source(%dma_start3A_32 : memref<4x8xi32, #tpu.memory_space<hbm>>) target(%arg5 : memref<4x8xi32, #tpu.memory_space<vmem>>) target_semaphore(%run_scoped3A : memref<!tpu.dma_semaphore, #tpu.memory_space<semaphore_mem>>)
      %dma_wait3A = arith.constant 0 : i32
      %dma_wait3A_33 = arith.constant 0 : i32
      %dma_wait3A_34 = tpu.memref_slice %arg3[%add3A, %dma_wait3A, %dma_wait3A_33] : memref<32x4x8xi32, #tpu.memory_space<hbm>> -> memref<1x4x8xi32, #tpu.memory_space<hbm>>
      %dma_wait3A_35 = tpu.memref_squeeze %dma_wait3A_34 : memref<1x4x8xi32, #tpu.memory_space<hbm>> -> memref<4x8xi32, #tpu.memory_space<hbm>>
      %dma_wait3A_36 = arith.constant 0 : i32
      %dma_wait3A_37 = arith.constant 0 : i32
      %dma_wait3A_38 = tpu.memref_slice %arg3[%add3A, %dma_wait3A_36, %dma_wait3A_37] : memref<32x4x8xi32, #tpu.memory_space<hbm>> -> memref<1x4x8xi32, #tpu.memory_space<hbm>>
      %dma_wait3A_39 = tpu.memref_squeeze %dma_wait3A_38 : memref<1x4x8xi32, #tpu.memory_space<hbm>> -> memref<4x8xi32, #tpu.memory_space<hbm>>
      tpu.wait_dma2 semaphore(%run_scoped3A : memref<!tpu.dma_semaphore, #tpu.memory_space<semaphore_mem>>) src(%dma_wait3A_39 : memref<4x8xi32, #tpu.memory_space<hbm>>) dst(%arg5 : memref<4x8xi32, #tpu.memory_space<vmem>>)
      tpu.yield
    }) : () -> ()
    %add3A_1 = arith.constant 0 : i32
    %add3A_2 = arith.addi %add3A_1, %add3A : i32
    %lt3A = arith.constant 108 : i32
    %lt3A_3 = arith.cmpi slt, %add3A_2, %lt3A : i32
    %convert_element_type3A = arith.extui %lt3A_3 : i1 to i32
    %cond3A = arith.constant 0 : i32
    %cond3A_4 = arith.cmpi ne, %convert_element_type3A, %cond3A : i32
    scf.if %cond3A_4 {
      %dma_start3A = arith.constant 0 : i32
      %dma_start3A_26 = arith.constant 0 : i32
      %dma_start3A_27 = tpu.memref_slice %arg5[%dma_start3A, %dma_start3A_26] : memref<4x8xi32, #tpu.memory_space<vmem>> -> memref<1x8xi32, #tpu.memory_space<vmem>>
      %dma_start3A_28 = tpu.memref_squeeze %dma_start3A_27 : memref<1x8xi32, #tpu.memory_space<vmem>> -> memref<8xi32, #tpu.memory_space<vmem>>
      %dma_start3A_29 = arith.constant 0 : i32
      %dma_start3A_30 = arith.constant 0 : i32
      %dma_start3A_31 = tpu.memref_slice %arg2[%dma_start3A_29, %dma_start3A_30] : memref<192x8192xf32, #tpu.memory_space<hbm>> -> memref<192x8192xf32, #tpu.memory_space<hbm>>
      tpu.enqueue_indirect_dma source(%dma_start3A_31 : memref<192x8192xf32, #tpu.memory_space<hbm>>) target(%arg6 : memref<8x8192xf32, #tpu.memory_space<vmem>>) offsets(%dma_start3A_28 : memref<8xi32, #tpu.memory_space<vmem>>) semaphore(%arg7 : memref<!tpu.dma_semaphore, #tpu.memory_space<semaphore_mem>>)
      %dma_wait3A = arith.constant 0 : i32
      %dma_wait3A_32 = arith.constant 0 : i32
      %dma_wait3A_33 = tpu.memref_slice %arg5[%dma_wait3A, %dma_wait3A_32] : memref<4x8xi32, #tpu.memory_space<vmem>> -> memref<1x8xi32, #tpu.memory_space<vmem>>
      %dma_wait3A_34 = tpu.memref_squeeze %dma_wait3A_33 : memref<1x8xi32, #tpu.memory_space<vmem>> -> memref<8xi32, #tpu.memory_space<vmem>>
      %dma_wait3A_35 = arith.constant 0 : i32
      %dma_wait3A_36 = arith.constant 0 : i32
      %dma_wait3A_37 = tpu.memref_slice %arg2[%dma_wait3A_35, %dma_wait3A_36] : memref<192x8192xf32, #tpu.memory_space<hbm>> -> memref<192x8192xf32, #tpu.memory_space<hbm>>
      tpu.wait_indirect_dma semaphore(%arg7 : memref<!tpu.dma_semaphore, #tpu.memory_space<semaphore_mem>>) src(%dma_wait3A_37 : memref<192x8192xf32, #tpu.memory_space<hbm>>) dst(%arg6 : memref<8x8192xf32, #tpu.memory_space<vmem>>)
      %mul3A_38 = arith.constant 8 : i32
      %mul3A_39 = arith.muli %add3A_2, %mul3A_38 : i32
      "tpu.region"() ({
        %run_scoped3A = tpu.sem_alloc : memref<!tpu.dma_semaphore, #tpu.memory_space<semaphore_mem>>
        %dma_start3A_40 = arith.constant 0 : i32
        %dma_start3A_41 = tpu.memref_slice %arg4[%mul3A_39, %dma_start3A_40] : memref<864x8192xf32, #tpu.memory_space<hbm>> -> memref<8x8192xf32, #tpu.memory_space<hbm>>
        %dma_start3A_42 = arith.constant 0 : i32
        %dma_start3A_43 = tpu.memref_slice %arg4[%mul3A_39, %dma_start3A_42] : memref<864x8192xf32, #tpu.memory_space<hbm>> -> memref<8x8192xf32, #tpu.memory_space<hbm>>
        tpu.enqueue_dma source(%arg6 : memref<8x8192xf32, #tpu.memory_space<vmem>>) target(%dma_start3A_43 : memref<8x8192xf32, #tpu.memory_space<hbm>>) target_semaphore(%run_scoped3A : memref<!tpu.dma_semaphore, #tpu.memory_space<semaphore_mem>>)
        %dma_wait3A_44 = arith.constant 0 : i32
        %dma_wait3A_45 = tpu.memref_slice %arg4[%mul3A_39, %dma_wait3A_44] : memref<864x8192xf32, #tpu.memory_space<hbm>> -> memref<8x8192xf32, #tpu.memory_space<hbm>>
        %dma_wait3A_46 = arith.constant 0 : i32
        %dma_wait3A_47 = tpu.memref_slice %arg4[%mul3A_39, %dma_wait3A_46] : memref<864x8192xf32, #tpu.memory_space<hbm>> -> memref<8x8192xf32, #tpu.memory_space<hbm>>
        tpu.wait_dma2 semaphore(%run_scoped3A : memref<!tpu.dma_semaphore, #tpu.memory_space<semaphore_mem>>) src(%arg6 : memref<8x8192xf32, #tpu.memory_space<vmem>>) dst(%dma_wait3A_47 : memref<8x8192xf32, #tpu.memory_space<hbm>>)
        tpu.yield
      }) : () -> ()
    } else {
    }
    %add3A_5 = arith.constant 32 : i32
    %add3A_6 = arith.addi %add3A_5, %add3A : i32
    %lt3A_7 = arith.constant 108 : i32
    %lt3A_8 = arith.cmpi slt, %add3A_6, %lt3A_7 : i32
    %convert_element_type3A_9 = arith.extui %lt3A_8 : i1 to i32
    %cond3A_10 = arith.constant 0 : i32
    %cond3A_11 = arith.cmpi ne, %convert_element_type3A_9, %cond3A_10 : i32
    scf.if %cond3A_11 {
      %dma_start3A = arith.constant 1 : i32
      %dma_start3A_26 = arith.constant 0 : i32
      %dma_start3A_27 = tpu.memref_slice %arg5[%dma_start3A, %dma_start3A_26] : memref<4x8xi32, #tpu.memory_space<vmem>> -> memref<1x8xi32, #tpu.memory_space<vmem>>
      %dma_start3A_28 = tpu.memref_squeeze %dma_start3A_27 : memref<1x8xi32, #tpu.memory_space<vmem>> -> memref<8xi32, #tpu.memory_space<vmem>>
      %dma_start3A_29 = arith.constant 0 : i32
      %dma_start3A_30 = arith.constant 0 : i32
      %dma_start3A_31 = tpu.memref_slice %arg2[%dma_start3A_29, %dma_start3A_30] : memref<192x8192xf32, #tpu.memory_space<hbm>> -> memref<192x8192xf32, #tpu.memory_space<hbm>>
      tpu.enqueue_indirect_dma source(%dma_start3A_31 : memref<192x8192xf32, #tpu.memory_space<hbm>>) target(%arg6 : memref<8x8192xf32, #tpu.memory_space<vmem>>) offsets(%dma_start3A_28 : memref<8xi32, #tpu.memory_space<vmem>>) semaphore(%arg7 : memref<!tpu.dma_semaphore, #tpu.memory_space<semaphore_mem>>)
      %dma_wait3A = arith.constant 1 : i32
      %dma_wait3A_32 = arith.constant 0 : i32
      %dma_wait3A_33 = tpu.memref_slice %arg5[%dma_wait3A, %dma_wait3A_32] : memref<4x8xi32, #tpu.memory_space<vmem>> -> memref<1x8xi32, #tpu.memory_space<vmem>>
      %dma_wait3A_34 = tpu.memref_squeeze %dma_wait3A_33 : memref<1x8xi32, #tpu.memory_space<vmem>> -> memref<8xi32, #tpu.memory_space<vmem>>
      %dma_wait3A_35 = arith.constant 0 : i32
      %dma_wait3A_36 = arith.constant 0 : i32
      %dma_wait3A_37 = tpu.memref_slice %arg2[%dma_wait3A_35, %dma_wait3A_36] : memref<192x8192xf32, #tpu.memory_space<hbm>> -> memref<192x8192xf32, #tpu.memory_space<hbm>>
      tpu.wait_indirect_dma semaphore(%arg7 : memref<!tpu.dma_semaphore, #tpu.memory_space<semaphore_mem>>) src(%dma_wait3A_37 : memref<192x8192xf32, #tpu.memory_space<hbm>>) dst(%arg6 : memref<8x8192xf32, #tpu.memory_space<vmem>>)
      %mul3A_38 = arith.constant 8 : i32
      %mul3A_39 = arith.muli %add3A_6, %mul3A_38 : i32
      "tpu.region"() ({
        %run_scoped3A = tpu.sem_alloc : memref<!tpu.dma_semaphore, #tpu.memory_space<semaphore_mem>>
        %dma_start3A_40 = arith.constant 0 : i32
        %dma_start3A_41 = tpu.memref_slice %arg4[%mul3A_39, %dma_start3A_40] : memref<864x8192xf32, #tpu.memory_space<hbm>> -> memref<8x8192xf32, #tpu.memory_space<hbm>>
        %dma_start3A_42 = arith.constant 0 : i32
        %dma_start3A_43 = tpu.memref_slice %arg4[%mul3A_39, %dma_start3A_42] : memref<864x8192xf32, #tpu.memory_space<hbm>> -> memref<8x8192xf32, #tpu.memory_space<hbm>>
        tpu.enqueue_dma source(%arg6 : memref<8x8192xf32, #tpu.memory_space<vmem>>) target(%dma_start3A_43 : memref<8x8192xf32, #tpu.memory_space<hbm>>) target_semaphore(%run_scoped3A : memref<!tpu.dma_semaphore, #tpu.memory_space<semaphore_mem>>)
        %dma_wait3A_44 = arith.constant 0 : i32
        %dma_wait3A_45 = tpu.memref_slice %arg4[%mul3A_39, %dma_wait3A_44] : memref<864x8192xf32, #tpu.memory_space<hbm>> -> memref<8x8192xf32, #tpu.memory_space<hbm>>
        %dma_wait3A_46 = arith.constant 0 : i32
        %dma_wait3A_47 = tpu.memref_slice %arg4[%mul3A_39, %dma_wait3A_46] : memref<864x8192xf32, #tpu.memory_space<hbm>> -> memref<8x8192xf32, #tpu.memory_space<hbm>>
        tpu.wait_dma2 semaphore(%run_scoped3A : memref<!tpu.dma_semaphore, #tpu.memory_space<semaphore_mem>>) src(%arg6 : memref<8x8192xf32, #tpu.memory_space<vmem>>) dst(%dma_wait3A_47 : memref<8x8192xf32, #tpu.memory_space<hbm>>)
        tpu.yield
      }) : () -> ()
    } else {
    }
    %add3A_12 = arith.constant 64 : i32
    %add3A_13 = arith.addi %add3A_12, %add3A : i32
    %lt3A_14 = arith.constant 108 : i32
    %lt3A_15 = arith.cmpi slt, %add3A_13, %lt3A_14 : i32
    %convert_element_type3A_16 = arith.extui %lt3A_15 : i1 to i32
    %cond3A_17 = arith.constant 0 : i32
    %cond3A_18 = arith.cmpi ne, %convert_element_type3A_16, %cond3A_17 : i32
    scf.if %cond3A_18 {
      %dma_start3A = arith.constant 2 : i32
      %dma_start3A_26 = arith.constant 0 : i32
      %dma_start3A_27 = tpu.memref_slice %arg5[%dma_start3A, %dma_start3A_26] : memref<4x8xi32, #tpu.memory_space<vmem>> -> memref<1x8xi32, #tpu.memory_space<vmem>>
      %dma_start3A_28 = tpu.memref_squeeze %dma_start3A_27 : memref<1x8xi32, #tpu.memory_space<vmem>> -> memref<8xi32, #tpu.memory_space<vmem>>
      %dma_start3A_29 = arith.constant 0 : i32
      %dma_start3A_30 = arith.constant 0 : i32
      %dma_start3A_31 = tpu.memref_slice %arg2[%dma_start3A_29, %dma_start3A_30] : memref<192x8192xf32, #tpu.memory_space<hbm>> -> memref<192x8192xf32, #tpu.memory_space<hbm>>
      tpu.enqueue_indirect_dma source(%dma_start3A_31 : memref<192x8192xf32, #tpu.memory_space<hbm>>) target(%arg6 : memref<8x8192xf32, #tpu.memory_space<vmem>>) offsets(%dma_start3A_28 : memref<8xi32, #tpu.memory_space<vmem>>) semaphore(%arg7 : memref<!tpu.dma_semaphore, #tpu.memory_space<semaphore_mem>>)
      %dma_wait3A = arith.constant 2 : i32
      %dma_wait3A_32 = arith.constant 0 : i32
      %dma_wait3A_33 = tpu.memref_slice %arg5[%dma_wait3A, %dma_wait3A_32] : memref<4x8xi32, #tpu.memory_space<vmem>> -> memref<1x8xi32, #tpu.memory_space<vmem>>
      %dma_wait3A_34 = tpu.memref_squeeze %dma_wait3A_33 : memref<1x8xi32, #tpu.memory_space<vmem>> -> memref<8xi32, #tpu.memory_space<vmem>>
      %dma_wait3A_35 = arith.constant 0 : i32
      %dma_wait3A_36 = arith.constant 0 : i32
      %dma_wait3A_37 = tpu.memref_slice %arg2[%dma_wait3A_35, %dma_wait3A_36] : memref<192x8192xf32, #tpu.memory_space<hbm>> -> memref<192x8192xf32, #tpu.memory_space<hbm>>
      tpu.wait_indirect_dma semaphore(%arg7 : memref<!tpu.dma_semaphore, #tpu.memory_space<semaphore_mem>>) src(%dma_wait3A_37 : memref<192x8192xf32, #tpu.memory_space<hbm>>) dst(%arg6 : memref<8x8192xf32, #tpu.memory_space<vmem>>)
      %mul3A_38 = arith.constant 8 : i32
      %mul3A_39 = arith.muli %add3A_13, %mul3A_38 : i32
      "tpu.region"() ({
        %run_scoped3A = tpu.sem_alloc : memref<!tpu.dma_semaphore, #tpu.memory_space<semaphore_mem>>
        %dma_start3A_40 = arith.constant 0 : i32
        %dma_start3A_41 = tpu.memref_slice %arg4[%mul3A_39, %dma_start3A_40] : memref<864x8192xf32, #tpu.memory_space<hbm>> -> memref<8x8192xf32, #tpu.memory_space<hbm>>
        %dma_start3A_42 = arith.constant 0 : i32
        %dma_start3A_43 = tpu.memref_slice %arg4[%mul3A_39, %dma_start3A_42] : memref<864x8192xf32, #tpu.memory_space<hbm>> -> memref<8x8192xf32, #tpu.memory_space<hbm>>
        tpu.enqueue_dma source(%arg6 : memref<8x8192xf32, #tpu.memory_space<vmem>>) target(%dma_start3A_43 : memref<8x8192xf32, #tpu.memory_space<hbm>>) target_semaphore(%run_scoped3A : memref<!tpu.dma_semaphore, #tpu.memory_space<semaphore_mem>>)
        %dma_wait3A_44 = arith.constant 0 : i32
        %dma_wait3A_45 = tpu.memref_slice %arg4[%mul3A_39, %dma_wait3A_44] : memref<864x8192xf32, #tpu.memory_space<hbm>> -> memref<8x8192xf32, #tpu.memory_space<hbm>>
        %dma_wait3A_46 = arith.constant 0 : i32
        %dma_wait3A_47 = tpu.memref_slice %arg4[%mul3A_39, %dma_wait3A_46] : memref<864x8192xf32, #tpu.memory_space<hbm>> -> memref<8x8192xf32, #tpu.memory_space<hbm>>
        tpu.wait_dma2 semaphore(%run_scoped3A : memref<!tpu.dma_semaphore, #tpu.memory_space<semaphore_mem>>) src(%arg6 : memref<8x8192xf32, #tpu.memory_space<vmem>>) dst(%dma_wait3A_47 : memref<8x8192xf32, #tpu.memory_space<hbm>>)
        tpu.yield
      }) : () -> ()
    } else {
    }
    %add3A_19 = arith.constant 96 : i32
    %add3A_20 = arith.addi %add3A_19, %add3A : i32
    %lt3A_21 = arith.constant 108 : i32
    %lt3A_22 = arith.cmpi slt, %add3A_20, %lt3A_21 : i32
    %convert_element_type3A_23 = arith.extui %lt3A_22 : i1 to i32
    %cond3A_24 = arith.constant 0 : i32
    %cond3A_25 = arith.cmpi ne, %convert_element_type3A_23, %cond3A_24 : i32
    scf.if %cond3A_25 {
      %dma_start3A = arith.constant 3 : i32
      %dma_start3A_26 = arith.constant 0 : i32
      %dma_start3A_27 = tpu.memref_slice %arg5[%dma_start3A, %dma_start3A_26] : memref<4x8xi32, #tpu.memory_space<vmem>> -> memref<1x8xi32, #tpu.memory_space<vmem>>
      %dma_start3A_28 = tpu.memref_squeeze %dma_start3A_27 : memref<1x8xi32, #tpu.memory_space<vmem>> -> memref<8xi32, #tpu.memory_space<vmem>>
      %dma_start3A_29 = arith.constant 0 : i32
      %dma_start3A_30 = arith.constant 0 : i32
      %dma_start3A_31 = tpu.memref_slice %arg2[%dma_start3A_29, %dma_start3A_30] : memref<192x8192xf32, #tpu.memory_space<hbm>> -> memref<192x8192xf32, #tpu.memory_space<hbm>>
      tpu.enqueue_indirect_dma source(%dma_start3A_31 : memref<192x8192xf32, #tpu.memory_space<hbm>>) target(%arg6 : memref<8x8192xf32, #tpu.memory_space<vmem>>) offsets(%dma_start3A_28 : memref<8xi32, #tpu.memory_space<vmem>>) semaphore(%arg7 : memref<!tpu.dma_semaphore, #tpu.memory_space<semaphore_mem>>)
      %dma_wait3A = arith.constant 3 : i32
      %dma_wait3A_32 = arith.constant 0 : i32
      %dma_wait3A_33 = tpu.memref_slice %arg5[%dma_wait3A, %dma_wait3A_32] : memref<4x8xi32, #tpu.memory_space<vmem>> -> memref<1x8xi32, #tpu.memory_space<vmem>>
      %dma_wait3A_34 = tpu.memref_squeeze %dma_wait3A_33 : memref<1x8xi32, #tpu.memory_space<vmem>> -> memref<8xi32, #tpu.memory_space<vmem>>
      %dma_wait3A_35 = arith.constant 0 : i32
      %dma_wait3A_36 = arith.constant 0 : i32
      %dma_wait3A_37 = tpu.memref_slice %arg2[%dma_wait3A_35, %dma_wait3A_36] : memref<192x8192xf32, #tpu.memory_space<hbm>> -> memref<192x8192xf32, #tpu.memory_space<hbm>>
      tpu.wait_indirect_dma semaphore(%arg7 : memref<!tpu.dma_semaphore, #tpu.memory_space<semaphore_mem>>) src(%dma_wait3A_37 : memref<192x8192xf32, #tpu.memory_space<hbm>>) dst(%arg6 : memref<8x8192xf32, #tpu.memory_space<vmem>>)
      %mul3A_38 = arith.constant 8 : i32
      %mul3A_39 = arith.muli %add3A_20, %mul3A_38 : i32
      "tpu.region"() ({
        %run_scoped3A = tpu.sem_alloc : memref<!tpu.dma_semaphore, #tpu.memory_space<semaphore_mem>>
        %dma_start3A_40 = arith.constant 0 : i32
        %dma_start3A_41 = tpu.memref_slice %arg4[%mul3A_39, %dma_start3A_40] : memref<864x8192xf32, #tpu.memory_space<hbm>> -> memref<8x8192xf32, #tpu.memory_space<hbm>>
        %dma_start3A_42 = arith.constant 0 : i32
        %dma_start3A_43 = tpu.memref_slice %arg4[%mul3A_39, %dma_start3A_42] : memref<864x8192xf32, #tpu.memory_space<hbm>> -> memref<8x8192xf32, #tpu.memory_space<hbm>>
        tpu.enqueue_dma source(%arg6 : memref<8x8192xf32, #tpu.memory_space<vmem>>) target(%dma_start3A_43 : memref<8x8192xf32, #tpu.memory_space<hbm>>) target_semaphore(%run_scoped3A : memref<!tpu.dma_semaphore, #tpu.memory_space<semaphore_mem>>)
        %dma_wait3A_44 = arith.constant 0 : i32
        %dma_wait3A_45 = tpu.memref_slice %arg4[%mul3A_39, %dma_wait3A_44] : memref<864x8192xf32, #tpu.memory_space<hbm>> -> memref<8x8192xf32, #tpu.memory_space<hbm>>
        %dma_wait3A_46 = arith.constant 0 : i32
        %dma_wait3A_47 = tpu.memref_slice %arg4[%mul3A_39, %dma_wait3A_46] : memref<864x8192xf32, #tpu.memory_space<hbm>> -> memref<8x8192xf32, #tpu.memory_space<hbm>>
        tpu.wait_dma2 semaphore(%run_scoped3A : memref<!tpu.dma_semaphore, #tpu.memory_space<semaphore_mem>>) src(%arg6 : memref<8x8192xf32, #tpu.memory_space<vmem>>) dst(%dma_wait3A_47 : memref<8x8192xf32, #tpu.memory_space<hbm>>)
        tpu.yield
      }) : () -> ()
    } else {
    }
    return
  }
}

module attributes {stable_mosaic.version = 14 : i64} {
  func.func @_tc_body(%arg0: i32, %arg1: memref<1x24x512x128xf32, #tpu.memory_space<vmem>>, %arg2: memref<7x108x512x128xf32, #tpu.memory_space<any>>, %arg3: memref<!tpu.dma_semaphore, #tpu.memory_space<semaphore_mem>>) attributes {dimension_semantics = [#tpu.dimension_semantics<arbitrary>], iteration_bounds = array<i64: 7>, scalar_prefetch = 0 : i64, scratch_operands = 1 : i64, tpu.core_type = #tpu.core_type<tc>, window_params = [{transform_indices = @transform_0, window_bounds = array<i64: 1, 24, 512, 128>}, {}]} {
    %dma_start3A = arith.constant 0 : i32
    %dma_start3A_0 = arith.constant 0 : i32
    %dma_start3A_1 = arith.constant 0 : i32
    %dma_start3A_2 = arith.constant 0 : i32
    %dma_start3A_3 = tpu.memref_slice %arg2[%arg0, %dma_start3A_0, %dma_start3A_1, %dma_start3A_2] : memref<7x108x512x128xf32, #tpu.memory_space<any>> -> memref<1x9x512x128xf32, #tpu.memory_space<any>>
    %dma_start3A_4 = tpu.memref_squeeze %dma_start3A_3 : memref<1x9x512x128xf32, #tpu.memory_space<any>> -> memref<9x512x128xf32, #tpu.memory_space<any>>
    %dma_start3A_5 = arith.constant 0 : i32
    %dma_start3A_6 = arith.constant 0 : i32
    %dma_start3A_7 = arith.constant 0 : i32
    %dma_start3A_8 = tpu.memref_slice %arg1[%dma_start3A, %dma_start3A_5, %dma_start3A_6, %dma_start3A_7] : memref<1x24x512x128xf32, #tpu.memory_space<vmem>> -> memref<1x9x512x128xf32, #tpu.memory_space<vmem>>
    %dma_start3A_9 = tpu.memref_squeeze %dma_start3A_8 : memref<1x9x512x128xf32, #tpu.memory_space<vmem>> -> memref<9x512x128xf32, #tpu.memory_space<vmem>>
    tpu.enqueue_dma source(%dma_start3A_9 : memref<9x512x128xf32, #tpu.memory_space<vmem>>) target(%dma_start3A_4 : memref<9x512x128xf32, #tpu.memory_space<any>>) target_semaphore(%arg3 : memref<!tpu.dma_semaphore, #tpu.memory_space<semaphore_mem>>)
    %dma_start3A_10 = arith.constant 0 : i32
    %dma_start3A_11 = arith.constant 9 : i32
    %dma_start3A_12 = arith.constant 0 : i32
    %dma_start3A_13 = arith.constant 0 : i32
    %dma_start3A_14 = tpu.memref_slice %arg2[%arg0, %dma_start3A_11, %dma_start3A_12, %dma_start3A_13] : memref<7x108x512x128xf32, #tpu.memory_space<any>> -> memref<1x2x512x128xf32, #tpu.memory_space<any>>
    %dma_start3A_15 = tpu.memref_squeeze %dma_start3A_14 : memref<1x2x512x128xf32, #tpu.memory_space<any>> -> memref<2x512x128xf32, #tpu.memory_space<any>>
    %dma_start3A_16 = arith.constant 6 : i32
    %dma_start3A_17 = arith.constant 0 : i32
    %dma_start3A_18 = arith.constant 0 : i32
    %dma_start3A_19 = tpu.memref_slice %arg1[%dma_start3A_10, %dma_start3A_16, %dma_start3A_17, %dma_start3A_18] : memref<1x24x512x128xf32, #tpu.memory_space<vmem>> -> memref<1x2x512x128xf32, #tpu.memory_space<vmem>>
    %dma_start3A_20 = tpu.memref_squeeze %dma_start3A_19 : memref<1x2x512x128xf32, #tpu.memory_space<vmem>> -> memref<2x512x128xf32, #tpu.memory_space<vmem>>
    tpu.enqueue_dma source(%dma_start3A_20 : memref<2x512x128xf32, #tpu.memory_space<vmem>>) target(%dma_start3A_15 : memref<2x512x128xf32, #tpu.memory_space<any>>) target_semaphore(%arg3 : memref<!tpu.dma_semaphore, #tpu.memory_space<semaphore_mem>>)
    %dma_start3A_21 = arith.constant 0 : i32
    %dma_start3A_22 = arith.constant 11 : i32
    %dma_start3A_23 = arith.constant 0 : i32
    %dma_start3A_24 = arith.constant 0 : i32
    %dma_start3A_25 = tpu.memref_slice %arg2[%arg0, %dma_start3A_22, %dma_start3A_23, %dma_start3A_24] : memref<7x108x512x128xf32, #tpu.memory_space<any>> -> memref<1x1x512x128xf32, #tpu.memory_space<any>>
    %dma_start3A_26 = tpu.memref_squeeze %dma_start3A_25 : memref<1x1x512x128xf32, #tpu.memory_space<any>> -> memref<1x512x128xf32, #tpu.memory_space<any>>
    %dma_start3A_27 = arith.constant 9 : i32
    %dma_start3A_28 = arith.constant 0 : i32
    %dma_start3A_29 = arith.constant 0 : i32
    %dma_start3A_30 = tpu.memref_slice %arg1[%dma_start3A_21, %dma_start3A_27, %dma_start3A_28, %dma_start3A_29] : memref<1x24x512x128xf32, #tpu.memory_space<vmem>> -> memref<1x1x512x128xf32, #tpu.memory_space<vmem>>
    %dma_start3A_31 = tpu.memref_squeeze %dma_start3A_30 : memref<1x1x512x128xf32, #tpu.memory_space<vmem>> -> memref<1x512x128xf32, #tpu.memory_space<vmem>>
    tpu.enqueue_dma source(%dma_start3A_31 : memref<1x512x128xf32, #tpu.memory_space<vmem>>) target(%dma_start3A_26 : memref<1x512x128xf32, #tpu.memory_space<any>>) target_semaphore(%arg3 : memref<!tpu.dma_semaphore, #tpu.memory_space<semaphore_mem>>)
    %dma_start3A_32 = arith.constant 0 : i32
    %dma_start3A_33 = arith.constant 12 : i32
    %dma_start3A_34 = arith.constant 0 : i32
    %dma_start3A_35 = arith.constant 0 : i32
    %dma_start3A_36 = tpu.memref_slice %arg2[%arg0, %dma_start3A_33, %dma_start3A_34, %dma_start3A_35] : memref<7x108x512x128xf32, #tpu.memory_space<any>> -> memref<1x2x512x128xf32, #tpu.memory_space<any>>
    %dma_start3A_37 = tpu.memref_squeeze %dma_start3A_36 : memref<1x2x512x128xf32, #tpu.memory_space<any>> -> memref<2x512x128xf32, #tpu.memory_space<any>>
    %dma_start3A_38 = arith.constant 6 : i32
    %dma_start3A_39 = arith.constant 0 : i32
    %dma_start3A_40 = arith.constant 0 : i32
    %dma_start3A_41 = tpu.memref_slice %arg1[%dma_start3A_32, %dma_start3A_38, %dma_start3A_39, %dma_start3A_40] : memref<1x24x512x128xf32, #tpu.memory_space<vmem>> -> memref<1x2x512x128xf32, #tpu.memory_space<vmem>>
    %dma_start3A_42 = tpu.memref_squeeze %dma_start3A_41 : memref<1x2x512x128xf32, #tpu.memory_space<vmem>> -> memref<2x512x128xf32, #tpu.memory_space<vmem>>
    tpu.enqueue_dma source(%dma_start3A_42 : memref<2x512x128xf32, #tpu.memory_space<vmem>>) target(%dma_start3A_37 : memref<2x512x128xf32, #tpu.memory_space<any>>) target_semaphore(%arg3 : memref<!tpu.dma_semaphore, #tpu.memory_space<semaphore_mem>>)
    %dma_start3A_43 = arith.constant 0 : i32
    %dma_start3A_44 = arith.constant 14 : i32
    %dma_start3A_45 = arith.constant 0 : i32
    %dma_start3A_46 = arith.constant 0 : i32
    %dma_start3A_47 = tpu.memref_slice %arg2[%arg0, %dma_start3A_44, %dma_start3A_45, %dma_start3A_46] : memref<7x108x512x128xf32, #tpu.memory_space<any>> -> memref<1x1x512x128xf32, #tpu.memory_space<any>>
    %dma_start3A_48 = tpu.memref_squeeze %dma_start3A_47 : memref<1x1x512x128xf32, #tpu.memory_space<any>> -> memref<1x512x128xf32, #tpu.memory_space<any>>
    %dma_start3A_49 = arith.constant 10 : i32
    %dma_start3A_50 = arith.constant 0 : i32
    %dma_start3A_51 = arith.constant 0 : i32
    %dma_start3A_52 = tpu.memref_slice %arg1[%dma_start3A_43, %dma_start3A_49, %dma_start3A_50, %dma_start3A_51] : memref<1x24x512x128xf32, #tpu.memory_space<vmem>> -> memref<1x1x512x128xf32, #tpu.memory_space<vmem>>
    %dma_start3A_53 = tpu.memref_squeeze %dma_start3A_52 : memref<1x1x512x128xf32, #tpu.memory_space<vmem>> -> memref<1x512x128xf32, #tpu.memory_space<vmem>>
    tpu.enqueue_dma source(%dma_start3A_53 : memref<1x512x128xf32, #tpu.memory_space<vmem>>) target(%dma_start3A_48 : memref<1x512x128xf32, #tpu.memory_space<any>>) target_semaphore(%arg3 : memref<!tpu.dma_semaphore, #tpu.memory_space<semaphore_mem>>)
    %dma_start3A_54 = arith.constant 0 : i32
    %dma_start3A_55 = arith.constant 15 : i32
    %dma_start3A_56 = arith.constant 0 : i32
    %dma_start3A_57 = arith.constant 0 : i32
    %dma_start3A_58 = tpu.memref_slice %arg2[%arg0, %dma_start3A_55, %dma_start3A_56, %dma_start3A_57] : memref<7x108x512x128xf32, #tpu.memory_space<any>> -> memref<1x2x512x128xf32, #tpu.memory_space<any>>
    %dma_start3A_59 = tpu.memref_squeeze %dma_start3A_58 : memref<1x2x512x128xf32, #tpu.memory_space<any>> -> memref<2x512x128xf32, #tpu.memory_space<any>>
    %dma_start3A_60 = arith.constant 6 : i32
    %dma_start3A_61 = arith.constant 0 : i32
    %dma_start3A_62 = arith.constant 0 : i32
    %dma_start3A_63 = tpu.memref_slice %arg1[%dma_start3A_54, %dma_start3A_60, %dma_start3A_61, %dma_start3A_62] : memref<1x24x512x128xf32, #tpu.memory_space<vmem>> -> memref<1x2x512x128xf32, #tpu.memory_space<vmem>>
    %dma_start3A_64 = tpu.memref_squeeze %dma_start3A_63 : memref<1x2x512x128xf32, #tpu.memory_space<vmem>> -> memref<2x512x128xf32, #tpu.memory_space<vmem>>
    tpu.enqueue_dma source(%dma_start3A_64 : memref<2x512x128xf32, #tpu.memory_space<vmem>>) target(%dma_start3A_59 : memref<2x512x128xf32, #tpu.memory_space<any>>) target_semaphore(%arg3 : memref<!tpu.dma_semaphore, #tpu.memory_space<semaphore_mem>>)
    %dma_start3A_65 = arith.constant 0 : i32
    %dma_start3A_66 = arith.constant 17 : i32
    %dma_start3A_67 = arith.constant 0 : i32
    %dma_start3A_68 = arith.constant 0 : i32
    %dma_start3A_69 = tpu.memref_slice %arg2[%arg0, %dma_start3A_66, %dma_start3A_67, %dma_start3A_68] : memref<7x108x512x128xf32, #tpu.memory_space<any>> -> memref<1x1x512x128xf32, #tpu.memory_space<any>>
    %dma_start3A_70 = tpu.memref_squeeze %dma_start3A_69 : memref<1x1x512x128xf32, #tpu.memory_space<any>> -> memref<1x512x128xf32, #tpu.memory_space<any>>
    %dma_start3A_71 = arith.constant 11 : i32
    %dma_start3A_72 = arith.constant 0 : i32
    %dma_start3A_73 = arith.constant 0 : i32
    %dma_start3A_74 = tpu.memref_slice %arg1[%dma_start3A_65, %dma_start3A_71, %dma_start3A_72, %dma_start3A_73] : memref<1x24x512x128xf32, #tpu.memory_space<vmem>> -> memref<1x1x512x128xf32, #tpu.memory_space<vmem>>
    %dma_start3A_75 = tpu.memref_squeeze %dma_start3A_74 : memref<1x1x512x128xf32, #tpu.memory_space<vmem>> -> memref<1x512x128xf32, #tpu.memory_space<vmem>>
    tpu.enqueue_dma source(%dma_start3A_75 : memref<1x512x128xf32, #tpu.memory_space<vmem>>) target(%dma_start3A_70 : memref<1x512x128xf32, #tpu.memory_space<any>>) target_semaphore(%arg3 : memref<!tpu.dma_semaphore, #tpu.memory_space<semaphore_mem>>)
    %dma_start3A_76 = arith.constant 0 : i32
    %dma_start3A_77 = arith.constant 18 : i32
    %dma_start3A_78 = arith.constant 0 : i32
    %dma_start3A_79 = arith.constant 0 : i32
    %dma_start3A_80 = tpu.memref_slice %arg2[%arg0, %dma_start3A_77, %dma_start3A_78, %dma_start3A_79] : memref<7x108x512x128xf32, #tpu.memory_space<any>> -> memref<1x2x512x128xf32, #tpu.memory_space<any>>
    %dma_start3A_81 = tpu.memref_squeeze %dma_start3A_80 : memref<1x2x512x128xf32, #tpu.memory_space<any>> -> memref<2x512x128xf32, #tpu.memory_space<any>>
    %dma_start3A_82 = arith.constant 6 : i32
    %dma_start3A_83 = arith.constant 0 : i32
    %dma_start3A_84 = arith.constant 0 : i32
    %dma_start3A_85 = tpu.memref_slice %arg1[%dma_start3A_76, %dma_start3A_82, %dma_start3A_83, %dma_start3A_84] : memref<1x24x512x128xf32, #tpu.memory_space<vmem>> -> memref<1x2x512x128xf32, #tpu.memory_space<vmem>>
    %dma_start3A_86 = tpu.memref_squeeze %dma_start3A_85 : memref<1x2x512x128xf32, #tpu.memory_space<vmem>> -> memref<2x512x128xf32, #tpu.memory_space<vmem>>
    tpu.enqueue_dma source(%dma_start3A_86 : memref<2x512x128xf32, #tpu.memory_space<vmem>>) target(%dma_start3A_81 : memref<2x512x128xf32, #tpu.memory_space<any>>) target_semaphore(%arg3 : memref<!tpu.dma_semaphore, #tpu.memory_space<semaphore_mem>>)
    %dma_start3A_87 = arith.constant 0 : i32
    %dma_start3A_88 = arith.constant 20 : i32
    %dma_start3A_89 = arith.constant 0 : i32
    %dma_start3A_90 = arith.constant 0 : i32
    %dma_start3A_91 = tpu.memref_slice %arg2[%arg0, %dma_start3A_88, %dma_start3A_89, %dma_start3A_90] : memref<7x108x512x128xf32, #tpu.memory_space<any>> -> memref<1x1x512x128xf32, #tpu.memory_space<any>>
    %dma_start3A_92 = tpu.memref_squeeze %dma_start3A_91 : memref<1x1x512x128xf32, #tpu.memory_space<any>> -> memref<1x512x128xf32, #tpu.memory_space<any>>
    %dma_start3A_93 = arith.constant 12 : i32
    %dma_start3A_94 = arith.constant 0 : i32
    %dma_start3A_95 = arith.constant 0 : i32
    %dma_start3A_96 = tpu.memref_slice %arg1[%dma_start3A_87, %dma_start3A_93, %dma_start3A_94, %dma_start3A_95] : memref<1x24x512x128xf32, #tpu.memory_space<vmem>> -> memref<1x1x512x128xf32, #tpu.memory_space<vmem>>
    %dma_start3A_97 = tpu.memref_squeeze %dma_start3A_96 : memref<1x1x512x128xf32, #tpu.memory_space<vmem>> -> memref<1x512x128xf32, #tpu.memory_space<vmem>>
    tpu.enqueue_dma source(%dma_start3A_97 : memref<1x512x128xf32, #tpu.memory_space<vmem>>) target(%dma_start3A_92 : memref<1x512x128xf32, #tpu.memory_space<any>>) target_semaphore(%arg3 : memref<!tpu.dma_semaphore, #tpu.memory_space<semaphore_mem>>)
    %dma_start3A_98 = arith.constant 0 : i32
    %dma_start3A_99 = arith.constant 21 : i32
    %dma_start3A_100 = arith.constant 0 : i32
    %dma_start3A_101 = arith.constant 0 : i32
    %dma_start3A_102 = tpu.memref_slice %arg2[%arg0, %dma_start3A_99, %dma_start3A_100, %dma_start3A_101] : memref<7x108x512x128xf32, #tpu.memory_space<any>> -> memref<1x2x512x128xf32, #tpu.memory_space<any>>
    %dma_start3A_103 = tpu.memref_squeeze %dma_start3A_102 : memref<1x2x512x128xf32, #tpu.memory_space<any>> -> memref<2x512x128xf32, #tpu.memory_space<any>>
    %dma_start3A_104 = arith.constant 6 : i32
    %dma_start3A_105 = arith.constant 0 : i32
    %dma_start3A_106 = arith.constant 0 : i32
    %dma_start3A_107 = tpu.memref_slice %arg1[%dma_start3A_98, %dma_start3A_104, %dma_start3A_105, %dma_start3A_106] : memref<1x24x512x128xf32, #tpu.memory_space<vmem>> -> memref<1x2x512x128xf32, #tpu.memory_space<vmem>>
    %dma_start3A_108 = tpu.memref_squeeze %dma_start3A_107 : memref<1x2x512x128xf32, #tpu.memory_space<vmem>> -> memref<2x512x128xf32, #tpu.memory_space<vmem>>
    tpu.enqueue_dma source(%dma_start3A_108 : memref<2x512x128xf32, #tpu.memory_space<vmem>>) target(%dma_start3A_103 : memref<2x512x128xf32, #tpu.memory_space<any>>) target_semaphore(%arg3 : memref<!tpu.dma_semaphore, #tpu.memory_space<semaphore_mem>>)
    %dma_start3A_109 = arith.constant 0 : i32
    %dma_start3A_110 = arith.constant 23 : i32
    %dma_start3A_111 = arith.constant 0 : i32
    %dma_start3A_112 = arith.constant 0 : i32
    %dma_start3A_113 = tpu.memref_slice %arg2[%arg0, %dma_start3A_110, %dma_start3A_111, %dma_start3A_112] : memref<7x108x512x128xf32, #tpu.memory_space<any>> -> memref<1x1x512x128xf32, #tpu.memory_space<any>>
    %dma_start3A_114 = tpu.memref_squeeze %dma_start3A_113 : memref<1x1x512x128xf32, #tpu.memory_space<any>> -> memref<1x512x128xf32, #tpu.memory_space<any>>
    %dma_start3A_115 = arith.constant 13 : i32
    %dma_start3A_116 = arith.constant 0 : i32
    %dma_start3A_117 = arith.constant 0 : i32
    %dma_start3A_118 = tpu.memref_slice %arg1[%dma_start3A_109, %dma_start3A_115, %dma_start3A_116, %dma_start3A_117] : memref<1x24x512x128xf32, #tpu.memory_space<vmem>> -> memref<1x1x512x128xf32, #tpu.memory_space<vmem>>
    %dma_start3A_119 = tpu.memref_squeeze %dma_start3A_118 : memref<1x1x512x128xf32, #tpu.memory_space<vmem>> -> memref<1x512x128xf32, #tpu.memory_space<vmem>>
    tpu.enqueue_dma source(%dma_start3A_119 : memref<1x512x128xf32, #tpu.memory_space<vmem>>) target(%dma_start3A_114 : memref<1x512x128xf32, #tpu.memory_space<any>>) target_semaphore(%arg3 : memref<!tpu.dma_semaphore, #tpu.memory_space<semaphore_mem>>)
    %dma_start3A_120 = arith.constant 0 : i32
    %dma_start3A_121 = arith.constant 24 : i32
    %dma_start3A_122 = arith.constant 0 : i32
    %dma_start3A_123 = arith.constant 0 : i32
    %dma_start3A_124 = tpu.memref_slice %arg2[%arg0, %dma_start3A_121, %dma_start3A_122, %dma_start3A_123] : memref<7x108x512x128xf32, #tpu.memory_space<any>> -> memref<1x2x512x128xf32, #tpu.memory_space<any>>
    %dma_start3A_125 = tpu.memref_squeeze %dma_start3A_124 : memref<1x2x512x128xf32, #tpu.memory_space<any>> -> memref<2x512x128xf32, #tpu.memory_space<any>>
    %dma_start3A_126 = arith.constant 6 : i32
    %dma_start3A_127 = arith.constant 0 : i32
    %dma_start3A_128 = arith.constant 0 : i32
    %dma_start3A_129 = tpu.memref_slice %arg1[%dma_start3A_120, %dma_start3A_126, %dma_start3A_127, %dma_start3A_128] : memref<1x24x512x128xf32, #tpu.memory_space<vmem>> -> memref<1x2x512x128xf32, #tpu.memory_space<vmem>>
    %dma_start3A_130 = tpu.memref_squeeze %dma_start3A_129 : memref<1x2x512x128xf32, #tpu.memory_space<vmem>> -> memref<2x512x128xf32, #tpu.memory_space<vmem>>
    tpu.enqueue_dma source(%dma_start3A_130 : memref<2x512x128xf32, #tpu.memory_space<vmem>>) target(%dma_start3A_125 : memref<2x512x128xf32, #tpu.memory_space<any>>) target_semaphore(%arg3 : memref<!tpu.dma_semaphore, #tpu.memory_space<semaphore_mem>>)
    %dma_start3A_131 = arith.constant 0 : i32
    %dma_start3A_132 = arith.constant 26 : i32
    %dma_start3A_133 = arith.constant 0 : i32
    %dma_start3A_134 = arith.constant 0 : i32
    %dma_start3A_135 = tpu.memref_slice %arg2[%arg0, %dma_start3A_132, %dma_start3A_133, %dma_start3A_134] : memref<7x108x512x128xf32, #tpu.memory_space<any>> -> memref<1x1x512x128xf32, #tpu.memory_space<any>>
    %dma_start3A_136 = tpu.memref_squeeze %dma_start3A_135 : memref<1x1x512x128xf32, #tpu.memory_space<any>> -> memref<1x512x128xf32, #tpu.memory_space<any>>
    %dma_start3A_137 = arith.constant 14 : i32
    %dma_start3A_138 = arith.constant 0 : i32
    %dma_start3A_139 = arith.constant 0 : i32
    %dma_start3A_140 = tpu.memref_slice %arg1[%dma_start3A_131, %dma_start3A_137, %dma_start3A_138, %dma_start3A_139] : memref<1x24x512x128xf32, #tpu.memory_space<vmem>> -> memref<1x1x512x128xf32, #tpu.memory_space<vmem>>
    %dma_start3A_141 = tpu.memref_squeeze %dma_start3A_140 : memref<1x1x512x128xf32, #tpu.memory_space<vmem>> -> memref<1x512x128xf32, #tpu.memory_space<vmem>>
    tpu.enqueue_dma source(%dma_start3A_141 : memref<1x512x128xf32, #tpu.memory_space<vmem>>) target(%dma_start3A_136 : memref<1x512x128xf32, #tpu.memory_space<any>>) target_semaphore(%arg3 : memref<!tpu.dma_semaphore, #tpu.memory_space<semaphore_mem>>)
    %dma_start3A_142 = arith.constant 0 : i32
    %dma_start3A_143 = arith.constant 27 : i32
    %dma_start3A_144 = arith.constant 0 : i32
    %dma_start3A_145 = arith.constant 0 : i32
    %dma_start3A_146 = tpu.memref_slice %arg2[%arg0, %dma_start3A_143, %dma_start3A_144, %dma_start3A_145] : memref<7x108x512x128xf32, #tpu.memory_space<any>> -> memref<1x2x512x128xf32, #tpu.memory_space<any>>
    %dma_start3A_147 = tpu.memref_squeeze %dma_start3A_146 : memref<1x2x512x128xf32, #tpu.memory_space<any>> -> memref<2x512x128xf32, #tpu.memory_space<any>>
    %dma_start3A_148 = arith.constant 6 : i32
    %dma_start3A_149 = arith.constant 0 : i32
    %dma_start3A_150 = arith.constant 0 : i32
    %dma_start3A_151 = tpu.memref_slice %arg1[%dma_start3A_142, %dma_start3A_148, %dma_start3A_149, %dma_start3A_150] : memref<1x24x512x128xf32, #tpu.memory_space<vmem>> -> memref<1x2x512x128xf32, #tpu.memory_space<vmem>>
    %dma_start3A_152 = tpu.memref_squeeze %dma_start3A_151 : memref<1x2x512x128xf32, #tpu.memory_space<vmem>> -> memref<2x512x128xf32, #tpu.memory_space<vmem>>
    tpu.enqueue_dma source(%dma_start3A_152 : memref<2x512x128xf32, #tpu.memory_space<vmem>>) target(%dma_start3A_147 : memref<2x512x128xf32, #tpu.memory_space<any>>) target_semaphore(%arg3 : memref<!tpu.dma_semaphore, #tpu.memory_space<semaphore_mem>>)
    %dma_start3A_153 = arith.constant 0 : i32
    %dma_start3A_154 = arith.constant 29 : i32
    %dma_start3A_155 = arith.constant 0 : i32
    %dma_start3A_156 = arith.constant 0 : i32
    %dma_start3A_157 = tpu.memref_slice %arg2[%arg0, %dma_start3A_154, %dma_start3A_155, %dma_start3A_156] : memref<7x108x512x128xf32, #tpu.memory_space<any>> -> memref<1x1x512x128xf32, #tpu.memory_space<any>>
    %dma_start3A_158 = tpu.memref_squeeze %dma_start3A_157 : memref<1x1x512x128xf32, #tpu.memory_space<any>> -> memref<1x512x128xf32, #tpu.memory_space<any>>
    %dma_start3A_159 = arith.constant 15 : i32
    %dma_start3A_160 = arith.constant 0 : i32
    %dma_start3A_161 = arith.constant 0 : i32
    %dma_start3A_162 = tpu.memref_slice %arg1[%dma_start3A_153, %dma_start3A_159, %dma_start3A_160, %dma_start3A_161] : memref<1x24x512x128xf32, #tpu.memory_space<vmem>> -> memref<1x1x512x128xf32, #tpu.memory_space<vmem>>
    %dma_start3A_163 = tpu.memref_squeeze %dma_start3A_162 : memref<1x1x512x128xf32, #tpu.memory_space<vmem>> -> memref<1x512x128xf32, #tpu.memory_space<vmem>>
    tpu.enqueue_dma source(%dma_start3A_163 : memref<1x512x128xf32, #tpu.memory_space<vmem>>) target(%dma_start3A_158 : memref<1x512x128xf32, #tpu.memory_space<any>>) target_semaphore(%arg3 : memref<!tpu.dma_semaphore, #tpu.memory_space<semaphore_mem>>)
    %dma_start3A_164 = arith.constant 0 : i32
    %dma_start3A_165 = arith.constant 30 : i32
    %dma_start3A_166 = arith.constant 0 : i32
    %dma_start3A_167 = arith.constant 0 : i32
    %dma_start3A_168 = tpu.memref_slice %arg2[%arg0, %dma_start3A_165, %dma_start3A_166, %dma_start3A_167] : memref<7x108x512x128xf32, #tpu.memory_space<any>> -> memref<1x2x512x128xf32, #tpu.memory_space<any>>
    %dma_start3A_169 = tpu.memref_squeeze %dma_start3A_168 : memref<1x2x512x128xf32, #tpu.memory_space<any>> -> memref<2x512x128xf32, #tpu.memory_space<any>>
    %dma_start3A_170 = arith.constant 6 : i32
    %dma_start3A_171 = arith.constant 0 : i32
    %dma_start3A_172 = arith.constant 0 : i32
    %dma_start3A_173 = tpu.memref_slice %arg1[%dma_start3A_164, %dma_start3A_170, %dma_start3A_171, %dma_start3A_172] : memref<1x24x512x128xf32, #tpu.memory_space<vmem>> -> memref<1x2x512x128xf32, #tpu.memory_space<vmem>>
    %dma_start3A_174 = tpu.memref_squeeze %dma_start3A_173 : memref<1x2x512x128xf32, #tpu.memory_space<vmem>> -> memref<2x512x128xf32, #tpu.memory_space<vmem>>
    tpu.enqueue_dma source(%dma_start3A_174 : memref<2x512x128xf32, #tpu.memory_space<vmem>>) target(%dma_start3A_169 : memref<2x512x128xf32, #tpu.memory_space<any>>) target_semaphore(%arg3 : memref<!tpu.dma_semaphore, #tpu.memory_space<semaphore_mem>>)
    %dma_start3A_175 = arith.constant 0 : i32
    %dma_start3A_176 = arith.constant 32 : i32
    %dma_start3A_177 = arith.constant 0 : i32
    %dma_start3A_178 = arith.constant 0 : i32
    %dma_start3A_179 = tpu.memref_slice %arg2[%arg0, %dma_start3A_176, %dma_start3A_177, %dma_start3A_178] : memref<7x108x512x128xf32, #tpu.memory_space<any>> -> memref<1x1x512x128xf32, #tpu.memory_space<any>>
    %dma_start3A_180 = tpu.memref_squeeze %dma_start3A_179 : memref<1x1x512x128xf32, #tpu.memory_space<any>> -> memref<1x512x128xf32, #tpu.memory_space<any>>
    %dma_start3A_181 = arith.constant 16 : i32
    %dma_start3A_182 = arith.constant 0 : i32
    %dma_start3A_183 = arith.constant 0 : i32
    %dma_start3A_184 = tpu.memref_slice %arg1[%dma_start3A_175, %dma_start3A_181, %dma_start3A_182, %dma_start3A_183] : memref<1x24x512x128xf32, #tpu.memory_space<vmem>> -> memref<1x1x512x128xf32, #tpu.memory_space<vmem>>
    %dma_start3A_185 = tpu.memref_squeeze %dma_start3A_184 : memref<1x1x512x128xf32, #tpu.memory_space<vmem>> -> memref<1x512x128xf32, #tpu.memory_space<vmem>>
    tpu.enqueue_dma source(%dma_start3A_185 : memref<1x512x128xf32, #tpu.memory_space<vmem>>) target(%dma_start3A_180 : memref<1x512x128xf32, #tpu.memory_space<any>>) target_semaphore(%arg3 : memref<!tpu.dma_semaphore, #tpu.memory_space<semaphore_mem>>)
    %dma_start3A_186 = arith.constant 0 : i32
    %dma_start3A_187 = arith.constant 33 : i32
    %dma_start3A_188 = arith.constant 0 : i32
    %dma_start3A_189 = arith.constant 0 : i32
    %dma_start3A_190 = tpu.memref_slice %arg2[%arg0, %dma_start3A_187, %dma_start3A_188, %dma_start3A_189] : memref<7x108x512x128xf32, #tpu.memory_space<any>> -> memref<1x2x512x128xf32, #tpu.memory_space<any>>
    %dma_start3A_191 = tpu.memref_squeeze %dma_start3A_190 : memref<1x2x512x128xf32, #tpu.memory_space<any>> -> memref<2x512x128xf32, #tpu.memory_space<any>>
    %dma_start3A_192 = arith.constant 6 : i32
    %dma_start3A_193 = arith.constant 0 : i32
    %dma_start3A_194 = arith.constant 0 : i32
    %dma_start3A_195 = tpu.memref_slice %arg1[%dma_start3A_186, %dma_start3A_192, %dma_start3A_193, %dma_start3A_194] : memref<1x24x512x128xf32, #tpu.memory_space<vmem>> -> memref<1x2x512x128xf32, #tpu.memory_space<vmem>>
    %dma_start3A_196 = tpu.memref_squeeze %dma_start3A_195 : memref<1x2x512x128xf32, #tpu.memory_space<vmem>> -> memref<2x512x128xf32, #tpu.memory_space<vmem>>
    tpu.enqueue_dma source(%dma_start3A_196 : memref<2x512x128xf32, #tpu.memory_space<vmem>>) target(%dma_start3A_191 : memref<2x512x128xf32, #tpu.memory_space<any>>) target_semaphore(%arg3 : memref<!tpu.dma_semaphore, #tpu.memory_space<semaphore_mem>>)
    %dma_start3A_197 = arith.constant 0 : i32
    %dma_start3A_198 = arith.constant 35 : i32
    %dma_start3A_199 = arith.constant 0 : i32
    %dma_start3A_200 = arith.constant 0 : i32
    %dma_start3A_201 = tpu.memref_slice %arg2[%arg0, %dma_start3A_198, %dma_start3A_199, %dma_start3A_200] : memref<7x108x512x128xf32, #tpu.memory_space<any>> -> memref<1x1x512x128xf32, #tpu.memory_space<any>>
    %dma_start3A_202 = tpu.memref_squeeze %dma_start3A_201 : memref<1x1x512x128xf32, #tpu.memory_space<any>> -> memref<1x512x128xf32, #tpu.memory_space<any>>
    %dma_start3A_203 = arith.constant 17 : i32
    %dma_start3A_204 = arith.constant 0 : i32
    %dma_start3A_205 = arith.constant 0 : i32
    %dma_start3A_206 = tpu.memref_slice %arg1[%dma_start3A_197, %dma_start3A_203, %dma_start3A_204, %dma_start3A_205] : memref<1x24x512x128xf32, #tpu.memory_space<vmem>> -> memref<1x1x512x128xf32, #tpu.memory_space<vmem>>
    %dma_start3A_207 = tpu.memref_squeeze %dma_start3A_206 : memref<1x1x512x128xf32, #tpu.memory_space<vmem>> -> memref<1x512x128xf32, #tpu.memory_space<vmem>>
    tpu.enqueue_dma source(%dma_start3A_207 : memref<1x512x128xf32, #tpu.memory_space<vmem>>) target(%dma_start3A_202 : memref<1x512x128xf32, #tpu.memory_space<any>>) target_semaphore(%arg3 : memref<!tpu.dma_semaphore, #tpu.memory_space<semaphore_mem>>)
    %dma_start3A_208 = arith.constant 0 : i32
    %dma_start3A_209 = arith.constant 36 : i32
    %dma_start3A_210 = arith.constant 0 : i32
    %dma_start3A_211 = arith.constant 0 : i32
    %dma_start3A_212 = tpu.memref_slice %arg2[%arg0, %dma_start3A_209, %dma_start3A_210, %dma_start3A_211] : memref<7x108x512x128xf32, #tpu.memory_space<any>> -> memref<1x2x512x128xf32, #tpu.memory_space<any>>
    %dma_start3A_213 = tpu.memref_squeeze %dma_start3A_212 : memref<1x2x512x128xf32, #tpu.memory_space<any>> -> memref<2x512x128xf32, #tpu.memory_space<any>>
    %dma_start3A_214 = arith.constant 6 : i32
    %dma_start3A_215 = arith.constant 0 : i32
    %dma_start3A_216 = arith.constant 0 : i32
    %dma_start3A_217 = tpu.memref_slice %arg1[%dma_start3A_208, %dma_start3A_214, %dma_start3A_215, %dma_start3A_216] : memref<1x24x512x128xf32, #tpu.memory_space<vmem>> -> memref<1x2x512x128xf32, #tpu.memory_space<vmem>>
    %dma_start3A_218 = tpu.memref_squeeze %dma_start3A_217 : memref<1x2x512x128xf32, #tpu.memory_space<vmem>> -> memref<2x512x128xf32, #tpu.memory_space<vmem>>
    tpu.enqueue_dma source(%dma_start3A_218 : memref<2x512x128xf32, #tpu.memory_space<vmem>>) target(%dma_start3A_213 : memref<2x512x128xf32, #tpu.memory_space<any>>) target_semaphore(%arg3 : memref<!tpu.dma_semaphore, #tpu.memory_space<semaphore_mem>>)
    %dma_start3A_219 = arith.constant 0 : i32
    %dma_start3A_220 = arith.constant 38 : i32
    %dma_start3A_221 = arith.constant 0 : i32
    %dma_start3A_222 = arith.constant 0 : i32
    %dma_start3A_223 = tpu.memref_slice %arg2[%arg0, %dma_start3A_220, %dma_start3A_221, %dma_start3A_222] : memref<7x108x512x128xf32, #tpu.memory_space<any>> -> memref<1x1x512x128xf32, #tpu.memory_space<any>>
    %dma_start3A_224 = tpu.memref_squeeze %dma_start3A_223 : memref<1x1x512x128xf32, #tpu.memory_space<any>> -> memref<1x512x128xf32, #tpu.memory_space<any>>
    %dma_start3A_225 = arith.constant 18 : i32
    %dma_start3A_226 = arith.constant 0 : i32
    %dma_start3A_227 = arith.constant 0 : i32
    %dma_start3A_228 = tpu.memref_slice %arg1[%dma_start3A_219, %dma_start3A_225, %dma_start3A_226, %dma_start3A_227] : memref<1x24x512x128xf32, #tpu.memory_space<vmem>> -> memref<1x1x512x128xf32, #tpu.memory_space<vmem>>
    %dma_start3A_229 = tpu.memref_squeeze %dma_start3A_228 : memref<1x1x512x128xf32, #tpu.memory_space<vmem>> -> memref<1x512x128xf32, #tpu.memory_space<vmem>>
    tpu.enqueue_dma source(%dma_start3A_229 : memref<1x512x128xf32, #tpu.memory_space<vmem>>) target(%dma_start3A_224 : memref<1x512x128xf32, #tpu.memory_space<any>>) target_semaphore(%arg3 : memref<!tpu.dma_semaphore, #tpu.memory_space<semaphore_mem>>)
    %dma_start3A_230 = arith.constant 0 : i32
    %dma_start3A_231 = arith.constant 39 : i32
    %dma_start3A_232 = arith.constant 0 : i32
    %dma_start3A_233 = arith.constant 0 : i32
    %dma_start3A_234 = tpu.memref_slice %arg2[%arg0, %dma_start3A_231, %dma_start3A_232, %dma_start3A_233] : memref<7x108x512x128xf32, #tpu.memory_space<any>> -> memref<1x2x512x128xf32, #tpu.memory_space<any>>
    %dma_start3A_235 = tpu.memref_squeeze %dma_start3A_234 : memref<1x2x512x128xf32, #tpu.memory_space<any>> -> memref<2x512x128xf32, #tpu.memory_space<any>>
    %dma_start3A_236 = arith.constant 6 : i32
    %dma_start3A_237 = arith.constant 0 : i32
    %dma_start3A_238 = arith.constant 0 : i32
    %dma_start3A_239 = tpu.memref_slice %arg1[%dma_start3A_230, %dma_start3A_236, %dma_start3A_237, %dma_start3A_238] : memref<1x24x512x128xf32, #tpu.memory_space<vmem>> -> memref<1x2x512x128xf32, #tpu.memory_space<vmem>>
    %dma_start3A_240 = tpu.memref_squeeze %dma_start3A_239 : memref<1x2x512x128xf32, #tpu.memory_space<vmem>> -> memref<2x512x128xf32, #tpu.memory_space<vmem>>
    tpu.enqueue_dma source(%dma_start3A_240 : memref<2x512x128xf32, #tpu.memory_space<vmem>>) target(%dma_start3A_235 : memref<2x512x128xf32, #tpu.memory_space<any>>) target_semaphore(%arg3 : memref<!tpu.dma_semaphore, #tpu.memory_space<semaphore_mem>>)
    %dma_start3A_241 = arith.constant 0 : i32
    %dma_start3A_242 = arith.constant 41 : i32
    %dma_start3A_243 = arith.constant 0 : i32
    %dma_start3A_244 = arith.constant 0 : i32
    %dma_start3A_245 = tpu.memref_slice %arg2[%arg0, %dma_start3A_242, %dma_start3A_243, %dma_start3A_244] : memref<7x108x512x128xf32, #tpu.memory_space<any>> -> memref<1x1x512x128xf32, #tpu.memory_space<any>>
    %dma_start3A_246 = tpu.memref_squeeze %dma_start3A_245 : memref<1x1x512x128xf32, #tpu.memory_space<any>> -> memref<1x512x128xf32, #tpu.memory_space<any>>
    %dma_start3A_247 = arith.constant 19 : i32
    %dma_start3A_248 = arith.constant 0 : i32
    %dma_start3A_249 = arith.constant 0 : i32
    %dma_start3A_250 = tpu.memref_slice %arg1[%dma_start3A_241, %dma_start3A_247, %dma_start3A_248, %dma_start3A_249] : memref<1x24x512x128xf32, #tpu.memory_space<vmem>> -> memref<1x1x512x128xf32, #tpu.memory_space<vmem>>
    %dma_start3A_251 = tpu.memref_squeeze %dma_start3A_250 : memref<1x1x512x128xf32, #tpu.memory_space<vmem>> -> memref<1x512x128xf32, #tpu.memory_space<vmem>>
    tpu.enqueue_dma source(%dma_start3A_251 : memref<1x512x128xf32, #tpu.memory_space<vmem>>) target(%dma_start3A_246 : memref<1x512x128xf32, #tpu.memory_space<any>>) target_semaphore(%arg3 : memref<!tpu.dma_semaphore, #tpu.memory_space<semaphore_mem>>)
    %dma_start3A_252 = arith.constant 0 : i32
    %dma_start3A_253 = arith.constant 42 : i32
    %dma_start3A_254 = arith.constant 0 : i32
    %dma_start3A_255 = arith.constant 0 : i32
    %dma_start3A_256 = tpu.memref_slice %arg2[%arg0, %dma_start3A_253, %dma_start3A_254, %dma_start3A_255] : memref<7x108x512x128xf32, #tpu.memory_space<any>> -> memref<1x2x512x128xf32, #tpu.memory_space<any>>
    %dma_start3A_257 = tpu.memref_squeeze %dma_start3A_256 : memref<1x2x512x128xf32, #tpu.memory_space<any>> -> memref<2x512x128xf32, #tpu.memory_space<any>>
    %dma_start3A_258 = arith.constant 6 : i32
    %dma_start3A_259 = arith.constant 0 : i32
    %dma_start3A_260 = arith.constant 0 : i32
    %dma_start3A_261 = tpu.memref_slice %arg1[%dma_start3A_252, %dma_start3A_258, %dma_start3A_259, %dma_start3A_260] : memref<1x24x512x128xf32, #tpu.memory_space<vmem>> -> memref<1x2x512x128xf32, #tpu.memory_space<vmem>>
    %dma_start3A_262 = tpu.memref_squeeze %dma_start3A_261 : memref<1x2x512x128xf32, #tpu.memory_space<vmem>> -> memref<2x512x128xf32, #tpu.memory_space<vmem>>
    tpu.enqueue_dma source(%dma_start3A_262 : memref<2x512x128xf32, #tpu.memory_space<vmem>>) target(%dma_start3A_257 : memref<2x512x128xf32, #tpu.memory_space<any>>) target_semaphore(%arg3 : memref<!tpu.dma_semaphore, #tpu.memory_space<semaphore_mem>>)
    %dma_start3A_263 = arith.constant 0 : i32
    %dma_start3A_264 = arith.constant 44 : i32
    %dma_start3A_265 = arith.constant 0 : i32
    %dma_start3A_266 = arith.constant 0 : i32
    %dma_start3A_267 = tpu.memref_slice %arg2[%arg0, %dma_start3A_264, %dma_start3A_265, %dma_start3A_266] : memref<7x108x512x128xf32, #tpu.memory_space<any>> -> memref<1x1x512x128xf32, #tpu.memory_space<any>>
    %dma_start3A_268 = tpu.memref_squeeze %dma_start3A_267 : memref<1x1x512x128xf32, #tpu.memory_space<any>> -> memref<1x512x128xf32, #tpu.memory_space<any>>
    %dma_start3A_269 = arith.constant 20 : i32
    %dma_start3A_270 = arith.constant 0 : i32
    %dma_start3A_271 = arith.constant 0 : i32
    %dma_start3A_272 = tpu.memref_slice %arg1[%dma_start3A_263, %dma_start3A_269, %dma_start3A_270, %dma_start3A_271] : memref<1x24x512x128xf32, #tpu.memory_space<vmem>> -> memref<1x1x512x128xf32, #tpu.memory_space<vmem>>
    %dma_start3A_273 = tpu.memref_squeeze %dma_start3A_272 : memref<1x1x512x128xf32, #tpu.memory_space<vmem>> -> memref<1x512x128xf32, #tpu.memory_space<vmem>>
    tpu.enqueue_dma source(%dma_start3A_273 : memref<1x512x128xf32, #tpu.memory_space<vmem>>) target(%dma_start3A_268 : memref<1x512x128xf32, #tpu.memory_space<any>>) target_semaphore(%arg3 : memref<!tpu.dma_semaphore, #tpu.memory_space<semaphore_mem>>)
    %dma_start3A_274 = arith.constant 0 : i32
    %dma_start3A_275 = arith.constant 45 : i32
    %dma_start3A_276 = arith.constant 0 : i32
    %dma_start3A_277 = arith.constant 0 : i32
    %dma_start3A_278 = tpu.memref_slice %arg2[%arg0, %dma_start3A_275, %dma_start3A_276, %dma_start3A_277] : memref<7x108x512x128xf32, #tpu.memory_space<any>> -> memref<1x2x512x128xf32, #tpu.memory_space<any>>
    %dma_start3A_279 = tpu.memref_squeeze %dma_start3A_278 : memref<1x2x512x128xf32, #tpu.memory_space<any>> -> memref<2x512x128xf32, #tpu.memory_space<any>>
    %dma_start3A_280 = arith.constant 6 : i32
    %dma_start3A_281 = arith.constant 0 : i32
    %dma_start3A_282 = arith.constant 0 : i32
    %dma_start3A_283 = tpu.memref_slice %arg1[%dma_start3A_274, %dma_start3A_280, %dma_start3A_281, %dma_start3A_282] : memref<1x24x512x128xf32, #tpu.memory_space<vmem>> -> memref<1x2x512x128xf32, #tpu.memory_space<vmem>>
    %dma_start3A_284 = tpu.memref_squeeze %dma_start3A_283 : memref<1x2x512x128xf32, #tpu.memory_space<vmem>> -> memref<2x512x128xf32, #tpu.memory_space<vmem>>
    tpu.enqueue_dma source(%dma_start3A_284 : memref<2x512x128xf32, #tpu.memory_space<vmem>>) target(%dma_start3A_279 : memref<2x512x128xf32, #tpu.memory_space<any>>) target_semaphore(%arg3 : memref<!tpu.dma_semaphore, #tpu.memory_space<semaphore_mem>>)
    %dma_start3A_285 = arith.constant 0 : i32
    %dma_start3A_286 = arith.constant 47 : i32
    %dma_start3A_287 = arith.constant 0 : i32
    %dma_start3A_288 = arith.constant 0 : i32
    %dma_start3A_289 = tpu.memref_slice %arg2[%arg0, %dma_start3A_286, %dma_start3A_287, %dma_start3A_288] : memref<7x108x512x128xf32, #tpu.memory_space<any>> -> memref<1x1x512x128xf32, #tpu.memory_space<any>>
    %dma_start3A_290 = tpu.memref_squeeze %dma_start3A_289 : memref<1x1x512x128xf32, #tpu.memory_space<any>> -> memref<1x512x128xf32, #tpu.memory_space<any>>
    %dma_start3A_291 = arith.constant 21 : i32
    %dma_start3A_292 = arith.constant 0 : i32
    %dma_start3A_293 = arith.constant 0 : i32
    %dma_start3A_294 = tpu.memref_slice %arg1[%dma_start3A_285, %dma_start3A_291, %dma_start3A_292, %dma_start3A_293] : memref<1x24x512x128xf32, #tpu.memory_space<vmem>> -> memref<1x1x512x128xf32, #tpu.memory_space<vmem>>
    %dma_start3A_295 = tpu.memref_squeeze %dma_start3A_294 : memref<1x1x512x128xf32, #tpu.memory_space<vmem>> -> memref<1x512x128xf32, #tpu.memory_space<vmem>>
    tpu.enqueue_dma source(%dma_start3A_295 : memref<1x512x128xf32, #tpu.memory_space<vmem>>) target(%dma_start3A_290 : memref<1x512x128xf32, #tpu.memory_space<any>>) target_semaphore(%arg3 : memref<!tpu.dma_semaphore, #tpu.memory_space<semaphore_mem>>)
    %dma_start3A_296 = arith.constant 0 : i32
    %dma_start3A_297 = arith.constant 48 : i32
    %dma_start3A_298 = arith.constant 0 : i32
    %dma_start3A_299 = arith.constant 0 : i32
    %dma_start3A_300 = tpu.memref_slice %arg2[%arg0, %dma_start3A_297, %dma_start3A_298, %dma_start3A_299] : memref<7x108x512x128xf32, #tpu.memory_space<any>> -> memref<1x2x512x128xf32, #tpu.memory_space<any>>
    %dma_start3A_301 = tpu.memref_squeeze %dma_start3A_300 : memref<1x2x512x128xf32, #tpu.memory_space<any>> -> memref<2x512x128xf32, #tpu.memory_space<any>>
    %dma_start3A_302 = arith.constant 6 : i32
    %dma_start3A_303 = arith.constant 0 : i32
    %dma_start3A_304 = arith.constant 0 : i32
    %dma_start3A_305 = tpu.memref_slice %arg1[%dma_start3A_296, %dma_start3A_302, %dma_start3A_303, %dma_start3A_304] : memref<1x24x512x128xf32, #tpu.memory_space<vmem>> -> memref<1x2x512x128xf32, #tpu.memory_space<vmem>>
    %dma_start3A_306 = tpu.memref_squeeze %dma_start3A_305 : memref<1x2x512x128xf32, #tpu.memory_space<vmem>> -> memref<2x512x128xf32, #tpu.memory_space<vmem>>
    tpu.enqueue_dma source(%dma_start3A_306 : memref<2x512x128xf32, #tpu.memory_space<vmem>>) target(%dma_start3A_301 : memref<2x512x128xf32, #tpu.memory_space<any>>) target_semaphore(%arg3 : memref<!tpu.dma_semaphore, #tpu.memory_space<semaphore_mem>>)
    %dma_start3A_307 = arith.constant 0 : i32
    %dma_start3A_308 = arith.constant 50 : i32
    %dma_start3A_309 = arith.constant 0 : i32
    %dma_start3A_310 = arith.constant 0 : i32
    %dma_start3A_311 = tpu.memref_slice %arg2[%arg0, %dma_start3A_308, %dma_start3A_309, %dma_start3A_310] : memref<7x108x512x128xf32, #tpu.memory_space<any>> -> memref<1x1x512x128xf32, #tpu.memory_space<any>>
    %dma_start3A_312 = tpu.memref_squeeze %dma_start3A_311 : memref<1x1x512x128xf32, #tpu.memory_space<any>> -> memref<1x512x128xf32, #tpu.memory_space<any>>
    %dma_start3A_313 = arith.constant 22 : i32
    %dma_start3A_314 = arith.constant 0 : i32
    %dma_start3A_315 = arith.constant 0 : i32
    %dma_start3A_316 = tpu.memref_slice %arg1[%dma_start3A_307, %dma_start3A_313, %dma_start3A_314, %dma_start3A_315] : memref<1x24x512x128xf32, #tpu.memory_space<vmem>> -> memref<1x1x512x128xf32, #tpu.memory_space<vmem>>
    %dma_start3A_317 = tpu.memref_squeeze %dma_start3A_316 : memref<1x1x512x128xf32, #tpu.memory_space<vmem>> -> memref<1x512x128xf32, #tpu.memory_space<vmem>>
    tpu.enqueue_dma source(%dma_start3A_317 : memref<1x512x128xf32, #tpu.memory_space<vmem>>) target(%dma_start3A_312 : memref<1x512x128xf32, #tpu.memory_space<any>>) target_semaphore(%arg3 : memref<!tpu.dma_semaphore, #tpu.memory_space<semaphore_mem>>)
    %dma_start3A_318 = arith.constant 0 : i32
    %dma_start3A_319 = arith.constant 51 : i32
    %dma_start3A_320 = arith.constant 0 : i32
    %dma_start3A_321 = arith.constant 0 : i32
    %dma_start3A_322 = tpu.memref_slice %arg2[%arg0, %dma_start3A_319, %dma_start3A_320, %dma_start3A_321] : memref<7x108x512x128xf32, #tpu.memory_space<any>> -> memref<1x2x512x128xf32, #tpu.memory_space<any>>
    %dma_start3A_323 = tpu.memref_squeeze %dma_start3A_322 : memref<1x2x512x128xf32, #tpu.memory_space<any>> -> memref<2x512x128xf32, #tpu.memory_space<any>>
    %dma_start3A_324 = arith.constant 6 : i32
    %dma_start3A_325 = arith.constant 0 : i32
    %dma_start3A_326 = arith.constant 0 : i32
    %dma_start3A_327 = tpu.memref_slice %arg1[%dma_start3A_318, %dma_start3A_324, %dma_start3A_325, %dma_start3A_326] : memref<1x24x512x128xf32, #tpu.memory_space<vmem>> -> memref<1x2x512x128xf32, #tpu.memory_space<vmem>>
    %dma_start3A_328 = tpu.memref_squeeze %dma_start3A_327 : memref<1x2x512x128xf32, #tpu.memory_space<vmem>> -> memref<2x512x128xf32, #tpu.memory_space<vmem>>
    tpu.enqueue_dma source(%dma_start3A_328 : memref<2x512x128xf32, #tpu.memory_space<vmem>>) target(%dma_start3A_323 : memref<2x512x128xf32, #tpu.memory_space<any>>) target_semaphore(%arg3 : memref<!tpu.dma_semaphore, #tpu.memory_space<semaphore_mem>>)
    %dma_start3A_329 = arith.constant 0 : i32
    %dma_start3A_330 = arith.constant 53 : i32
    %dma_start3A_331 = arith.constant 0 : i32
    %dma_start3A_332 = arith.constant 0 : i32
    %dma_start3A_333 = tpu.memref_slice %arg2[%arg0, %dma_start3A_330, %dma_start3A_331, %dma_start3A_332] : memref<7x108x512x128xf32, #tpu.memory_space<any>> -> memref<1x1x512x128xf32, #tpu.memory_space<any>>
    %dma_start3A_334 = tpu.memref_squeeze %dma_start3A_333 : memref<1x1x512x128xf32, #tpu.memory_space<any>> -> memref<1x512x128xf32, #tpu.memory_space<any>>
    %dma_start3A_335 = arith.constant 23 : i32
    %dma_start3A_336 = arith.constant 0 : i32
    %dma_start3A_337 = arith.constant 0 : i32
    %dma_start3A_338 = tpu.memref_slice %arg1[%dma_start3A_329, %dma_start3A_335, %dma_start3A_336, %dma_start3A_337] : memref<1x24x512x128xf32, #tpu.memory_space<vmem>> -> memref<1x1x512x128xf32, #tpu.memory_space<vmem>>
    %dma_start3A_339 = tpu.memref_squeeze %dma_start3A_338 : memref<1x1x512x128xf32, #tpu.memory_space<vmem>> -> memref<1x512x128xf32, #tpu.memory_space<vmem>>
    tpu.enqueue_dma source(%dma_start3A_339 : memref<1x512x128xf32, #tpu.memory_space<vmem>>) target(%dma_start3A_334 : memref<1x512x128xf32, #tpu.memory_space<any>>) target_semaphore(%arg3 : memref<!tpu.dma_semaphore, #tpu.memory_space<semaphore_mem>>)
    %dma_start3A_340 = arith.constant 0 : i32
    %dma_start3A_341 = arith.constant 54 : i32
    %dma_start3A_342 = arith.constant 0 : i32
    %dma_start3A_343 = arith.constant 0 : i32
    %dma_start3A_344 = tpu.memref_slice %arg2[%arg0, %dma_start3A_341, %dma_start3A_342, %dma_start3A_343] : memref<7x108x512x128xf32, #tpu.memory_space<any>> -> memref<1x1x512x128xf32, #tpu.memory_space<any>>
    %dma_start3A_345 = tpu.memref_squeeze %dma_start3A_344 : memref<1x1x512x128xf32, #tpu.memory_space<any>> -> memref<1x512x128xf32, #tpu.memory_space<any>>
    %dma_start3A_346 = arith.constant 0 : i32
    %dma_start3A_347 = arith.constant 0 : i32
    %dma_start3A_348 = arith.constant 0 : i32
    %dma_start3A_349 = tpu.memref_slice %arg1[%dma_start3A_340, %dma_start3A_346, %dma_start3A_347, %dma_start3A_348] : memref<1x24x512x128xf32, #tpu.memory_space<vmem>> -> memref<1x1x512x128xf32, #tpu.memory_space<vmem>>
    %dma_start3A_350 = tpu.memref_squeeze %dma_start3A_349 : memref<1x1x512x128xf32, #tpu.memory_space<vmem>> -> memref<1x512x128xf32, #tpu.memory_space<vmem>>
    tpu.enqueue_dma source(%dma_start3A_350 : memref<1x512x128xf32, #tpu.memory_space<vmem>>) target(%dma_start3A_345 : memref<1x512x128xf32, #tpu.memory_space<any>>) target_semaphore(%arg3 : memref<!tpu.dma_semaphore, #tpu.memory_space<semaphore_mem>>)
    %dma_start3A_351 = arith.constant 0 : i32
    %dma_start3A_352 = arith.constant 55 : i32
    %dma_start3A_353 = arith.constant 0 : i32
    %dma_start3A_354 = arith.constant 0 : i32
    %dma_start3A_355 = tpu.memref_slice %arg2[%arg0, %dma_start3A_352, %dma_start3A_353, %dma_start3A_354] : memref<7x108x512x128xf32, #tpu.memory_space<any>> -> memref<1x1x512x128xf32, #tpu.memory_space<any>>
    %dma_start3A_356 = tpu.memref_squeeze %dma_start3A_355 : memref<1x1x512x128xf32, #tpu.memory_space<any>> -> memref<1x512x128xf32, #tpu.memory_space<any>>
    %dma_start3A_357 = arith.constant 3 : i32
    %dma_start3A_358 = arith.constant 0 : i32
    %dma_start3A_359 = arith.constant 0 : i32
    %dma_start3A_360 = tpu.memref_slice %arg1[%dma_start3A_351, %dma_start3A_357, %dma_start3A_358, %dma_start3A_359] : memref<1x24x512x128xf32, #tpu.memory_space<vmem>> -> memref<1x1x512x128xf32, #tpu.memory_space<vmem>>
    %dma_start3A_361 = tpu.memref_squeeze %dma_start3A_360 : memref<1x1x512x128xf32, #tpu.memory_space<vmem>> -> memref<1x512x128xf32, #tpu.memory_space<vmem>>
    tpu.enqueue_dma source(%dma_start3A_361 : memref<1x512x128xf32, #tpu.memory_space<vmem>>) target(%dma_start3A_356 : memref<1x512x128xf32, #tpu.memory_space<any>>) target_semaphore(%arg3 : memref<!tpu.dma_semaphore, #tpu.memory_space<semaphore_mem>>)
    %dma_start3A_362 = arith.constant 0 : i32
    %dma_start3A_363 = arith.constant 56 : i32
    %dma_start3A_364 = arith.constant 0 : i32
    %dma_start3A_365 = arith.constant 0 : i32
    %dma_start3A_366 = tpu.memref_slice %arg2[%arg0, %dma_start3A_363, %dma_start3A_364, %dma_start3A_365] : memref<7x108x512x128xf32, #tpu.memory_space<any>> -> memref<1x1x512x128xf32, #tpu.memory_space<any>>
    %dma_start3A_367 = tpu.memref_squeeze %dma_start3A_366 : memref<1x1x512x128xf32, #tpu.memory_space<any>> -> memref<1x512x128xf32, #tpu.memory_space<any>>
    %dma_start3A_368 = arith.constant 6 : i32
    %dma_start3A_369 = arith.constant 0 : i32
    %dma_start3A_370 = arith.constant 0 : i32
    %dma_start3A_371 = tpu.memref_slice %arg1[%dma_start3A_362, %dma_start3A_368, %dma_start3A_369, %dma_start3A_370] : memref<1x24x512x128xf32, #tpu.memory_space<vmem>> -> memref<1x1x512x128xf32, #tpu.memory_space<vmem>>
    %dma_start3A_372 = tpu.memref_squeeze %dma_start3A_371 : memref<1x1x512x128xf32, #tpu.memory_space<vmem>> -> memref<1x512x128xf32, #tpu.memory_space<vmem>>
    tpu.enqueue_dma source(%dma_start3A_372 : memref<1x512x128xf32, #tpu.memory_space<vmem>>) target(%dma_start3A_367 : memref<1x512x128xf32, #tpu.memory_space<any>>) target_semaphore(%arg3 : memref<!tpu.dma_semaphore, #tpu.memory_space<semaphore_mem>>)
    %dma_start3A_373 = arith.constant 0 : i32
    %dma_start3A_374 = arith.constant 57 : i32
    %dma_start3A_375 = arith.constant 0 : i32
    %dma_start3A_376 = arith.constant 0 : i32
    %dma_start3A_377 = tpu.memref_slice %arg2[%arg0, %dma_start3A_374, %dma_start3A_375, %dma_start3A_376] : memref<7x108x512x128xf32, #tpu.memory_space<any>> -> memref<1x1x512x128xf32, #tpu.memory_space<any>>
    %dma_start3A_378 = tpu.memref_squeeze %dma_start3A_377 : memref<1x1x512x128xf32, #tpu.memory_space<any>> -> memref<1x512x128xf32, #tpu.memory_space<any>>
    %dma_start3A_379 = arith.constant 1 : i32
    %dma_start3A_380 = arith.constant 0 : i32
    %dma_start3A_381 = arith.constant 0 : i32
    %dma_start3A_382 = tpu.memref_slice %arg1[%dma_start3A_373, %dma_start3A_379, %dma_start3A_380, %dma_start3A_381] : memref<1x24x512x128xf32, #tpu.memory_space<vmem>> -> memref<1x1x512x128xf32, #tpu.memory_space<vmem>>
    %dma_start3A_383 = tpu.memref_squeeze %dma_start3A_382 : memref<1x1x512x128xf32, #tpu.memory_space<vmem>> -> memref<1x512x128xf32, #tpu.memory_space<vmem>>
    tpu.enqueue_dma source(%dma_start3A_383 : memref<1x512x128xf32, #tpu.memory_space<vmem>>) target(%dma_start3A_378 : memref<1x512x128xf32, #tpu.memory_space<any>>) target_semaphore(%arg3 : memref<!tpu.dma_semaphore, #tpu.memory_space<semaphore_mem>>)
    %dma_start3A_384 = arith.constant 0 : i32
    %dma_start3A_385 = arith.constant 58 : i32
    %dma_start3A_386 = arith.constant 0 : i32
    %dma_start3A_387 = arith.constant 0 : i32
    %dma_start3A_388 = tpu.memref_slice %arg2[%arg0, %dma_start3A_385, %dma_start3A_386, %dma_start3A_387] : memref<7x108x512x128xf32, #tpu.memory_space<any>> -> memref<1x1x512x128xf32, #tpu.memory_space<any>>
    %dma_start3A_389 = tpu.memref_squeeze %dma_start3A_388 : memref<1x1x512x128xf32, #tpu.memory_space<any>> -> memref<1x512x128xf32, #tpu.memory_space<any>>
    %dma_start3A_390 = arith.constant 4 : i32
    %dma_start3A_391 = arith.constant 0 : i32
    %dma_start3A_392 = arith.constant 0 : i32
    %dma_start3A_393 = tpu.memref_slice %arg1[%dma_start3A_384, %dma_start3A_390, %dma_start3A_391, %dma_start3A_392] : memref<1x24x512x128xf32, #tpu.memory_space<vmem>> -> memref<1x1x512x128xf32, #tpu.memory_space<vmem>>
    %dma_start3A_394 = tpu.memref_squeeze %dma_start3A_393 : memref<1x1x512x128xf32, #tpu.memory_space<vmem>> -> memref<1x512x128xf32, #tpu.memory_space<vmem>>
    tpu.enqueue_dma source(%dma_start3A_394 : memref<1x512x128xf32, #tpu.memory_space<vmem>>) target(%dma_start3A_389 : memref<1x512x128xf32, #tpu.memory_space<any>>) target_semaphore(%arg3 : memref<!tpu.dma_semaphore, #tpu.memory_space<semaphore_mem>>)
    %dma_start3A_395 = arith.constant 0 : i32
    %dma_start3A_396 = arith.constant 59 : i32
    %dma_start3A_397 = arith.constant 0 : i32
    %dma_start3A_398 = arith.constant 0 : i32
    %dma_start3A_399 = tpu.memref_slice %arg2[%arg0, %dma_start3A_396, %dma_start3A_397, %dma_start3A_398] : memref<7x108x512x128xf32, #tpu.memory_space<any>> -> memref<1x1x512x128xf32, #tpu.memory_space<any>>
    %dma_start3A_400 = tpu.memref_squeeze %dma_start3A_399 : memref<1x1x512x128xf32, #tpu.memory_space<any>> -> memref<1x512x128xf32, #tpu.memory_space<any>>
    %dma_start3A_401 = arith.constant 7 : i32
    %dma_start3A_402 = arith.constant 0 : i32
    %dma_start3A_403 = arith.constant 0 : i32
    %dma_start3A_404 = tpu.memref_slice %arg1[%dma_start3A_395, %dma_start3A_401, %dma_start3A_402, %dma_start3A_403] : memref<1x24x512x128xf32, #tpu.memory_space<vmem>> -> memref<1x1x512x128xf32, #tpu.memory_space<vmem>>
    %dma_start3A_405 = tpu.memref_squeeze %dma_start3A_404 : memref<1x1x512x128xf32, #tpu.memory_space<vmem>> -> memref<1x512x128xf32, #tpu.memory_space<vmem>>
    tpu.enqueue_dma source(%dma_start3A_405 : memref<1x512x128xf32, #tpu.memory_space<vmem>>) target(%dma_start3A_400 : memref<1x512x128xf32, #tpu.memory_space<any>>) target_semaphore(%arg3 : memref<!tpu.dma_semaphore, #tpu.memory_space<semaphore_mem>>)
    %dma_start3A_406 = arith.constant 0 : i32
    %dma_start3A_407 = arith.constant 60 : i32
    %dma_start3A_408 = arith.constant 0 : i32
    %dma_start3A_409 = arith.constant 0 : i32
    %dma_start3A_410 = tpu.memref_slice %arg2[%arg0, %dma_start3A_407, %dma_start3A_408, %dma_start3A_409] : memref<7x108x512x128xf32, #tpu.memory_space<any>> -> memref<1x1x512x128xf32, #tpu.memory_space<any>>
    %dma_start3A_411 = tpu.memref_squeeze %dma_start3A_410 : memref<1x1x512x128xf32, #tpu.memory_space<any>> -> memref<1x512x128xf32, #tpu.memory_space<any>>
    %dma_start3A_412 = arith.constant 2 : i32
    %dma_start3A_413 = arith.constant 0 : i32
    %dma_start3A_414 = arith.constant 0 : i32
    %dma_start3A_415 = tpu.memref_slice %arg1[%dma_start3A_406, %dma_start3A_412, %dma_start3A_413, %dma_start3A_414] : memref<1x24x512x128xf32, #tpu.memory_space<vmem>> -> memref<1x1x512x128xf32, #tpu.memory_space<vmem>>
    %dma_start3A_416 = tpu.memref_squeeze %dma_start3A_415 : memref<1x1x512x128xf32, #tpu.memory_space<vmem>> -> memref<1x512x128xf32, #tpu.memory_space<vmem>>
    tpu.enqueue_dma source(%dma_start3A_416 : memref<1x512x128xf32, #tpu.memory_space<vmem>>) target(%dma_start3A_411 : memref<1x512x128xf32, #tpu.memory_space<any>>) target_semaphore(%arg3 : memref<!tpu.dma_semaphore, #tpu.memory_space<semaphore_mem>>)
    %dma_start3A_417 = arith.constant 0 : i32
    %dma_start3A_418 = arith.constant 61 : i32
    %dma_start3A_419 = arith.constant 0 : i32
    %dma_start3A_420 = arith.constant 0 : i32
    %dma_start3A_421 = tpu.memref_slice %arg2[%arg0, %dma_start3A_418, %dma_start3A_419, %dma_start3A_420] : memref<7x108x512x128xf32, #tpu.memory_space<any>> -> memref<1x1x512x128xf32, #tpu.memory_space<any>>
    %dma_start3A_422 = tpu.memref_squeeze %dma_start3A_421 : memref<1x1x512x128xf32, #tpu.memory_space<any>> -> memref<1x512x128xf32, #tpu.memory_space<any>>
    %dma_start3A_423 = arith.constant 5 : i32
    %dma_start3A_424 = arith.constant 0 : i32
    %dma_start3A_425 = arith.constant 0 : i32
    %dma_start3A_426 = tpu.memref_slice %arg1[%dma_start3A_417, %dma_start3A_423, %dma_start3A_424, %dma_start3A_425] : memref<1x24x512x128xf32, #tpu.memory_space<vmem>> -> memref<1x1x512x128xf32, #tpu.memory_space<vmem>>
    %dma_start3A_427 = tpu.memref_squeeze %dma_start3A_426 : memref<1x1x512x128xf32, #tpu.memory_space<vmem>> -> memref<1x512x128xf32, #tpu.memory_space<vmem>>
    tpu.enqueue_dma source(%dma_start3A_427 : memref<1x512x128xf32, #tpu.memory_space<vmem>>) target(%dma_start3A_422 : memref<1x512x128xf32, #tpu.memory_space<any>>) target_semaphore(%arg3 : memref<!tpu.dma_semaphore, #tpu.memory_space<semaphore_mem>>)
    %dma_start3A_428 = arith.constant 0 : i32
    %dma_start3A_429 = arith.constant 62 : i32
    %dma_start3A_430 = arith.constant 0 : i32
    %dma_start3A_431 = arith.constant 0 : i32
    %dma_start3A_432 = tpu.memref_slice %arg2[%arg0, %dma_start3A_429, %dma_start3A_430, %dma_start3A_431] : memref<7x108x512x128xf32, #tpu.memory_space<any>> -> memref<1x1x512x128xf32, #tpu.memory_space<any>>
    %dma_start3A_433 = tpu.memref_squeeze %dma_start3A_432 : memref<1x1x512x128xf32, #tpu.memory_space<any>> -> memref<1x512x128xf32, #tpu.memory_space<any>>
    %dma_start3A_434 = arith.constant 8 : i32
    %dma_start3A_435 = arith.constant 0 : i32
    %dma_start3A_436 = arith.constant 0 : i32
    %dma_start3A_437 = tpu.memref_slice %arg1[%dma_start3A_428, %dma_start3A_434, %dma_start3A_435, %dma_start3A_436] : memref<1x24x512x128xf32, #tpu.memory_space<vmem>> -> memref<1x1x512x128xf32, #tpu.memory_space<vmem>>
    %dma_start3A_438 = tpu.memref_squeeze %dma_start3A_437 : memref<1x1x512x128xf32, #tpu.memory_space<vmem>> -> memref<1x512x128xf32, #tpu.memory_space<vmem>>
    tpu.enqueue_dma source(%dma_start3A_438 : memref<1x512x128xf32, #tpu.memory_space<vmem>>) target(%dma_start3A_433 : memref<1x512x128xf32, #tpu.memory_space<any>>) target_semaphore(%arg3 : memref<!tpu.dma_semaphore, #tpu.memory_space<semaphore_mem>>)
    %dma_start3A_439 = arith.constant 0 : i32
    %dma_start3A_440 = arith.constant 63 : i32
    %dma_start3A_441 = arith.constant 0 : i32
    %dma_start3A_442 = arith.constant 0 : i32
    %dma_start3A_443 = tpu.memref_slice %arg2[%arg0, %dma_start3A_440, %dma_start3A_441, %dma_start3A_442] : memref<7x108x512x128xf32, #tpu.memory_space<any>> -> memref<1x1x512x128xf32, #tpu.memory_space<any>>
    %dma_start3A_444 = tpu.memref_squeeze %dma_start3A_443 : memref<1x1x512x128xf32, #tpu.memory_space<any>> -> memref<1x512x128xf32, #tpu.memory_space<any>>
    %dma_start3A_445 = arith.constant 2 : i32
    %dma_start3A_446 = arith.constant 0 : i32
    %dma_start3A_447 = arith.constant 0 : i32
    %dma_start3A_448 = tpu.memref_slice %arg1[%dma_start3A_439, %dma_start3A_445, %dma_start3A_446, %dma_start3A_447] : memref<1x24x512x128xf32, #tpu.memory_space<vmem>> -> memref<1x1x512x128xf32, #tpu.memory_space<vmem>>
    %dma_start3A_449 = tpu.memref_squeeze %dma_start3A_448 : memref<1x1x512x128xf32, #tpu.memory_space<vmem>> -> memref<1x512x128xf32, #tpu.memory_space<vmem>>
    tpu.enqueue_dma source(%dma_start3A_449 : memref<1x512x128xf32, #tpu.memory_space<vmem>>) target(%dma_start3A_444 : memref<1x512x128xf32, #tpu.memory_space<any>>) target_semaphore(%arg3 : memref<!tpu.dma_semaphore, #tpu.memory_space<semaphore_mem>>)
    %dma_start3A_450 = arith.constant 0 : i32
    %dma_start3A_451 = arith.constant 64 : i32
    %dma_start3A_452 = arith.constant 0 : i32
    %dma_start3A_453 = arith.constant 0 : i32
    %dma_start3A_454 = tpu.memref_slice %arg2[%arg0, %dma_start3A_451, %dma_start3A_452, %dma_start3A_453] : memref<7x108x512x128xf32, #tpu.memory_space<any>> -> memref<1x1x512x128xf32, #tpu.memory_space<any>>
    %dma_start3A_455 = tpu.memref_squeeze %dma_start3A_454 : memref<1x1x512x128xf32, #tpu.memory_space<any>> -> memref<1x512x128xf32, #tpu.memory_space<any>>
    %dma_start3A_456 = arith.constant 5 : i32
    %dma_start3A_457 = arith.constant 0 : i32
    %dma_start3A_458 = arith.constant 0 : i32
    %dma_start3A_459 = tpu.memref_slice %arg1[%dma_start3A_450, %dma_start3A_456, %dma_start3A_457, %dma_start3A_458] : memref<1x24x512x128xf32, #tpu.memory_space<vmem>> -> memref<1x1x512x128xf32, #tpu.memory_space<vmem>>
    %dma_start3A_460 = tpu.memref_squeeze %dma_start3A_459 : memref<1x1x512x128xf32, #tpu.memory_space<vmem>> -> memref<1x512x128xf32, #tpu.memory_space<vmem>>
    tpu.enqueue_dma source(%dma_start3A_460 : memref<1x512x128xf32, #tpu.memory_space<vmem>>) target(%dma_start3A_455 : memref<1x512x128xf32, #tpu.memory_space<any>>) target_semaphore(%arg3 : memref<!tpu.dma_semaphore, #tpu.memory_space<semaphore_mem>>)
    %dma_start3A_461 = arith.constant 0 : i32
    %dma_start3A_462 = arith.constant 65 : i32
    %dma_start3A_463 = arith.constant 0 : i32
    %dma_start3A_464 = arith.constant 0 : i32
    %dma_start3A_465 = tpu.memref_slice %arg2[%arg0, %dma_start3A_462, %dma_start3A_463, %dma_start3A_464] : memref<7x108x512x128xf32, #tpu.memory_space<any>> -> memref<1x1x512x128xf32, #tpu.memory_space<any>>
    %dma_start3A_466 = tpu.memref_squeeze %dma_start3A_465 : memref<1x1x512x128xf32, #tpu.memory_space<any>> -> memref<1x512x128xf32, #tpu.memory_space<any>>
    %dma_start3A_467 = arith.constant 9 : i32
    %dma_start3A_468 = arith.constant 0 : i32
    %dma_start3A_469 = arith.constant 0 : i32
    %dma_start3A_470 = tpu.memref_slice %arg1[%dma_start3A_461, %dma_start3A_467, %dma_start3A_468, %dma_start3A_469] : memref<1x24x512x128xf32, #tpu.memory_space<vmem>> -> memref<1x1x512x128xf32, #tpu.memory_space<vmem>>
    %dma_start3A_471 = tpu.memref_squeeze %dma_start3A_470 : memref<1x1x512x128xf32, #tpu.memory_space<vmem>> -> memref<1x512x128xf32, #tpu.memory_space<vmem>>
    tpu.enqueue_dma source(%dma_start3A_471 : memref<1x512x128xf32, #tpu.memory_space<vmem>>) target(%dma_start3A_466 : memref<1x512x128xf32, #tpu.memory_space<any>>) target_semaphore(%arg3 : memref<!tpu.dma_semaphore, #tpu.memory_space<semaphore_mem>>)
    %dma_start3A_472 = arith.constant 0 : i32
    %dma_start3A_473 = arith.constant 66 : i32
    %dma_start3A_474 = arith.constant 0 : i32
    %dma_start3A_475 = arith.constant 0 : i32
    %dma_start3A_476 = tpu.memref_slice %arg2[%arg0, %dma_start3A_473, %dma_start3A_474, %dma_start3A_475] : memref<7x108x512x128xf32, #tpu.memory_space<any>> -> memref<1x1x512x128xf32, #tpu.memory_space<any>>
    %dma_start3A_477 = tpu.memref_squeeze %dma_start3A_476 : memref<1x1x512x128xf32, #tpu.memory_space<any>> -> memref<1x512x128xf32, #tpu.memory_space<any>>
    %dma_start3A_478 = arith.constant 2 : i32
    %dma_start3A_479 = arith.constant 0 : i32
    %dma_start3A_480 = arith.constant 0 : i32
    %dma_start3A_481 = tpu.memref_slice %arg1[%dma_start3A_472, %dma_start3A_478, %dma_start3A_479, %dma_start3A_480] : memref<1x24x512x128xf32, #tpu.memory_space<vmem>> -> memref<1x1x512x128xf32, #tpu.memory_space<vmem>>
    %dma_start3A_482 = tpu.memref_squeeze %dma_start3A_481 : memref<1x1x512x128xf32, #tpu.memory_space<vmem>> -> memref<1x512x128xf32, #tpu.memory_space<vmem>>
    tpu.enqueue_dma source(%dma_start3A_482 : memref<1x512x128xf32, #tpu.memory_space<vmem>>) target(%dma_start3A_477 : memref<1x512x128xf32, #tpu.memory_space<any>>) target_semaphore(%arg3 : memref<!tpu.dma_semaphore, #tpu.memory_space<semaphore_mem>>)
    %dma_start3A_483 = arith.constant 0 : i32
    %dma_start3A_484 = arith.constant 67 : i32
    %dma_start3A_485 = arith.constant 0 : i32
    %dma_start3A_486 = arith.constant 0 : i32
    %dma_start3A_487 = tpu.memref_slice %arg2[%arg0, %dma_start3A_484, %dma_start3A_485, %dma_start3A_486] : memref<7x108x512x128xf32, #tpu.memory_space<any>> -> memref<1x1x512x128xf32, #tpu.memory_space<any>>
    %dma_start3A_488 = tpu.memref_squeeze %dma_start3A_487 : memref<1x1x512x128xf32, #tpu.memory_space<any>> -> memref<1x512x128xf32, #tpu.memory_space<any>>
    %dma_start3A_489 = arith.constant 5 : i32
    %dma_start3A_490 = arith.constant 0 : i32
    %dma_start3A_491 = arith.constant 0 : i32
    %dma_start3A_492 = tpu.memref_slice %arg1[%dma_start3A_483, %dma_start3A_489, %dma_start3A_490, %dma_start3A_491] : memref<1x24x512x128xf32, #tpu.memory_space<vmem>> -> memref<1x1x512x128xf32, #tpu.memory_space<vmem>>
    %dma_start3A_493 = tpu.memref_squeeze %dma_start3A_492 : memref<1x1x512x128xf32, #tpu.memory_space<vmem>> -> memref<1x512x128xf32, #tpu.memory_space<vmem>>
    tpu.enqueue_dma source(%dma_start3A_493 : memref<1x512x128xf32, #tpu.memory_space<vmem>>) target(%dma_start3A_488 : memref<1x512x128xf32, #tpu.memory_space<any>>) target_semaphore(%arg3 : memref<!tpu.dma_semaphore, #tpu.memory_space<semaphore_mem>>)
    %dma_start3A_494 = arith.constant 0 : i32
    %dma_start3A_495 = arith.constant 68 : i32
    %dma_start3A_496 = arith.constant 0 : i32
    %dma_start3A_497 = arith.constant 0 : i32
    %dma_start3A_498 = tpu.memref_slice %arg2[%arg0, %dma_start3A_495, %dma_start3A_496, %dma_start3A_497] : memref<7x108x512x128xf32, #tpu.memory_space<any>> -> memref<1x1x512x128xf32, #tpu.memory_space<any>>
    %dma_start3A_499 = tpu.memref_squeeze %dma_start3A_498 : memref<1x1x512x128xf32, #tpu.memory_space<any>> -> memref<1x512x128xf32, #tpu.memory_space<any>>
    %dma_start3A_500 = arith.constant 10 : i32
    %dma_start3A_501 = arith.constant 0 : i32
    %dma_start3A_502 = arith.constant 0 : i32
    %dma_start3A_503 = tpu.memref_slice %arg1[%dma_start3A_494, %dma_start3A_500, %dma_start3A_501, %dma_start3A_502] : memref<1x24x512x128xf32, #tpu.memory_space<vmem>> -> memref<1x1x512x128xf32, #tpu.memory_space<vmem>>
    %dma_start3A_504 = tpu.memref_squeeze %dma_start3A_503 : memref<1x1x512x128xf32, #tpu.memory_space<vmem>> -> memref<1x512x128xf32, #tpu.memory_space<vmem>>
    tpu.enqueue_dma source(%dma_start3A_504 : memref<1x512x128xf32, #tpu.memory_space<vmem>>) target(%dma_start3A_499 : memref<1x512x128xf32, #tpu.memory_space<any>>) target_semaphore(%arg3 : memref<!tpu.dma_semaphore, #tpu.memory_space<semaphore_mem>>)
    %dma_start3A_505 = arith.constant 0 : i32
    %dma_start3A_506 = arith.constant 69 : i32
    %dma_start3A_507 = arith.constant 0 : i32
    %dma_start3A_508 = arith.constant 0 : i32
    %dma_start3A_509 = tpu.memref_slice %arg2[%arg0, %dma_start3A_506, %dma_start3A_507, %dma_start3A_508] : memref<7x108x512x128xf32, #tpu.memory_space<any>> -> memref<1x1x512x128xf32, #tpu.memory_space<any>>
    %dma_start3A_510 = tpu.memref_squeeze %dma_start3A_509 : memref<1x1x512x128xf32, #tpu.memory_space<any>> -> memref<1x512x128xf32, #tpu.memory_space<any>>
    %dma_start3A_511 = arith.constant 2 : i32
    %dma_start3A_512 = arith.constant 0 : i32
    %dma_start3A_513 = arith.constant 0 : i32
    %dma_start3A_514 = tpu.memref_slice %arg1[%dma_start3A_505, %dma_start3A_511, %dma_start3A_512, %dma_start3A_513] : memref<1x24x512x128xf32, #tpu.memory_space<vmem>> -> memref<1x1x512x128xf32, #tpu.memory_space<vmem>>
    %dma_start3A_515 = tpu.memref_squeeze %dma_start3A_514 : memref<1x1x512x128xf32, #tpu.memory_space<vmem>> -> memref<1x512x128xf32, #tpu.memory_space<vmem>>
    tpu.enqueue_dma source(%dma_start3A_515 : memref<1x512x128xf32, #tpu.memory_space<vmem>>) target(%dma_start3A_510 : memref<1x512x128xf32, #tpu.memory_space<any>>) target_semaphore(%arg3 : memref<!tpu.dma_semaphore, #tpu.memory_space<semaphore_mem>>)
    %dma_start3A_516 = arith.constant 0 : i32
    %dma_start3A_517 = arith.constant 70 : i32
    %dma_start3A_518 = arith.constant 0 : i32
    %dma_start3A_519 = arith.constant 0 : i32
    %dma_start3A_520 = tpu.memref_slice %arg2[%arg0, %dma_start3A_517, %dma_start3A_518, %dma_start3A_519] : memref<7x108x512x128xf32, #tpu.memory_space<any>> -> memref<1x1x512x128xf32, #tpu.memory_space<any>>
    %dma_start3A_521 = tpu.memref_squeeze %dma_start3A_520 : memref<1x1x512x128xf32, #tpu.memory_space<any>> -> memref<1x512x128xf32, #tpu.memory_space<any>>
    %dma_start3A_522 = arith.constant 5 : i32
    %dma_start3A_523 = arith.constant 0 : i32
    %dma_start3A_524 = arith.constant 0 : i32
    %dma_start3A_525 = tpu.memref_slice %arg1[%dma_start3A_516, %dma_start3A_522, %dma_start3A_523, %dma_start3A_524] : memref<1x24x512x128xf32, #tpu.memory_space<vmem>> -> memref<1x1x512x128xf32, #tpu.memory_space<vmem>>
    %dma_start3A_526 = tpu.memref_squeeze %dma_start3A_525 : memref<1x1x512x128xf32, #tpu.memory_space<vmem>> -> memref<1x512x128xf32, #tpu.memory_space<vmem>>
    tpu.enqueue_dma source(%dma_start3A_526 : memref<1x512x128xf32, #tpu.memory_space<vmem>>) target(%dma_start3A_521 : memref<1x512x128xf32, #tpu.memory_space<any>>) target_semaphore(%arg3 : memref<!tpu.dma_semaphore, #tpu.memory_space<semaphore_mem>>)
    %dma_start3A_527 = arith.constant 0 : i32
    %dma_start3A_528 = arith.constant 71 : i32
    %dma_start3A_529 = arith.constant 0 : i32
    %dma_start3A_530 = arith.constant 0 : i32
    %dma_start3A_531 = tpu.memref_slice %arg2[%arg0, %dma_start3A_528, %dma_start3A_529, %dma_start3A_530] : memref<7x108x512x128xf32, #tpu.memory_space<any>> -> memref<1x1x512x128xf32, #tpu.memory_space<any>>
    %dma_start3A_532 = tpu.memref_squeeze %dma_start3A_531 : memref<1x1x512x128xf32, #tpu.memory_space<any>> -> memref<1x512x128xf32, #tpu.memory_space<any>>
    %dma_start3A_533 = arith.constant 11 : i32
    %dma_start3A_534 = arith.constant 0 : i32
    %dma_start3A_535 = arith.constant 0 : i32
    %dma_start3A_536 = tpu.memref_slice %arg1[%dma_start3A_527, %dma_start3A_533, %dma_start3A_534, %dma_start3A_535] : memref<1x24x512x128xf32, #tpu.memory_space<vmem>> -> memref<1x1x512x128xf32, #tpu.memory_space<vmem>>
    %dma_start3A_537 = tpu.memref_squeeze %dma_start3A_536 : memref<1x1x512x128xf32, #tpu.memory_space<vmem>> -> memref<1x512x128xf32, #tpu.memory_space<vmem>>
    tpu.enqueue_dma source(%dma_start3A_537 : memref<1x512x128xf32, #tpu.memory_space<vmem>>) target(%dma_start3A_532 : memref<1x512x128xf32, #tpu.memory_space<any>>) target_semaphore(%arg3 : memref<!tpu.dma_semaphore, #tpu.memory_space<semaphore_mem>>)
    %dma_start3A_538 = arith.constant 0 : i32
    %dma_start3A_539 = arith.constant 72 : i32
    %dma_start3A_540 = arith.constant 0 : i32
    %dma_start3A_541 = arith.constant 0 : i32
    %dma_start3A_542 = tpu.memref_slice %arg2[%arg0, %dma_start3A_539, %dma_start3A_540, %dma_start3A_541] : memref<7x108x512x128xf32, #tpu.memory_space<any>> -> memref<1x1x512x128xf32, #tpu.memory_space<any>>
    %dma_start3A_543 = tpu.memref_squeeze %dma_start3A_542 : memref<1x1x512x128xf32, #tpu.memory_space<any>> -> memref<1x512x128xf32, #tpu.memory_space<any>>
    %dma_start3A_544 = arith.constant 2 : i32
    %dma_start3A_545 = arith.constant 0 : i32
    %dma_start3A_546 = arith.constant 0 : i32
    %dma_start3A_547 = tpu.memref_slice %arg1[%dma_start3A_538, %dma_start3A_544, %dma_start3A_545, %dma_start3A_546] : memref<1x24x512x128xf32, #tpu.memory_space<vmem>> -> memref<1x1x512x128xf32, #tpu.memory_space<vmem>>
    %dma_start3A_548 = tpu.memref_squeeze %dma_start3A_547 : memref<1x1x512x128xf32, #tpu.memory_space<vmem>> -> memref<1x512x128xf32, #tpu.memory_space<vmem>>
    tpu.enqueue_dma source(%dma_start3A_548 : memref<1x512x128xf32, #tpu.memory_space<vmem>>) target(%dma_start3A_543 : memref<1x512x128xf32, #tpu.memory_space<any>>) target_semaphore(%arg3 : memref<!tpu.dma_semaphore, #tpu.memory_space<semaphore_mem>>)
    %dma_start3A_549 = arith.constant 0 : i32
    %dma_start3A_550 = arith.constant 73 : i32
    %dma_start3A_551 = arith.constant 0 : i32
    %dma_start3A_552 = arith.constant 0 : i32
    %dma_start3A_553 = tpu.memref_slice %arg2[%arg0, %dma_start3A_550, %dma_start3A_551, %dma_start3A_552] : memref<7x108x512x128xf32, #tpu.memory_space<any>> -> memref<1x1x512x128xf32, #tpu.memory_space<any>>
    %dma_start3A_554 = tpu.memref_squeeze %dma_start3A_553 : memref<1x1x512x128xf32, #tpu.memory_space<any>> -> memref<1x512x128xf32, #tpu.memory_space<any>>
    %dma_start3A_555 = arith.constant 5 : i32
    %dma_start3A_556 = arith.constant 0 : i32
    %dma_start3A_557 = arith.constant 0 : i32
    %dma_start3A_558 = tpu.memref_slice %arg1[%dma_start3A_549, %dma_start3A_555, %dma_start3A_556, %dma_start3A_557] : memref<1x24x512x128xf32, #tpu.memory_space<vmem>> -> memref<1x1x512x128xf32, #tpu.memory_space<vmem>>
    %dma_start3A_559 = tpu.memref_squeeze %dma_start3A_558 : memref<1x1x512x128xf32, #tpu.memory_space<vmem>> -> memref<1x512x128xf32, #tpu.memory_space<vmem>>
    tpu.enqueue_dma source(%dma_start3A_559 : memref<1x512x128xf32, #tpu.memory_space<vmem>>) target(%dma_start3A_554 : memref<1x512x128xf32, #tpu.memory_space<any>>) target_semaphore(%arg3 : memref<!tpu.dma_semaphore, #tpu.memory_space<semaphore_mem>>)
    %dma_start3A_560 = arith.constant 0 : i32
    %dma_start3A_561 = arith.constant 74 : i32
    %dma_start3A_562 = arith.constant 0 : i32
    %dma_start3A_563 = arith.constant 0 : i32
    %dma_start3A_564 = tpu.memref_slice %arg2[%arg0, %dma_start3A_561, %dma_start3A_562, %dma_start3A_563] : memref<7x108x512x128xf32, #tpu.memory_space<any>> -> memref<1x1x512x128xf32, #tpu.memory_space<any>>
    %dma_start3A_565 = tpu.memref_squeeze %dma_start3A_564 : memref<1x1x512x128xf32, #tpu.memory_space<any>> -> memref<1x512x128xf32, #tpu.memory_space<any>>
    %dma_start3A_566 = arith.constant 12 : i32
    %dma_start3A_567 = arith.constant 0 : i32
    %dma_start3A_568 = arith.constant 0 : i32
    %dma_start3A_569 = tpu.memref_slice %arg1[%dma_start3A_560, %dma_start3A_566, %dma_start3A_567, %dma_start3A_568] : memref<1x24x512x128xf32, #tpu.memory_space<vmem>> -> memref<1x1x512x128xf32, #tpu.memory_space<vmem>>
    %dma_start3A_570 = tpu.memref_squeeze %dma_start3A_569 : memref<1x1x512x128xf32, #tpu.memory_space<vmem>> -> memref<1x512x128xf32, #tpu.memory_space<vmem>>
    tpu.enqueue_dma source(%dma_start3A_570 : memref<1x512x128xf32, #tpu.memory_space<vmem>>) target(%dma_start3A_565 : memref<1x512x128xf32, #tpu.memory_space<any>>) target_semaphore(%arg3 : memref<!tpu.dma_semaphore, #tpu.memory_space<semaphore_mem>>)
    %dma_start3A_571 = arith.constant 0 : i32
    %dma_start3A_572 = arith.constant 75 : i32
    %dma_start3A_573 = arith.constant 0 : i32
    %dma_start3A_574 = arith.constant 0 : i32
    %dma_start3A_575 = tpu.memref_slice %arg2[%arg0, %dma_start3A_572, %dma_start3A_573, %dma_start3A_574] : memref<7x108x512x128xf32, #tpu.memory_space<any>> -> memref<1x1x512x128xf32, #tpu.memory_space<any>>
    %dma_start3A_576 = tpu.memref_squeeze %dma_start3A_575 : memref<1x1x512x128xf32, #tpu.memory_space<any>> -> memref<1x512x128xf32, #tpu.memory_space<any>>
    %dma_start3A_577 = arith.constant 2 : i32
    %dma_start3A_578 = arith.constant 0 : i32
    %dma_start3A_579 = arith.constant 0 : i32
    %dma_start3A_580 = tpu.memref_slice %arg1[%dma_start3A_571, %dma_start3A_577, %dma_start3A_578, %dma_start3A_579] : memref<1x24x512x128xf32, #tpu.memory_space<vmem>> -> memref<1x1x512x128xf32, #tpu.memory_space<vmem>>
    %dma_start3A_581 = tpu.memref_squeeze %dma_start3A_580 : memref<1x1x512x128xf32, #tpu.memory_space<vmem>> -> memref<1x512x128xf32, #tpu.memory_space<vmem>>
    tpu.enqueue_dma source(%dma_start3A_581 : memref<1x512x128xf32, #tpu.memory_space<vmem>>) target(%dma_start3A_576 : memref<1x512x128xf32, #tpu.memory_space<any>>) target_semaphore(%arg3 : memref<!tpu.dma_semaphore, #tpu.memory_space<semaphore_mem>>)
    %dma_start3A_582 = arith.constant 0 : i32
    %dma_start3A_583 = arith.constant 76 : i32
    %dma_start3A_584 = arith.constant 0 : i32
    %dma_start3A_585 = arith.constant 0 : i32
    %dma_start3A_586 = tpu.memref_slice %arg2[%arg0, %dma_start3A_583, %dma_start3A_584, %dma_start3A_585] : memref<7x108x512x128xf32, #tpu.memory_space<any>> -> memref<1x1x512x128xf32, #tpu.memory_space<any>>
    %dma_start3A_587 = tpu.memref_squeeze %dma_start3A_586 : memref<1x1x512x128xf32, #tpu.memory_space<any>> -> memref<1x512x128xf32, #tpu.memory_space<any>>
    %dma_start3A_588 = arith.constant 5 : i32
    %dma_start3A_589 = arith.constant 0 : i32
    %dma_start3A_590 = arith.constant 0 : i32
    %dma_start3A_591 = tpu.memref_slice %arg1[%dma_start3A_582, %dma_start3A_588, %dma_start3A_589, %dma_start3A_590] : memref<1x24x512x128xf32, #tpu.memory_space<vmem>> -> memref<1x1x512x128xf32, #tpu.memory_space<vmem>>
    %dma_start3A_592 = tpu.memref_squeeze %dma_start3A_591 : memref<1x1x512x128xf32, #tpu.memory_space<vmem>> -> memref<1x512x128xf32, #tpu.memory_space<vmem>>
    tpu.enqueue_dma source(%dma_start3A_592 : memref<1x512x128xf32, #tpu.memory_space<vmem>>) target(%dma_start3A_587 : memref<1x512x128xf32, #tpu.memory_space<any>>) target_semaphore(%arg3 : memref<!tpu.dma_semaphore, #tpu.memory_space<semaphore_mem>>)
    %dma_start3A_593 = arith.constant 0 : i32
    %dma_start3A_594 = arith.constant 77 : i32
    %dma_start3A_595 = arith.constant 0 : i32
    %dma_start3A_596 = arith.constant 0 : i32
    %dma_start3A_597 = tpu.memref_slice %arg2[%arg0, %dma_start3A_594, %dma_start3A_595, %dma_start3A_596] : memref<7x108x512x128xf32, #tpu.memory_space<any>> -> memref<1x1x512x128xf32, #tpu.memory_space<any>>
    %dma_start3A_598 = tpu.memref_squeeze %dma_start3A_597 : memref<1x1x512x128xf32, #tpu.memory_space<any>> -> memref<1x512x128xf32, #tpu.memory_space<any>>
    %dma_start3A_599 = arith.constant 13 : i32
    %dma_start3A_600 = arith.constant 0 : i32
    %dma_start3A_601 = arith.constant 0 : i32
    %dma_start3A_602 = tpu.memref_slice %arg1[%dma_start3A_593, %dma_start3A_599, %dma_start3A_600, %dma_start3A_601] : memref<1x24x512x128xf32, #tpu.memory_space<vmem>> -> memref<1x1x512x128xf32, #tpu.memory_space<vmem>>
    %dma_start3A_603 = tpu.memref_squeeze %dma_start3A_602 : memref<1x1x512x128xf32, #tpu.memory_space<vmem>> -> memref<1x512x128xf32, #tpu.memory_space<vmem>>
    tpu.enqueue_dma source(%dma_start3A_603 : memref<1x512x128xf32, #tpu.memory_space<vmem>>) target(%dma_start3A_598 : memref<1x512x128xf32, #tpu.memory_space<any>>) target_semaphore(%arg3 : memref<!tpu.dma_semaphore, #tpu.memory_space<semaphore_mem>>)
    %dma_start3A_604 = arith.constant 0 : i32
    %dma_start3A_605 = arith.constant 78 : i32
    %dma_start3A_606 = arith.constant 0 : i32
    %dma_start3A_607 = arith.constant 0 : i32
    %dma_start3A_608 = tpu.memref_slice %arg2[%arg0, %dma_start3A_605, %dma_start3A_606, %dma_start3A_607] : memref<7x108x512x128xf32, #tpu.memory_space<any>> -> memref<1x1x512x128xf32, #tpu.memory_space<any>>
    %dma_start3A_609 = tpu.memref_squeeze %dma_start3A_608 : memref<1x1x512x128xf32, #tpu.memory_space<any>> -> memref<1x512x128xf32, #tpu.memory_space<any>>
    %dma_start3A_610 = arith.constant 2 : i32
    %dma_start3A_611 = arith.constant 0 : i32
    %dma_start3A_612 = arith.constant 0 : i32
    %dma_start3A_613 = tpu.memref_slice %arg1[%dma_start3A_604, %dma_start3A_610, %dma_start3A_611, %dma_start3A_612] : memref<1x24x512x128xf32, #tpu.memory_space<vmem>> -> memref<1x1x512x128xf32, #tpu.memory_space<vmem>>
    %dma_start3A_614 = tpu.memref_squeeze %dma_start3A_613 : memref<1x1x512x128xf32, #tpu.memory_space<vmem>> -> memref<1x512x128xf32, #tpu.memory_space<vmem>>
    tpu.enqueue_dma source(%dma_start3A_614 : memref<1x512x128xf32, #tpu.memory_space<vmem>>) target(%dma_start3A_609 : memref<1x512x128xf32, #tpu.memory_space<any>>) target_semaphore(%arg3 : memref<!tpu.dma_semaphore, #tpu.memory_space<semaphore_mem>>)
    %dma_start3A_615 = arith.constant 0 : i32
    %dma_start3A_616 = arith.constant 79 : i32
    %dma_start3A_617 = arith.constant 0 : i32
    %dma_start3A_618 = arith.constant 0 : i32
    %dma_start3A_619 = tpu.memref_slice %arg2[%arg0, %dma_start3A_616, %dma_start3A_617, %dma_start3A_618] : memref<7x108x512x128xf32, #tpu.memory_space<any>> -> memref<1x1x512x128xf32, #tpu.memory_space<any>>
    %dma_start3A_620 = tpu.memref_squeeze %dma_start3A_619 : memref<1x1x512x128xf32, #tpu.memory_space<any>> -> memref<1x512x128xf32, #tpu.memory_space<any>>
    %dma_start3A_621 = arith.constant 5 : i32
    %dma_start3A_622 = arith.constant 0 : i32
    %dma_start3A_623 = arith.constant 0 : i32
    %dma_start3A_624 = tpu.memref_slice %arg1[%dma_start3A_615, %dma_start3A_621, %dma_start3A_622, %dma_start3A_623] : memref<1x24x512x128xf32, #tpu.memory_space<vmem>> -> memref<1x1x512x128xf32, #tpu.memory_space<vmem>>
    %dma_start3A_625 = tpu.memref_squeeze %dma_start3A_624 : memref<1x1x512x128xf32, #tpu.memory_space<vmem>> -> memref<1x512x128xf32, #tpu.memory_space<vmem>>
    tpu.enqueue_dma source(%dma_start3A_625 : memref<1x512x128xf32, #tpu.memory_space<vmem>>) target(%dma_start3A_620 : memref<1x512x128xf32, #tpu.memory_space<any>>) target_semaphore(%arg3 : memref<!tpu.dma_semaphore, #tpu.memory_space<semaphore_mem>>)
    %dma_start3A_626 = arith.constant 0 : i32
    %dma_start3A_627 = arith.constant 80 : i32
    %dma_start3A_628 = arith.constant 0 : i32
    %dma_start3A_629 = arith.constant 0 : i32
    %dma_start3A_630 = tpu.memref_slice %arg2[%arg0, %dma_start3A_627, %dma_start3A_628, %dma_start3A_629] : memref<7x108x512x128xf32, #tpu.memory_space<any>> -> memref<1x1x512x128xf32, #tpu.memory_space<any>>
    %dma_start3A_631 = tpu.memref_squeeze %dma_start3A_630 : memref<1x1x512x128xf32, #tpu.memory_space<any>> -> memref<1x512x128xf32, #tpu.memory_space<any>>
    %dma_start3A_632 = arith.constant 14 : i32
    %dma_start3A_633 = arith.constant 0 : i32
    %dma_start3A_634 = arith.constant 0 : i32
    %dma_start3A_635 = tpu.memref_slice %arg1[%dma_start3A_626, %dma_start3A_632, %dma_start3A_633, %dma_start3A_634] : memref<1x24x512x128xf32, #tpu.memory_space<vmem>> -> memref<1x1x512x128xf32, #tpu.memory_space<vmem>>
    %dma_start3A_636 = tpu.memref_squeeze %dma_start3A_635 : memref<1x1x512x128xf32, #tpu.memory_space<vmem>> -> memref<1x512x128xf32, #tpu.memory_space<vmem>>
    tpu.enqueue_dma source(%dma_start3A_636 : memref<1x512x128xf32, #tpu.memory_space<vmem>>) target(%dma_start3A_631 : memref<1x512x128xf32, #tpu.memory_space<any>>) target_semaphore(%arg3 : memref<!tpu.dma_semaphore, #tpu.memory_space<semaphore_mem>>)
    %dma_start3A_637 = arith.constant 0 : i32
    %dma_start3A_638 = arith.constant 81 : i32
    %dma_start3A_639 = arith.constant 0 : i32
    %dma_start3A_640 = arith.constant 0 : i32
    %dma_start3A_641 = tpu.memref_slice %arg2[%arg0, %dma_start3A_638, %dma_start3A_639, %dma_start3A_640] : memref<7x108x512x128xf32, #tpu.memory_space<any>> -> memref<1x1x512x128xf32, #tpu.memory_space<any>>
    %dma_start3A_642 = tpu.memref_squeeze %dma_start3A_641 : memref<1x1x512x128xf32, #tpu.memory_space<any>> -> memref<1x512x128xf32, #tpu.memory_space<any>>
    %dma_start3A_643 = arith.constant 2 : i32
    %dma_start3A_644 = arith.constant 0 : i32
    %dma_start3A_645 = arith.constant 0 : i32
    %dma_start3A_646 = tpu.memref_slice %arg1[%dma_start3A_637, %dma_start3A_643, %dma_start3A_644, %dma_start3A_645] : memref<1x24x512x128xf32, #tpu.memory_space<vmem>> -> memref<1x1x512x128xf32, #tpu.memory_space<vmem>>
    %dma_start3A_647 = tpu.memref_squeeze %dma_start3A_646 : memref<1x1x512x128xf32, #tpu.memory_space<vmem>> -> memref<1x512x128xf32, #tpu.memory_space<vmem>>
    tpu.enqueue_dma source(%dma_start3A_647 : memref<1x512x128xf32, #tpu.memory_space<vmem>>) target(%dma_start3A_642 : memref<1x512x128xf32, #tpu.memory_space<any>>) target_semaphore(%arg3 : memref<!tpu.dma_semaphore, #tpu.memory_space<semaphore_mem>>)
    %dma_start3A_648 = arith.constant 0 : i32
    %dma_start3A_649 = arith.constant 82 : i32
    %dma_start3A_650 = arith.constant 0 : i32
    %dma_start3A_651 = arith.constant 0 : i32
    %dma_start3A_652 = tpu.memref_slice %arg2[%arg0, %dma_start3A_649, %dma_start3A_650, %dma_start3A_651] : memref<7x108x512x128xf32, #tpu.memory_space<any>> -> memref<1x1x512x128xf32, #tpu.memory_space<any>>
    %dma_start3A_653 = tpu.memref_squeeze %dma_start3A_652 : memref<1x1x512x128xf32, #tpu.memory_space<any>> -> memref<1x512x128xf32, #tpu.memory_space<any>>
    %dma_start3A_654 = arith.constant 5 : i32
    %dma_start3A_655 = arith.constant 0 : i32
    %dma_start3A_656 = arith.constant 0 : i32
    %dma_start3A_657 = tpu.memref_slice %arg1[%dma_start3A_648, %dma_start3A_654, %dma_start3A_655, %dma_start3A_656] : memref<1x24x512x128xf32, #tpu.memory_space<vmem>> -> memref<1x1x512x128xf32, #tpu.memory_space<vmem>>
    %dma_start3A_658 = tpu.memref_squeeze %dma_start3A_657 : memref<1x1x512x128xf32, #tpu.memory_space<vmem>> -> memref<1x512x128xf32, #tpu.memory_space<vmem>>
    tpu.enqueue_dma source(%dma_start3A_658 : memref<1x512x128xf32, #tpu.memory_space<vmem>>) target(%dma_start3A_653 : memref<1x512x128xf32, #tpu.memory_space<any>>) target_semaphore(%arg3 : memref<!tpu.dma_semaphore, #tpu.memory_space<semaphore_mem>>)
    %dma_start3A_659 = arith.constant 0 : i32
    %dma_start3A_660 = arith.constant 83 : i32
    %dma_start3A_661 = arith.constant 0 : i32
    %dma_start3A_662 = arith.constant 0 : i32
    %dma_start3A_663 = tpu.memref_slice %arg2[%arg0, %dma_start3A_660, %dma_start3A_661, %dma_start3A_662] : memref<7x108x512x128xf32, #tpu.memory_space<any>> -> memref<1x1x512x128xf32, #tpu.memory_space<any>>
    %dma_start3A_664 = tpu.memref_squeeze %dma_start3A_663 : memref<1x1x512x128xf32, #tpu.memory_space<any>> -> memref<1x512x128xf32, #tpu.memory_space<any>>
    %dma_start3A_665 = arith.constant 15 : i32
    %dma_start3A_666 = arith.constant 0 : i32
    %dma_start3A_667 = arith.constant 0 : i32
    %dma_start3A_668 = tpu.memref_slice %arg1[%dma_start3A_659, %dma_start3A_665, %dma_start3A_666, %dma_start3A_667] : memref<1x24x512x128xf32, #tpu.memory_space<vmem>> -> memref<1x1x512x128xf32, #tpu.memory_space<vmem>>
    %dma_start3A_669 = tpu.memref_squeeze %dma_start3A_668 : memref<1x1x512x128xf32, #tpu.memory_space<vmem>> -> memref<1x512x128xf32, #tpu.memory_space<vmem>>
    tpu.enqueue_dma source(%dma_start3A_669 : memref<1x512x128xf32, #tpu.memory_space<vmem>>) target(%dma_start3A_664 : memref<1x512x128xf32, #tpu.memory_space<any>>) target_semaphore(%arg3 : memref<!tpu.dma_semaphore, #tpu.memory_space<semaphore_mem>>)
    %dma_start3A_670 = arith.constant 0 : i32
    %dma_start3A_671 = arith.constant 84 : i32
    %dma_start3A_672 = arith.constant 0 : i32
    %dma_start3A_673 = arith.constant 0 : i32
    %dma_start3A_674 = tpu.memref_slice %arg2[%arg0, %dma_start3A_671, %dma_start3A_672, %dma_start3A_673] : memref<7x108x512x128xf32, #tpu.memory_space<any>> -> memref<1x1x512x128xf32, #tpu.memory_space<any>>
    %dma_start3A_675 = tpu.memref_squeeze %dma_start3A_674 : memref<1x1x512x128xf32, #tpu.memory_space<any>> -> memref<1x512x128xf32, #tpu.memory_space<any>>
    %dma_start3A_676 = arith.constant 2 : i32
    %dma_start3A_677 = arith.constant 0 : i32
    %dma_start3A_678 = arith.constant 0 : i32
    %dma_start3A_679 = tpu.memref_slice %arg1[%dma_start3A_670, %dma_start3A_676, %dma_start3A_677, %dma_start3A_678] : memref<1x24x512x128xf32, #tpu.memory_space<vmem>> -> memref<1x1x512x128xf32, #tpu.memory_space<vmem>>
    %dma_start3A_680 = tpu.memref_squeeze %dma_start3A_679 : memref<1x1x512x128xf32, #tpu.memory_space<vmem>> -> memref<1x512x128xf32, #tpu.memory_space<vmem>>
    tpu.enqueue_dma source(%dma_start3A_680 : memref<1x512x128xf32, #tpu.memory_space<vmem>>) target(%dma_start3A_675 : memref<1x512x128xf32, #tpu.memory_space<any>>) target_semaphore(%arg3 : memref<!tpu.dma_semaphore, #tpu.memory_space<semaphore_mem>>)
    %dma_start3A_681 = arith.constant 0 : i32
    %dma_start3A_682 = arith.constant 85 : i32
    %dma_start3A_683 = arith.constant 0 : i32
    %dma_start3A_684 = arith.constant 0 : i32
    %dma_start3A_685 = tpu.memref_slice %arg2[%arg0, %dma_start3A_682, %dma_start3A_683, %dma_start3A_684] : memref<7x108x512x128xf32, #tpu.memory_space<any>> -> memref<1x1x512x128xf32, #tpu.memory_space<any>>
    %dma_start3A_686 = tpu.memref_squeeze %dma_start3A_685 : memref<1x1x512x128xf32, #tpu.memory_space<any>> -> memref<1x512x128xf32, #tpu.memory_space<any>>
    %dma_start3A_687 = arith.constant 5 : i32
    %dma_start3A_688 = arith.constant 0 : i32
    %dma_start3A_689 = arith.constant 0 : i32
    %dma_start3A_690 = tpu.memref_slice %arg1[%dma_start3A_681, %dma_start3A_687, %dma_start3A_688, %dma_start3A_689] : memref<1x24x512x128xf32, #tpu.memory_space<vmem>> -> memref<1x1x512x128xf32, #tpu.memory_space<vmem>>
    %dma_start3A_691 = tpu.memref_squeeze %dma_start3A_690 : memref<1x1x512x128xf32, #tpu.memory_space<vmem>> -> memref<1x512x128xf32, #tpu.memory_space<vmem>>
    tpu.enqueue_dma source(%dma_start3A_691 : memref<1x512x128xf32, #tpu.memory_space<vmem>>) target(%dma_start3A_686 : memref<1x512x128xf32, #tpu.memory_space<any>>) target_semaphore(%arg3 : memref<!tpu.dma_semaphore, #tpu.memory_space<semaphore_mem>>)
    %dma_start3A_692 = arith.constant 0 : i32
    %dma_start3A_693 = arith.constant 86 : i32
    %dma_start3A_694 = arith.constant 0 : i32
    %dma_start3A_695 = arith.constant 0 : i32
    %dma_start3A_696 = tpu.memref_slice %arg2[%arg0, %dma_start3A_693, %dma_start3A_694, %dma_start3A_695] : memref<7x108x512x128xf32, #tpu.memory_space<any>> -> memref<1x1x512x128xf32, #tpu.memory_space<any>>
    %dma_start3A_697 = tpu.memref_squeeze %dma_start3A_696 : memref<1x1x512x128xf32, #tpu.memory_space<any>> -> memref<1x512x128xf32, #tpu.memory_space<any>>
    %dma_start3A_698 = arith.constant 16 : i32
    %dma_start3A_699 = arith.constant 0 : i32
    %dma_start3A_700 = arith.constant 0 : i32
    %dma_start3A_701 = tpu.memref_slice %arg1[%dma_start3A_692, %dma_start3A_698, %dma_start3A_699, %dma_start3A_700] : memref<1x24x512x128xf32, #tpu.memory_space<vmem>> -> memref<1x1x512x128xf32, #tpu.memory_space<vmem>>
    %dma_start3A_702 = tpu.memref_squeeze %dma_start3A_701 : memref<1x1x512x128xf32, #tpu.memory_space<vmem>> -> memref<1x512x128xf32, #tpu.memory_space<vmem>>
    tpu.enqueue_dma source(%dma_start3A_702 : memref<1x512x128xf32, #tpu.memory_space<vmem>>) target(%dma_start3A_697 : memref<1x512x128xf32, #tpu.memory_space<any>>) target_semaphore(%arg3 : memref<!tpu.dma_semaphore, #tpu.memory_space<semaphore_mem>>)
    %dma_start3A_703 = arith.constant 0 : i32
    %dma_start3A_704 = arith.constant 87 : i32
    %dma_start3A_705 = arith.constant 0 : i32
    %dma_start3A_706 = arith.constant 0 : i32
    %dma_start3A_707 = tpu.memref_slice %arg2[%arg0, %dma_start3A_704, %dma_start3A_705, %dma_start3A_706] : memref<7x108x512x128xf32, #tpu.memory_space<any>> -> memref<1x1x512x128xf32, #tpu.memory_space<any>>
    %dma_start3A_708 = tpu.memref_squeeze %dma_start3A_707 : memref<1x1x512x128xf32, #tpu.memory_space<any>> -> memref<1x512x128xf32, #tpu.memory_space<any>>
    %dma_start3A_709 = arith.constant 2 : i32
    %dma_start3A_710 = arith.constant 0 : i32
    %dma_start3A_711 = arith.constant 0 : i32
    %dma_start3A_712 = tpu.memref_slice %arg1[%dma_start3A_703, %dma_start3A_709, %dma_start3A_710, %dma_start3A_711] : memref<1x24x512x128xf32, #tpu.memory_space<vmem>> -> memref<1x1x512x128xf32, #tpu.memory_space<vmem>>
    %dma_start3A_713 = tpu.memref_squeeze %dma_start3A_712 : memref<1x1x512x128xf32, #tpu.memory_space<vmem>> -> memref<1x512x128xf32, #tpu.memory_space<vmem>>
    tpu.enqueue_dma source(%dma_start3A_713 : memref<1x512x128xf32, #tpu.memory_space<vmem>>) target(%dma_start3A_708 : memref<1x512x128xf32, #tpu.memory_space<any>>) target_semaphore(%arg3 : memref<!tpu.dma_semaphore, #tpu.memory_space<semaphore_mem>>)
    %dma_start3A_714 = arith.constant 0 : i32
    %dma_start3A_715 = arith.constant 88 : i32
    %dma_start3A_716 = arith.constant 0 : i32
    %dma_start3A_717 = arith.constant 0 : i32
    %dma_start3A_718 = tpu.memref_slice %arg2[%arg0, %dma_start3A_715, %dma_start3A_716, %dma_start3A_717] : memref<7x108x512x128xf32, #tpu.memory_space<any>> -> memref<1x1x512x128xf32, #tpu.memory_space<any>>
    %dma_start3A_719 = tpu.memref_squeeze %dma_start3A_718 : memref<1x1x512x128xf32, #tpu.memory_space<any>> -> memref<1x512x128xf32, #tpu.memory_space<any>>
    %dma_start3A_720 = arith.constant 5 : i32
    %dma_start3A_721 = arith.constant 0 : i32
    %dma_start3A_722 = arith.constant 0 : i32
    %dma_start3A_723 = tpu.memref_slice %arg1[%dma_start3A_714, %dma_start3A_720, %dma_start3A_721, %dma_start3A_722] : memref<1x24x512x128xf32, #tpu.memory_space<vmem>> -> memref<1x1x512x128xf32, #tpu.memory_space<vmem>>
    %dma_start3A_724 = tpu.memref_squeeze %dma_start3A_723 : memref<1x1x512x128xf32, #tpu.memory_space<vmem>> -> memref<1x512x128xf32, #tpu.memory_space<vmem>>
    tpu.enqueue_dma source(%dma_start3A_724 : memref<1x512x128xf32, #tpu.memory_space<vmem>>) target(%dma_start3A_719 : memref<1x512x128xf32, #tpu.memory_space<any>>) target_semaphore(%arg3 : memref<!tpu.dma_semaphore, #tpu.memory_space<semaphore_mem>>)
    %dma_start3A_725 = arith.constant 0 : i32
    %dma_start3A_726 = arith.constant 89 : i32
    %dma_start3A_727 = arith.constant 0 : i32
    %dma_start3A_728 = arith.constant 0 : i32
    %dma_start3A_729 = tpu.memref_slice %arg2[%arg0, %dma_start3A_726, %dma_start3A_727, %dma_start3A_728] : memref<7x108x512x128xf32, #tpu.memory_space<any>> -> memref<1x1x512x128xf32, #tpu.memory_space<any>>
    %dma_start3A_730 = tpu.memref_squeeze %dma_start3A_729 : memref<1x1x512x128xf32, #tpu.memory_space<any>> -> memref<1x512x128xf32, #tpu.memory_space<any>>
    %dma_start3A_731 = arith.constant 17 : i32
    %dma_start3A_732 = arith.constant 0 : i32
    %dma_start3A_733 = arith.constant 0 : i32
    %dma_start3A_734 = tpu.memref_slice %arg1[%dma_start3A_725, %dma_start3A_731, %dma_start3A_732, %dma_start3A_733] : memref<1x24x512x128xf32, #tpu.memory_space<vmem>> -> memref<1x1x512x128xf32, #tpu.memory_space<vmem>>
    %dma_start3A_735 = tpu.memref_squeeze %dma_start3A_734 : memref<1x1x512x128xf32, #tpu.memory_space<vmem>> -> memref<1x512x128xf32, #tpu.memory_space<vmem>>
    tpu.enqueue_dma source(%dma_start3A_735 : memref<1x512x128xf32, #tpu.memory_space<vmem>>) target(%dma_start3A_730 : memref<1x512x128xf32, #tpu.memory_space<any>>) target_semaphore(%arg3 : memref<!tpu.dma_semaphore, #tpu.memory_space<semaphore_mem>>)
    %dma_start3A_736 = arith.constant 0 : i32
    %dma_start3A_737 = arith.constant 90 : i32
    %dma_start3A_738 = arith.constant 0 : i32
    %dma_start3A_739 = arith.constant 0 : i32
    %dma_start3A_740 = tpu.memref_slice %arg2[%arg0, %dma_start3A_737, %dma_start3A_738, %dma_start3A_739] : memref<7x108x512x128xf32, #tpu.memory_space<any>> -> memref<1x1x512x128xf32, #tpu.memory_space<any>>
    %dma_start3A_741 = tpu.memref_squeeze %dma_start3A_740 : memref<1x1x512x128xf32, #tpu.memory_space<any>> -> memref<1x512x128xf32, #tpu.memory_space<any>>
    %dma_start3A_742 = arith.constant 2 : i32
    %dma_start3A_743 = arith.constant 0 : i32
    %dma_start3A_744 = arith.constant 0 : i32
    %dma_start3A_745 = tpu.memref_slice %arg1[%dma_start3A_736, %dma_start3A_742, %dma_start3A_743, %dma_start3A_744] : memref<1x24x512x128xf32, #tpu.memory_space<vmem>> -> memref<1x1x512x128xf32, #tpu.memory_space<vmem>>
    %dma_start3A_746 = tpu.memref_squeeze %dma_start3A_745 : memref<1x1x512x128xf32, #tpu.memory_space<vmem>> -> memref<1x512x128xf32, #tpu.memory_space<vmem>>
    tpu.enqueue_dma source(%dma_start3A_746 : memref<1x512x128xf32, #tpu.memory_space<vmem>>) target(%dma_start3A_741 : memref<1x512x128xf32, #tpu.memory_space<any>>) target_semaphore(%arg3 : memref<!tpu.dma_semaphore, #tpu.memory_space<semaphore_mem>>)
    %dma_start3A_747 = arith.constant 0 : i32
    %dma_start3A_748 = arith.constant 91 : i32
    %dma_start3A_749 = arith.constant 0 : i32
    %dma_start3A_750 = arith.constant 0 : i32
    %dma_start3A_751 = tpu.memref_slice %arg2[%arg0, %dma_start3A_748, %dma_start3A_749, %dma_start3A_750] : memref<7x108x512x128xf32, #tpu.memory_space<any>> -> memref<1x1x512x128xf32, #tpu.memory_space<any>>
    %dma_start3A_752 = tpu.memref_squeeze %dma_start3A_751 : memref<1x1x512x128xf32, #tpu.memory_space<any>> -> memref<1x512x128xf32, #tpu.memory_space<any>>
    %dma_start3A_753 = arith.constant 5 : i32
    %dma_start3A_754 = arith.constant 0 : i32
    %dma_start3A_755 = arith.constant 0 : i32
    %dma_start3A_756 = tpu.memref_slice %arg1[%dma_start3A_747, %dma_start3A_753, %dma_start3A_754, %dma_start3A_755] : memref<1x24x512x128xf32, #tpu.memory_space<vmem>> -> memref<1x1x512x128xf32, #tpu.memory_space<vmem>>
    %dma_start3A_757 = tpu.memref_squeeze %dma_start3A_756 : memref<1x1x512x128xf32, #tpu.memory_space<vmem>> -> memref<1x512x128xf32, #tpu.memory_space<vmem>>
    tpu.enqueue_dma source(%dma_start3A_757 : memref<1x512x128xf32, #tpu.memory_space<vmem>>) target(%dma_start3A_752 : memref<1x512x128xf32, #tpu.memory_space<any>>) target_semaphore(%arg3 : memref<!tpu.dma_semaphore, #tpu.memory_space<semaphore_mem>>)
    %dma_start3A_758 = arith.constant 0 : i32
    %dma_start3A_759 = arith.constant 92 : i32
    %dma_start3A_760 = arith.constant 0 : i32
    %dma_start3A_761 = arith.constant 0 : i32
    %dma_start3A_762 = tpu.memref_slice %arg2[%arg0, %dma_start3A_759, %dma_start3A_760, %dma_start3A_761] : memref<7x108x512x128xf32, #tpu.memory_space<any>> -> memref<1x1x512x128xf32, #tpu.memory_space<any>>
    %dma_start3A_763 = tpu.memref_squeeze %dma_start3A_762 : memref<1x1x512x128xf32, #tpu.memory_space<any>> -> memref<1x512x128xf32, #tpu.memory_space<any>>
    %dma_start3A_764 = arith.constant 18 : i32
    %dma_start3A_765 = arith.constant 0 : i32
    %dma_start3A_766 = arith.constant 0 : i32
    %dma_start3A_767 = tpu.memref_slice %arg1[%dma_start3A_758, %dma_start3A_764, %dma_start3A_765, %dma_start3A_766] : memref<1x24x512x128xf32, #tpu.memory_space<vmem>> -> memref<1x1x512x128xf32, #tpu.memory_space<vmem>>
    %dma_start3A_768 = tpu.memref_squeeze %dma_start3A_767 : memref<1x1x512x128xf32, #tpu.memory_space<vmem>> -> memref<1x512x128xf32, #tpu.memory_space<vmem>>
    tpu.enqueue_dma source(%dma_start3A_768 : memref<1x512x128xf32, #tpu.memory_space<vmem>>) target(%dma_start3A_763 : memref<1x512x128xf32, #tpu.memory_space<any>>) target_semaphore(%arg3 : memref<!tpu.dma_semaphore, #tpu.memory_space<semaphore_mem>>)
    %dma_start3A_769 = arith.constant 0 : i32
    %dma_start3A_770 = arith.constant 93 : i32
    %dma_start3A_771 = arith.constant 0 : i32
    %dma_start3A_772 = arith.constant 0 : i32
    %dma_start3A_773 = tpu.memref_slice %arg2[%arg0, %dma_start3A_770, %dma_start3A_771, %dma_start3A_772] : memref<7x108x512x128xf32, #tpu.memory_space<any>> -> memref<1x1x512x128xf32, #tpu.memory_space<any>>
    %dma_start3A_774 = tpu.memref_squeeze %dma_start3A_773 : memref<1x1x512x128xf32, #tpu.memory_space<any>> -> memref<1x512x128xf32, #tpu.memory_space<any>>
    %dma_start3A_775 = arith.constant 2 : i32
    %dma_start3A_776 = arith.constant 0 : i32
    %dma_start3A_777 = arith.constant 0 : i32
    %dma_start3A_778 = tpu.memref_slice %arg1[%dma_start3A_769, %dma_start3A_775, %dma_start3A_776, %dma_start3A_777] : memref<1x24x512x128xf32, #tpu.memory_space<vmem>> -> memref<1x1x512x128xf32, #tpu.memory_space<vmem>>
    %dma_start3A_779 = tpu.memref_squeeze %dma_start3A_778 : memref<1x1x512x128xf32, #tpu.memory_space<vmem>> -> memref<1x512x128xf32, #tpu.memory_space<vmem>>
    tpu.enqueue_dma source(%dma_start3A_779 : memref<1x512x128xf32, #tpu.memory_space<vmem>>) target(%dma_start3A_774 : memref<1x512x128xf32, #tpu.memory_space<any>>) target_semaphore(%arg3 : memref<!tpu.dma_semaphore, #tpu.memory_space<semaphore_mem>>)
    %dma_start3A_780 = arith.constant 0 : i32
    %dma_start3A_781 = arith.constant 94 : i32
    %dma_start3A_782 = arith.constant 0 : i32
    %dma_start3A_783 = arith.constant 0 : i32
    %dma_start3A_784 = tpu.memref_slice %arg2[%arg0, %dma_start3A_781, %dma_start3A_782, %dma_start3A_783] : memref<7x108x512x128xf32, #tpu.memory_space<any>> -> memref<1x1x512x128xf32, #tpu.memory_space<any>>
    %dma_start3A_785 = tpu.memref_squeeze %dma_start3A_784 : memref<1x1x512x128xf32, #tpu.memory_space<any>> -> memref<1x512x128xf32, #tpu.memory_space<any>>
    %dma_start3A_786 = arith.constant 5 : i32
    %dma_start3A_787 = arith.constant 0 : i32
    %dma_start3A_788 = arith.constant 0 : i32
    %dma_start3A_789 = tpu.memref_slice %arg1[%dma_start3A_780, %dma_start3A_786, %dma_start3A_787, %dma_start3A_788] : memref<1x24x512x128xf32, #tpu.memory_space<vmem>> -> memref<1x1x512x128xf32, #tpu.memory_space<vmem>>
    %dma_start3A_790 = tpu.memref_squeeze %dma_start3A_789 : memref<1x1x512x128xf32, #tpu.memory_space<vmem>> -> memref<1x512x128xf32, #tpu.memory_space<vmem>>
    tpu.enqueue_dma source(%dma_start3A_790 : memref<1x512x128xf32, #tpu.memory_space<vmem>>) target(%dma_start3A_785 : memref<1x512x128xf32, #tpu.memory_space<any>>) target_semaphore(%arg3 : memref<!tpu.dma_semaphore, #tpu.memory_space<semaphore_mem>>)
    %dma_start3A_791 = arith.constant 0 : i32
    %dma_start3A_792 = arith.constant 95 : i32
    %dma_start3A_793 = arith.constant 0 : i32
    %dma_start3A_794 = arith.constant 0 : i32
    %dma_start3A_795 = tpu.memref_slice %arg2[%arg0, %dma_start3A_792, %dma_start3A_793, %dma_start3A_794] : memref<7x108x512x128xf32, #tpu.memory_space<any>> -> memref<1x1x512x128xf32, #tpu.memory_space<any>>
    %dma_start3A_796 = tpu.memref_squeeze %dma_start3A_795 : memref<1x1x512x128xf32, #tpu.memory_space<any>> -> memref<1x512x128xf32, #tpu.memory_space<any>>
    %dma_start3A_797 = arith.constant 19 : i32
    %dma_start3A_798 = arith.constant 0 : i32
    %dma_start3A_799 = arith.constant 0 : i32
    %dma_start3A_800 = tpu.memref_slice %arg1[%dma_start3A_791, %dma_start3A_797, %dma_start3A_798, %dma_start3A_799] : memref<1x24x512x128xf32, #tpu.memory_space<vmem>> -> memref<1x1x512x128xf32, #tpu.memory_space<vmem>>
    %dma_start3A_801 = tpu.memref_squeeze %dma_start3A_800 : memref<1x1x512x128xf32, #tpu.memory_space<vmem>> -> memref<1x512x128xf32, #tpu.memory_space<vmem>>
    tpu.enqueue_dma source(%dma_start3A_801 : memref<1x512x128xf32, #tpu.memory_space<vmem>>) target(%dma_start3A_796 : memref<1x512x128xf32, #tpu.memory_space<any>>) target_semaphore(%arg3 : memref<!tpu.dma_semaphore, #tpu.memory_space<semaphore_mem>>)
    %dma_start3A_802 = arith.constant 0 : i32
    %dma_start3A_803 = arith.constant 96 : i32
    %dma_start3A_804 = arith.constant 0 : i32
    %dma_start3A_805 = arith.constant 0 : i32
    %dma_start3A_806 = tpu.memref_slice %arg2[%arg0, %dma_start3A_803, %dma_start3A_804, %dma_start3A_805] : memref<7x108x512x128xf32, #tpu.memory_space<any>> -> memref<1x1x512x128xf32, #tpu.memory_space<any>>
    %dma_start3A_807 = tpu.memref_squeeze %dma_start3A_806 : memref<1x1x512x128xf32, #tpu.memory_space<any>> -> memref<1x512x128xf32, #tpu.memory_space<any>>
    %dma_start3A_808 = arith.constant 2 : i32
    %dma_start3A_809 = arith.constant 0 : i32
    %dma_start3A_810 = arith.constant 0 : i32
    %dma_start3A_811 = tpu.memref_slice %arg1[%dma_start3A_802, %dma_start3A_808, %dma_start3A_809, %dma_start3A_810] : memref<1x24x512x128xf32, #tpu.memory_space<vmem>> -> memref<1x1x512x128xf32, #tpu.memory_space<vmem>>
    %dma_start3A_812 = tpu.memref_squeeze %dma_start3A_811 : memref<1x1x512x128xf32, #tpu.memory_space<vmem>> -> memref<1x512x128xf32, #tpu.memory_space<vmem>>
    tpu.enqueue_dma source(%dma_start3A_812 : memref<1x512x128xf32, #tpu.memory_space<vmem>>) target(%dma_start3A_807 : memref<1x512x128xf32, #tpu.memory_space<any>>) target_semaphore(%arg3 : memref<!tpu.dma_semaphore, #tpu.memory_space<semaphore_mem>>)
    %dma_start3A_813 = arith.constant 0 : i32
    %dma_start3A_814 = arith.constant 97 : i32
    %dma_start3A_815 = arith.constant 0 : i32
    %dma_start3A_816 = arith.constant 0 : i32
    %dma_start3A_817 = tpu.memref_slice %arg2[%arg0, %dma_start3A_814, %dma_start3A_815, %dma_start3A_816] : memref<7x108x512x128xf32, #tpu.memory_space<any>> -> memref<1x1x512x128xf32, #tpu.memory_space<any>>
    %dma_start3A_818 = tpu.memref_squeeze %dma_start3A_817 : memref<1x1x512x128xf32, #tpu.memory_space<any>> -> memref<1x512x128xf32, #tpu.memory_space<any>>
    %dma_start3A_819 = arith.constant 5 : i32
    %dma_start3A_820 = arith.constant 0 : i32
    %dma_start3A_821 = arith.constant 0 : i32
    %dma_start3A_822 = tpu.memref_slice %arg1[%dma_start3A_813, %dma_start3A_819, %dma_start3A_820, %dma_start3A_821] : memref<1x24x512x128xf32, #tpu.memory_space<vmem>> -> memref<1x1x512x128xf32, #tpu.memory_space<vmem>>
    %dma_start3A_823 = tpu.memref_squeeze %dma_start3A_822 : memref<1x1x512x128xf32, #tpu.memory_space<vmem>> -> memref<1x512x128xf32, #tpu.memory_space<vmem>>
    tpu.enqueue_dma source(%dma_start3A_823 : memref<1x512x128xf32, #tpu.memory_space<vmem>>) target(%dma_start3A_818 : memref<1x512x128xf32, #tpu.memory_space<any>>) target_semaphore(%arg3 : memref<!tpu.dma_semaphore, #tpu.memory_space<semaphore_mem>>)
    %dma_start3A_824 = arith.constant 0 : i32
    %dma_start3A_825 = arith.constant 98 : i32
    %dma_start3A_826 = arith.constant 0 : i32
    %dma_start3A_827 = arith.constant 0 : i32
    %dma_start3A_828 = tpu.memref_slice %arg2[%arg0, %dma_start3A_825, %dma_start3A_826, %dma_start3A_827] : memref<7x108x512x128xf32, #tpu.memory_space<any>> -> memref<1x1x512x128xf32, #tpu.memory_space<any>>
    %dma_start3A_829 = tpu.memref_squeeze %dma_start3A_828 : memref<1x1x512x128xf32, #tpu.memory_space<any>> -> memref<1x512x128xf32, #tpu.memory_space<any>>
    %dma_start3A_830 = arith.constant 20 : i32
    %dma_start3A_831 = arith.constant 0 : i32
    %dma_start3A_832 = arith.constant 0 : i32
    %dma_start3A_833 = tpu.memref_slice %arg1[%dma_start3A_824, %dma_start3A_830, %dma_start3A_831, %dma_start3A_832] : memref<1x24x512x128xf32, #tpu.memory_space<vmem>> -> memref<1x1x512x128xf32, #tpu.memory_space<vmem>>
    %dma_start3A_834 = tpu.memref_squeeze %dma_start3A_833 : memref<1x1x512x128xf32, #tpu.memory_space<vmem>> -> memref<1x512x128xf32, #tpu.memory_space<vmem>>
    tpu.enqueue_dma source(%dma_start3A_834 : memref<1x512x128xf32, #tpu.memory_space<vmem>>) target(%dma_start3A_829 : memref<1x512x128xf32, #tpu.memory_space<any>>) target_semaphore(%arg3 : memref<!tpu.dma_semaphore, #tpu.memory_space<semaphore_mem>>)
    %dma_start3A_835 = arith.constant 0 : i32
    %dma_start3A_836 = arith.constant 99 : i32
    %dma_start3A_837 = arith.constant 0 : i32
    %dma_start3A_838 = arith.constant 0 : i32
    %dma_start3A_839 = tpu.memref_slice %arg2[%arg0, %dma_start3A_836, %dma_start3A_837, %dma_start3A_838] : memref<7x108x512x128xf32, #tpu.memory_space<any>> -> memref<1x1x512x128xf32, #tpu.memory_space<any>>
    %dma_start3A_840 = tpu.memref_squeeze %dma_start3A_839 : memref<1x1x512x128xf32, #tpu.memory_space<any>> -> memref<1x512x128xf32, #tpu.memory_space<any>>
    %dma_start3A_841 = arith.constant 2 : i32
    %dma_start3A_842 = arith.constant 0 : i32
    %dma_start3A_843 = arith.constant 0 : i32
    %dma_start3A_844 = tpu.memref_slice %arg1[%dma_start3A_835, %dma_start3A_841, %dma_start3A_842, %dma_start3A_843] : memref<1x24x512x128xf32, #tpu.memory_space<vmem>> -> memref<1x1x512x128xf32, #tpu.memory_space<vmem>>
    %dma_start3A_845 = tpu.memref_squeeze %dma_start3A_844 : memref<1x1x512x128xf32, #tpu.memory_space<vmem>> -> memref<1x512x128xf32, #tpu.memory_space<vmem>>
    tpu.enqueue_dma source(%dma_start3A_845 : memref<1x512x128xf32, #tpu.memory_space<vmem>>) target(%dma_start3A_840 : memref<1x512x128xf32, #tpu.memory_space<any>>) target_semaphore(%arg3 : memref<!tpu.dma_semaphore, #tpu.memory_space<semaphore_mem>>)
    %dma_start3A_846 = arith.constant 0 : i32
    %dma_start3A_847 = arith.constant 100 : i32
    %dma_start3A_848 = arith.constant 0 : i32
    %dma_start3A_849 = arith.constant 0 : i32
    %dma_start3A_850 = tpu.memref_slice %arg2[%arg0, %dma_start3A_847, %dma_start3A_848, %dma_start3A_849] : memref<7x108x512x128xf32, #tpu.memory_space<any>> -> memref<1x1x512x128xf32, #tpu.memory_space<any>>
    %dma_start3A_851 = tpu.memref_squeeze %dma_start3A_850 : memref<1x1x512x128xf32, #tpu.memory_space<any>> -> memref<1x512x128xf32, #tpu.memory_space<any>>
    %dma_start3A_852 = arith.constant 5 : i32
    %dma_start3A_853 = arith.constant 0 : i32
    %dma_start3A_854 = arith.constant 0 : i32
    %dma_start3A_855 = tpu.memref_slice %arg1[%dma_start3A_846, %dma_start3A_852, %dma_start3A_853, %dma_start3A_854] : memref<1x24x512x128xf32, #tpu.memory_space<vmem>> -> memref<1x1x512x128xf32, #tpu.memory_space<vmem>>
    %dma_start3A_856 = tpu.memref_squeeze %dma_start3A_855 : memref<1x1x512x128xf32, #tpu.memory_space<vmem>> -> memref<1x512x128xf32, #tpu.memory_space<vmem>>
    tpu.enqueue_dma source(%dma_start3A_856 : memref<1x512x128xf32, #tpu.memory_space<vmem>>) target(%dma_start3A_851 : memref<1x512x128xf32, #tpu.memory_space<any>>) target_semaphore(%arg3 : memref<!tpu.dma_semaphore, #tpu.memory_space<semaphore_mem>>)
    %dma_start3A_857 = arith.constant 0 : i32
    %dma_start3A_858 = arith.constant 101 : i32
    %dma_start3A_859 = arith.constant 0 : i32
    %dma_start3A_860 = arith.constant 0 : i32
    %dma_start3A_861 = tpu.memref_slice %arg2[%arg0, %dma_start3A_858, %dma_start3A_859, %dma_start3A_860] : memref<7x108x512x128xf32, #tpu.memory_space<any>> -> memref<1x1x512x128xf32, #tpu.memory_space<any>>
    %dma_start3A_862 = tpu.memref_squeeze %dma_start3A_861 : memref<1x1x512x128xf32, #tpu.memory_space<any>> -> memref<1x512x128xf32, #tpu.memory_space<any>>
    %dma_start3A_863 = arith.constant 21 : i32
    %dma_start3A_864 = arith.constant 0 : i32
    %dma_start3A_865 = arith.constant 0 : i32
    %dma_start3A_866 = tpu.memref_slice %arg1[%dma_start3A_857, %dma_start3A_863, %dma_start3A_864, %dma_start3A_865] : memref<1x24x512x128xf32, #tpu.memory_space<vmem>> -> memref<1x1x512x128xf32, #tpu.memory_space<vmem>>
    %dma_start3A_867 = tpu.memref_squeeze %dma_start3A_866 : memref<1x1x512x128xf32, #tpu.memory_space<vmem>> -> memref<1x512x128xf32, #tpu.memory_space<vmem>>
    tpu.enqueue_dma source(%dma_start3A_867 : memref<1x512x128xf32, #tpu.memory_space<vmem>>) target(%dma_start3A_862 : memref<1x512x128xf32, #tpu.memory_space<any>>) target_semaphore(%arg3 : memref<!tpu.dma_semaphore, #tpu.memory_space<semaphore_mem>>)
    %dma_start3A_868 = arith.constant 0 : i32
    %dma_start3A_869 = arith.constant 102 : i32
    %dma_start3A_870 = arith.constant 0 : i32
    %dma_start3A_871 = arith.constant 0 : i32
    %dma_start3A_872 = tpu.memref_slice %arg2[%arg0, %dma_start3A_869, %dma_start3A_870, %dma_start3A_871] : memref<7x108x512x128xf32, #tpu.memory_space<any>> -> memref<1x1x512x128xf32, #tpu.memory_space<any>>
    %dma_start3A_873 = tpu.memref_squeeze %dma_start3A_872 : memref<1x1x512x128xf32, #tpu.memory_space<any>> -> memref<1x512x128xf32, #tpu.memory_space<any>>
    %dma_start3A_874 = arith.constant 2 : i32
    %dma_start3A_875 = arith.constant 0 : i32
    %dma_start3A_876 = arith.constant 0 : i32
    %dma_start3A_877 = tpu.memref_slice %arg1[%dma_start3A_868, %dma_start3A_874, %dma_start3A_875, %dma_start3A_876] : memref<1x24x512x128xf32, #tpu.memory_space<vmem>> -> memref<1x1x512x128xf32, #tpu.memory_space<vmem>>
    %dma_start3A_878 = tpu.memref_squeeze %dma_start3A_877 : memref<1x1x512x128xf32, #tpu.memory_space<vmem>> -> memref<1x512x128xf32, #tpu.memory_space<vmem>>
    tpu.enqueue_dma source(%dma_start3A_878 : memref<1x512x128xf32, #tpu.memory_space<vmem>>) target(%dma_start3A_873 : memref<1x512x128xf32, #tpu.memory_space<any>>) target_semaphore(%arg3 : memref<!tpu.dma_semaphore, #tpu.memory_space<semaphore_mem>>)
    %dma_start3A_879 = arith.constant 0 : i32
    %dma_start3A_880 = arith.constant 103 : i32
    %dma_start3A_881 = arith.constant 0 : i32
    %dma_start3A_882 = arith.constant 0 : i32
    %dma_start3A_883 = tpu.memref_slice %arg2[%arg0, %dma_start3A_880, %dma_start3A_881, %dma_start3A_882] : memref<7x108x512x128xf32, #tpu.memory_space<any>> -> memref<1x1x512x128xf32, #tpu.memory_space<any>>
    %dma_start3A_884 = tpu.memref_squeeze %dma_start3A_883 : memref<1x1x512x128xf32, #tpu.memory_space<any>> -> memref<1x512x128xf32, #tpu.memory_space<any>>
    %dma_start3A_885 = arith.constant 5 : i32
    %dma_start3A_886 = arith.constant 0 : i32
    %dma_start3A_887 = arith.constant 0 : i32
    %dma_start3A_888 = tpu.memref_slice %arg1[%dma_start3A_879, %dma_start3A_885, %dma_start3A_886, %dma_start3A_887] : memref<1x24x512x128xf32, #tpu.memory_space<vmem>> -> memref<1x1x512x128xf32, #tpu.memory_space<vmem>>
    %dma_start3A_889 = tpu.memref_squeeze %dma_start3A_888 : memref<1x1x512x128xf32, #tpu.memory_space<vmem>> -> memref<1x512x128xf32, #tpu.memory_space<vmem>>
    tpu.enqueue_dma source(%dma_start3A_889 : memref<1x512x128xf32, #tpu.memory_space<vmem>>) target(%dma_start3A_884 : memref<1x512x128xf32, #tpu.memory_space<any>>) target_semaphore(%arg3 : memref<!tpu.dma_semaphore, #tpu.memory_space<semaphore_mem>>)
    %dma_start3A_890 = arith.constant 0 : i32
    %dma_start3A_891 = arith.constant 104 : i32
    %dma_start3A_892 = arith.constant 0 : i32
    %dma_start3A_893 = arith.constant 0 : i32
    %dma_start3A_894 = tpu.memref_slice %arg2[%arg0, %dma_start3A_891, %dma_start3A_892, %dma_start3A_893] : memref<7x108x512x128xf32, #tpu.memory_space<any>> -> memref<1x1x512x128xf32, #tpu.memory_space<any>>
    %dma_start3A_895 = tpu.memref_squeeze %dma_start3A_894 : memref<1x1x512x128xf32, #tpu.memory_space<any>> -> memref<1x512x128xf32, #tpu.memory_space<any>>
    %dma_start3A_896 = arith.constant 22 : i32
    %dma_start3A_897 = arith.constant 0 : i32
    %dma_start3A_898 = arith.constant 0 : i32
    %dma_start3A_899 = tpu.memref_slice %arg1[%dma_start3A_890, %dma_start3A_896, %dma_start3A_897, %dma_start3A_898] : memref<1x24x512x128xf32, #tpu.memory_space<vmem>> -> memref<1x1x512x128xf32, #tpu.memory_space<vmem>>
    %dma_start3A_900 = tpu.memref_squeeze %dma_start3A_899 : memref<1x1x512x128xf32, #tpu.memory_space<vmem>> -> memref<1x512x128xf32, #tpu.memory_space<vmem>>
    tpu.enqueue_dma source(%dma_start3A_900 : memref<1x512x128xf32, #tpu.memory_space<vmem>>) target(%dma_start3A_895 : memref<1x512x128xf32, #tpu.memory_space<any>>) target_semaphore(%arg3 : memref<!tpu.dma_semaphore, #tpu.memory_space<semaphore_mem>>)
    %dma_start3A_901 = arith.constant 0 : i32
    %dma_start3A_902 = arith.constant 105 : i32
    %dma_start3A_903 = arith.constant 0 : i32
    %dma_start3A_904 = arith.constant 0 : i32
    %dma_start3A_905 = tpu.memref_slice %arg2[%arg0, %dma_start3A_902, %dma_start3A_903, %dma_start3A_904] : memref<7x108x512x128xf32, #tpu.memory_space<any>> -> memref<1x1x512x128xf32, #tpu.memory_space<any>>
    %dma_start3A_906 = tpu.memref_squeeze %dma_start3A_905 : memref<1x1x512x128xf32, #tpu.memory_space<any>> -> memref<1x512x128xf32, #tpu.memory_space<any>>
    %dma_start3A_907 = arith.constant 2 : i32
    %dma_start3A_908 = arith.constant 0 : i32
    %dma_start3A_909 = arith.constant 0 : i32
    %dma_start3A_910 = tpu.memref_slice %arg1[%dma_start3A_901, %dma_start3A_907, %dma_start3A_908, %dma_start3A_909] : memref<1x24x512x128xf32, #tpu.memory_space<vmem>> -> memref<1x1x512x128xf32, #tpu.memory_space<vmem>>
    %dma_start3A_911 = tpu.memref_squeeze %dma_start3A_910 : memref<1x1x512x128xf32, #tpu.memory_space<vmem>> -> memref<1x512x128xf32, #tpu.memory_space<vmem>>
    tpu.enqueue_dma source(%dma_start3A_911 : memref<1x512x128xf32, #tpu.memory_space<vmem>>) target(%dma_start3A_906 : memref<1x512x128xf32, #tpu.memory_space<any>>) target_semaphore(%arg3 : memref<!tpu.dma_semaphore, #tpu.memory_space<semaphore_mem>>)
    %dma_start3A_912 = arith.constant 0 : i32
    %dma_start3A_913 = arith.constant 106 : i32
    %dma_start3A_914 = arith.constant 0 : i32
    %dma_start3A_915 = arith.constant 0 : i32
    %dma_start3A_916 = tpu.memref_slice %arg2[%arg0, %dma_start3A_913, %dma_start3A_914, %dma_start3A_915] : memref<7x108x512x128xf32, #tpu.memory_space<any>> -> memref<1x1x512x128xf32, #tpu.memory_space<any>>
    %dma_start3A_917 = tpu.memref_squeeze %dma_start3A_916 : memref<1x1x512x128xf32, #tpu.memory_space<any>> -> memref<1x512x128xf32, #tpu.memory_space<any>>
    %dma_start3A_918 = arith.constant 5 : i32
    %dma_start3A_919 = arith.constant 0 : i32
    %dma_start3A_920 = arith.constant 0 : i32
    %dma_start3A_921 = tpu.memref_slice %arg1[%dma_start3A_912, %dma_start3A_918, %dma_start3A_919, %dma_start3A_920] : memref<1x24x512x128xf32, #tpu.memory_space<vmem>> -> memref<1x1x512x128xf32, #tpu.memory_space<vmem>>
    %dma_start3A_922 = tpu.memref_squeeze %dma_start3A_921 : memref<1x1x512x128xf32, #tpu.memory_space<vmem>> -> memref<1x512x128xf32, #tpu.memory_space<vmem>>
    tpu.enqueue_dma source(%dma_start3A_922 : memref<1x512x128xf32, #tpu.memory_space<vmem>>) target(%dma_start3A_917 : memref<1x512x128xf32, #tpu.memory_space<any>>) target_semaphore(%arg3 : memref<!tpu.dma_semaphore, #tpu.memory_space<semaphore_mem>>)
    %dma_start3A_923 = arith.constant 0 : i32
    %dma_start3A_924 = arith.constant 107 : i32
    %dma_start3A_925 = arith.constant 0 : i32
    %dma_start3A_926 = arith.constant 0 : i32
    %dma_start3A_927 = tpu.memref_slice %arg2[%arg0, %dma_start3A_924, %dma_start3A_925, %dma_start3A_926] : memref<7x108x512x128xf32, #tpu.memory_space<any>> -> memref<1x1x512x128xf32, #tpu.memory_space<any>>
    %dma_start3A_928 = tpu.memref_squeeze %dma_start3A_927 : memref<1x1x512x128xf32, #tpu.memory_space<any>> -> memref<1x512x128xf32, #tpu.memory_space<any>>
    %dma_start3A_929 = arith.constant 23 : i32
    %dma_start3A_930 = arith.constant 0 : i32
    %dma_start3A_931 = arith.constant 0 : i32
    %dma_start3A_932 = tpu.memref_slice %arg1[%dma_start3A_923, %dma_start3A_929, %dma_start3A_930, %dma_start3A_931] : memref<1x24x512x128xf32, #tpu.memory_space<vmem>> -> memref<1x1x512x128xf32, #tpu.memory_space<vmem>>
    %dma_start3A_933 = tpu.memref_squeeze %dma_start3A_932 : memref<1x1x512x128xf32, #tpu.memory_space<vmem>> -> memref<1x512x128xf32, #tpu.memory_space<vmem>>
    tpu.enqueue_dma source(%dma_start3A_933 : memref<1x512x128xf32, #tpu.memory_space<vmem>>) target(%dma_start3A_928 : memref<1x512x128xf32, #tpu.memory_space<any>>) target_semaphore(%arg3 : memref<!tpu.dma_semaphore, #tpu.memory_space<semaphore_mem>>)
    %dma_wait3A = arith.constant 0 : i32
    %dma_wait3A_934 = arith.constant 0 : i32
    %dma_wait3A_935 = arith.constant 0 : i32
    %dma_wait3A_936 = arith.constant 0 : i32
    %dma_wait3A_937 = tpu.memref_slice %arg2[%arg0, %dma_wait3A_934, %dma_wait3A_935, %dma_wait3A_936] : memref<7x108x512x128xf32, #tpu.memory_space<any>> -> memref<1x9x512x128xf32, #tpu.memory_space<any>>
    %dma_wait3A_938 = tpu.memref_squeeze %dma_wait3A_937 : memref<1x9x512x128xf32, #tpu.memory_space<any>> -> memref<9x512x128xf32, #tpu.memory_space<any>>
    %dma_wait3A_939 = arith.constant 0 : i32
    %dma_wait3A_940 = arith.constant 0 : i32
    %dma_wait3A_941 = arith.constant 0 : i32
    %dma_wait3A_942 = tpu.memref_slice %arg1[%dma_wait3A, %dma_wait3A_939, %dma_wait3A_940, %dma_wait3A_941] : memref<1x24x512x128xf32, #tpu.memory_space<vmem>> -> memref<1x9x512x128xf32, #tpu.memory_space<vmem>>
    %dma_wait3A_943 = tpu.memref_squeeze %dma_wait3A_942 : memref<1x9x512x128xf32, #tpu.memory_space<vmem>> -> memref<9x512x128xf32, #tpu.memory_space<vmem>>
    tpu.wait_dma2 semaphore(%arg3 : memref<!tpu.dma_semaphore, #tpu.memory_space<semaphore_mem>>) src(%dma_wait3A_943 : memref<9x512x128xf32, #tpu.memory_space<vmem>>) dst(%dma_wait3A_938 : memref<9x512x128xf32, #tpu.memory_space<any>>)
    %dma_wait3A_944 = arith.constant 0 : i32
    %dma_wait3A_945 = arith.constant 9 : i32
    %dma_wait3A_946 = arith.constant 0 : i32
    %dma_wait3A_947 = arith.constant 0 : i32
    %dma_wait3A_948 = tpu.memref_slice %arg2[%arg0, %dma_wait3A_945, %dma_wait3A_946, %dma_wait3A_947] : memref<7x108x512x128xf32, #tpu.memory_space<any>> -> memref<1x2x512x128xf32, #tpu.memory_space<any>>
    %dma_wait3A_949 = tpu.memref_squeeze %dma_wait3A_948 : memref<1x2x512x128xf32, #tpu.memory_space<any>> -> memref<2x512x128xf32, #tpu.memory_space<any>>
    %dma_wait3A_950 = arith.constant 6 : i32
    %dma_wait3A_951 = arith.constant 0 : i32
    %dma_wait3A_952 = arith.constant 0 : i32
    %dma_wait3A_953 = tpu.memref_slice %arg1[%dma_wait3A_944, %dma_wait3A_950, %dma_wait3A_951, %dma_wait3A_952] : memref<1x24x512x128xf32, #tpu.memory_space<vmem>> -> memref<1x2x512x128xf32, #tpu.memory_space<vmem>>
    %dma_wait3A_954 = tpu.memref_squeeze %dma_wait3A_953 : memref<1x2x512x128xf32, #tpu.memory_space<vmem>> -> memref<2x512x128xf32, #tpu.memory_space<vmem>>
    tpu.wait_dma2 semaphore(%arg3 : memref<!tpu.dma_semaphore, #tpu.memory_space<semaphore_mem>>) src(%dma_wait3A_954 : memref<2x512x128xf32, #tpu.memory_space<vmem>>) dst(%dma_wait3A_949 : memref<2x512x128xf32, #tpu.memory_space<any>>)
    %dma_wait3A_955 = arith.constant 0 : i32
    %dma_wait3A_956 = arith.constant 11 : i32
    %dma_wait3A_957 = arith.constant 0 : i32
    %dma_wait3A_958 = arith.constant 0 : i32
    %dma_wait3A_959 = tpu.memref_slice %arg2[%arg0, %dma_wait3A_956, %dma_wait3A_957, %dma_wait3A_958] : memref<7x108x512x128xf32, #tpu.memory_space<any>> -> memref<1x1x512x128xf32, #tpu.memory_space<any>>
    %dma_wait3A_960 = tpu.memref_squeeze %dma_wait3A_959 : memref<1x1x512x128xf32, #tpu.memory_space<any>> -> memref<1x512x128xf32, #tpu.memory_space<any>>
    %dma_wait3A_961 = arith.constant 9 : i32
    %dma_wait3A_962 = arith.constant 0 : i32
    %dma_wait3A_963 = arith.constant 0 : i32
    %dma_wait3A_964 = tpu.memref_slice %arg1[%dma_wait3A_955, %dma_wait3A_961, %dma_wait3A_962, %dma_wait3A_963] : memref<1x24x512x128xf32, #tpu.memory_space<vmem>> -> memref<1x1x512x128xf32, #tpu.memory_space<vmem>>
    %dma_wait3A_965 = tpu.memref_squeeze %dma_wait3A_964 : memref<1x1x512x128xf32, #tpu.memory_space<vmem>> -> memref<1x512x128xf32, #tpu.memory_space<vmem>>
    tpu.wait_dma2 semaphore(%arg3 : memref<!tpu.dma_semaphore, #tpu.memory_space<semaphore_mem>>) src(%dma_wait3A_965 : memref<1x512x128xf32, #tpu.memory_space<vmem>>) dst(%dma_wait3A_960 : memref<1x512x128xf32, #tpu.memory_space<any>>)
    %dma_wait3A_966 = arith.constant 0 : i32
    %dma_wait3A_967 = arith.constant 12 : i32
    %dma_wait3A_968 = arith.constant 0 : i32
    %dma_wait3A_969 = arith.constant 0 : i32
    %dma_wait3A_970 = tpu.memref_slice %arg2[%arg0, %dma_wait3A_967, %dma_wait3A_968, %dma_wait3A_969] : memref<7x108x512x128xf32, #tpu.memory_space<any>> -> memref<1x2x512x128xf32, #tpu.memory_space<any>>
    %dma_wait3A_971 = tpu.memref_squeeze %dma_wait3A_970 : memref<1x2x512x128xf32, #tpu.memory_space<any>> -> memref<2x512x128xf32, #tpu.memory_space<any>>
    %dma_wait3A_972 = arith.constant 6 : i32
    %dma_wait3A_973 = arith.constant 0 : i32
    %dma_wait3A_974 = arith.constant 0 : i32
    %dma_wait3A_975 = tpu.memref_slice %arg1[%dma_wait3A_966, %dma_wait3A_972, %dma_wait3A_973, %dma_wait3A_974] : memref<1x24x512x128xf32, #tpu.memory_space<vmem>> -> memref<1x2x512x128xf32, #tpu.memory_space<vmem>>
    %dma_wait3A_976 = tpu.memref_squeeze %dma_wait3A_975 : memref<1x2x512x128xf32, #tpu.memory_space<vmem>> -> memref<2x512x128xf32, #tpu.memory_space<vmem>>
    tpu.wait_dma2 semaphore(%arg3 : memref<!tpu.dma_semaphore, #tpu.memory_space<semaphore_mem>>) src(%dma_wait3A_976 : memref<2x512x128xf32, #tpu.memory_space<vmem>>) dst(%dma_wait3A_971 : memref<2x512x128xf32, #tpu.memory_space<any>>)
    %dma_wait3A_977 = arith.constant 0 : i32
    %dma_wait3A_978 = arith.constant 14 : i32
    %dma_wait3A_979 = arith.constant 0 : i32
    %dma_wait3A_980 = arith.constant 0 : i32
    %dma_wait3A_981 = tpu.memref_slice %arg2[%arg0, %dma_wait3A_978, %dma_wait3A_979, %dma_wait3A_980] : memref<7x108x512x128xf32, #tpu.memory_space<any>> -> memref<1x1x512x128xf32, #tpu.memory_space<any>>
    %dma_wait3A_982 = tpu.memref_squeeze %dma_wait3A_981 : memref<1x1x512x128xf32, #tpu.memory_space<any>> -> memref<1x512x128xf32, #tpu.memory_space<any>>
    %dma_wait3A_983 = arith.constant 10 : i32
    %dma_wait3A_984 = arith.constant 0 : i32
    %dma_wait3A_985 = arith.constant 0 : i32
    %dma_wait3A_986 = tpu.memref_slice %arg1[%dma_wait3A_977, %dma_wait3A_983, %dma_wait3A_984, %dma_wait3A_985] : memref<1x24x512x128xf32, #tpu.memory_space<vmem>> -> memref<1x1x512x128xf32, #tpu.memory_space<vmem>>
    %dma_wait3A_987 = tpu.memref_squeeze %dma_wait3A_986 : memref<1x1x512x128xf32, #tpu.memory_space<vmem>> -> memref<1x512x128xf32, #tpu.memory_space<vmem>>
    tpu.wait_dma2 semaphore(%arg3 : memref<!tpu.dma_semaphore, #tpu.memory_space<semaphore_mem>>) src(%dma_wait3A_987 : memref<1x512x128xf32, #tpu.memory_space<vmem>>) dst(%dma_wait3A_982 : memref<1x512x128xf32, #tpu.memory_space<any>>)
    %dma_wait3A_988 = arith.constant 0 : i32
    %dma_wait3A_989 = arith.constant 15 : i32
    %dma_wait3A_990 = arith.constant 0 : i32
    %dma_wait3A_991 = arith.constant 0 : i32
    %dma_wait3A_992 = tpu.memref_slice %arg2[%arg0, %dma_wait3A_989, %dma_wait3A_990, %dma_wait3A_991] : memref<7x108x512x128xf32, #tpu.memory_space<any>> -> memref<1x2x512x128xf32, #tpu.memory_space<any>>
    %dma_wait3A_993 = tpu.memref_squeeze %dma_wait3A_992 : memref<1x2x512x128xf32, #tpu.memory_space<any>> -> memref<2x512x128xf32, #tpu.memory_space<any>>
    %dma_wait3A_994 = arith.constant 6 : i32
    %dma_wait3A_995 = arith.constant 0 : i32
    %dma_wait3A_996 = arith.constant 0 : i32
    %dma_wait3A_997 = tpu.memref_slice %arg1[%dma_wait3A_988, %dma_wait3A_994, %dma_wait3A_995, %dma_wait3A_996] : memref<1x24x512x128xf32, #tpu.memory_space<vmem>> -> memref<1x2x512x128xf32, #tpu.memory_space<vmem>>
    %dma_wait3A_998 = tpu.memref_squeeze %dma_wait3A_997 : memref<1x2x512x128xf32, #tpu.memory_space<vmem>> -> memref<2x512x128xf32, #tpu.memory_space<vmem>>
    tpu.wait_dma2 semaphore(%arg3 : memref<!tpu.dma_semaphore, #tpu.memory_space<semaphore_mem>>) src(%dma_wait3A_998 : memref<2x512x128xf32, #tpu.memory_space<vmem>>) dst(%dma_wait3A_993 : memref<2x512x128xf32, #tpu.memory_space<any>>)
    %dma_wait3A_999 = arith.constant 0 : i32
    %dma_wait3A_1000 = arith.constant 17 : i32
    %dma_wait3A_1001 = arith.constant 0 : i32
    %dma_wait3A_1002 = arith.constant 0 : i32
    %dma_wait3A_1003 = tpu.memref_slice %arg2[%arg0, %dma_wait3A_1000, %dma_wait3A_1001, %dma_wait3A_1002] : memref<7x108x512x128xf32, #tpu.memory_space<any>> -> memref<1x1x512x128xf32, #tpu.memory_space<any>>
    %dma_wait3A_1004 = tpu.memref_squeeze %dma_wait3A_1003 : memref<1x1x512x128xf32, #tpu.memory_space<any>> -> memref<1x512x128xf32, #tpu.memory_space<any>>
    %dma_wait3A_1005 = arith.constant 11 : i32
    %dma_wait3A_1006 = arith.constant 0 : i32
    %dma_wait3A_1007 = arith.constant 0 : i32
    %dma_wait3A_1008 = tpu.memref_slice %arg1[%dma_wait3A_999, %dma_wait3A_1005, %dma_wait3A_1006, %dma_wait3A_1007] : memref<1x24x512x128xf32, #tpu.memory_space<vmem>> -> memref<1x1x512x128xf32, #tpu.memory_space<vmem>>
    %dma_wait3A_1009 = tpu.memref_squeeze %dma_wait3A_1008 : memref<1x1x512x128xf32, #tpu.memory_space<vmem>> -> memref<1x512x128xf32, #tpu.memory_space<vmem>>
    tpu.wait_dma2 semaphore(%arg3 : memref<!tpu.dma_semaphore, #tpu.memory_space<semaphore_mem>>) src(%dma_wait3A_1009 : memref<1x512x128xf32, #tpu.memory_space<vmem>>) dst(%dma_wait3A_1004 : memref<1x512x128xf32, #tpu.memory_space<any>>)
    %dma_wait3A_1010 = arith.constant 0 : i32
    %dma_wait3A_1011 = arith.constant 18 : i32
    %dma_wait3A_1012 = arith.constant 0 : i32
    %dma_wait3A_1013 = arith.constant 0 : i32
    %dma_wait3A_1014 = tpu.memref_slice %arg2[%arg0, %dma_wait3A_1011, %dma_wait3A_1012, %dma_wait3A_1013] : memref<7x108x512x128xf32, #tpu.memory_space<any>> -> memref<1x2x512x128xf32, #tpu.memory_space<any>>
    %dma_wait3A_1015 = tpu.memref_squeeze %dma_wait3A_1014 : memref<1x2x512x128xf32, #tpu.memory_space<any>> -> memref<2x512x128xf32, #tpu.memory_space<any>>
    %dma_wait3A_1016 = arith.constant 6 : i32
    %dma_wait3A_1017 = arith.constant 0 : i32
    %dma_wait3A_1018 = arith.constant 0 : i32
    %dma_wait3A_1019 = tpu.memref_slice %arg1[%dma_wait3A_1010, %dma_wait3A_1016, %dma_wait3A_1017, %dma_wait3A_1018] : memref<1x24x512x128xf32, #tpu.memory_space<vmem>> -> memref<1x2x512x128xf32, #tpu.memory_space<vmem>>
    %dma_wait3A_1020 = tpu.memref_squeeze %dma_wait3A_1019 : memref<1x2x512x128xf32, #tpu.memory_space<vmem>> -> memref<2x512x128xf32, #tpu.memory_space<vmem>>
    tpu.wait_dma2 semaphore(%arg3 : memref<!tpu.dma_semaphore, #tpu.memory_space<semaphore_mem>>) src(%dma_wait3A_1020 : memref<2x512x128xf32, #tpu.memory_space<vmem>>) dst(%dma_wait3A_1015 : memref<2x512x128xf32, #tpu.memory_space<any>>)
    %dma_wait3A_1021 = arith.constant 0 : i32
    %dma_wait3A_1022 = arith.constant 20 : i32
    %dma_wait3A_1023 = arith.constant 0 : i32
    %dma_wait3A_1024 = arith.constant 0 : i32
    %dma_wait3A_1025 = tpu.memref_slice %arg2[%arg0, %dma_wait3A_1022, %dma_wait3A_1023, %dma_wait3A_1024] : memref<7x108x512x128xf32, #tpu.memory_space<any>> -> memref<1x1x512x128xf32, #tpu.memory_space<any>>
    %dma_wait3A_1026 = tpu.memref_squeeze %dma_wait3A_1025 : memref<1x1x512x128xf32, #tpu.memory_space<any>> -> memref<1x512x128xf32, #tpu.memory_space<any>>
    %dma_wait3A_1027 = arith.constant 12 : i32
    %dma_wait3A_1028 = arith.constant 0 : i32
    %dma_wait3A_1029 = arith.constant 0 : i32
    %dma_wait3A_1030 = tpu.memref_slice %arg1[%dma_wait3A_1021, %dma_wait3A_1027, %dma_wait3A_1028, %dma_wait3A_1029] : memref<1x24x512x128xf32, #tpu.memory_space<vmem>> -> memref<1x1x512x128xf32, #tpu.memory_space<vmem>>
    %dma_wait3A_1031 = tpu.memref_squeeze %dma_wait3A_1030 : memref<1x1x512x128xf32, #tpu.memory_space<vmem>> -> memref<1x512x128xf32, #tpu.memory_space<vmem>>
    tpu.wait_dma2 semaphore(%arg3 : memref<!tpu.dma_semaphore, #tpu.memory_space<semaphore_mem>>) src(%dma_wait3A_1031 : memref<1x512x128xf32, #tpu.memory_space<vmem>>) dst(%dma_wait3A_1026 : memref<1x512x128xf32, #tpu.memory_space<any>>)
    %dma_wait3A_1032 = arith.constant 0 : i32
    %dma_wait3A_1033 = arith.constant 21 : i32
    %dma_wait3A_1034 = arith.constant 0 : i32
    %dma_wait3A_1035 = arith.constant 0 : i32
    %dma_wait3A_1036 = tpu.memref_slice %arg2[%arg0, %dma_wait3A_1033, %dma_wait3A_1034, %dma_wait3A_1035] : memref<7x108x512x128xf32, #tpu.memory_space<any>> -> memref<1x2x512x128xf32, #tpu.memory_space<any>>
    %dma_wait3A_1037 = tpu.memref_squeeze %dma_wait3A_1036 : memref<1x2x512x128xf32, #tpu.memory_space<any>> -> memref<2x512x128xf32, #tpu.memory_space<any>>
    %dma_wait3A_1038 = arith.constant 6 : i32
    %dma_wait3A_1039 = arith.constant 0 : i32
    %dma_wait3A_1040 = arith.constant 0 : i32
    %dma_wait3A_1041 = tpu.memref_slice %arg1[%dma_wait3A_1032, %dma_wait3A_1038, %dma_wait3A_1039, %dma_wait3A_1040] : memref<1x24x512x128xf32, #tpu.memory_space<vmem>> -> memref<1x2x512x128xf32, #tpu.memory_space<vmem>>
    %dma_wait3A_1042 = tpu.memref_squeeze %dma_wait3A_1041 : memref<1x2x512x128xf32, #tpu.memory_space<vmem>> -> memref<2x512x128xf32, #tpu.memory_space<vmem>>
    tpu.wait_dma2 semaphore(%arg3 : memref<!tpu.dma_semaphore, #tpu.memory_space<semaphore_mem>>) src(%dma_wait3A_1042 : memref<2x512x128xf32, #tpu.memory_space<vmem>>) dst(%dma_wait3A_1037 : memref<2x512x128xf32, #tpu.memory_space<any>>)
    %dma_wait3A_1043 = arith.constant 0 : i32
    %dma_wait3A_1044 = arith.constant 23 : i32
    %dma_wait3A_1045 = arith.constant 0 : i32
    %dma_wait3A_1046 = arith.constant 0 : i32
    %dma_wait3A_1047 = tpu.memref_slice %arg2[%arg0, %dma_wait3A_1044, %dma_wait3A_1045, %dma_wait3A_1046] : memref<7x108x512x128xf32, #tpu.memory_space<any>> -> memref<1x1x512x128xf32, #tpu.memory_space<any>>
    %dma_wait3A_1048 = tpu.memref_squeeze %dma_wait3A_1047 : memref<1x1x512x128xf32, #tpu.memory_space<any>> -> memref<1x512x128xf32, #tpu.memory_space<any>>
    %dma_wait3A_1049 = arith.constant 13 : i32
    %dma_wait3A_1050 = arith.constant 0 : i32
    %dma_wait3A_1051 = arith.constant 0 : i32
    %dma_wait3A_1052 = tpu.memref_slice %arg1[%dma_wait3A_1043, %dma_wait3A_1049, %dma_wait3A_1050, %dma_wait3A_1051] : memref<1x24x512x128xf32, #tpu.memory_space<vmem>> -> memref<1x1x512x128xf32, #tpu.memory_space<vmem>>
    %dma_wait3A_1053 = tpu.memref_squeeze %dma_wait3A_1052 : memref<1x1x512x128xf32, #tpu.memory_space<vmem>> -> memref<1x512x128xf32, #tpu.memory_space<vmem>>
    tpu.wait_dma2 semaphore(%arg3 : memref<!tpu.dma_semaphore, #tpu.memory_space<semaphore_mem>>) src(%dma_wait3A_1053 : memref<1x512x128xf32, #tpu.memory_space<vmem>>) dst(%dma_wait3A_1048 : memref<1x512x128xf32, #tpu.memory_space<any>>)
    %dma_wait3A_1054 = arith.constant 0 : i32
    %dma_wait3A_1055 = arith.constant 24 : i32
    %dma_wait3A_1056 = arith.constant 0 : i32
    %dma_wait3A_1057 = arith.constant 0 : i32
    %dma_wait3A_1058 = tpu.memref_slice %arg2[%arg0, %dma_wait3A_1055, %dma_wait3A_1056, %dma_wait3A_1057] : memref<7x108x512x128xf32, #tpu.memory_space<any>> -> memref<1x2x512x128xf32, #tpu.memory_space<any>>
    %dma_wait3A_1059 = tpu.memref_squeeze %dma_wait3A_1058 : memref<1x2x512x128xf32, #tpu.memory_space<any>> -> memref<2x512x128xf32, #tpu.memory_space<any>>
    %dma_wait3A_1060 = arith.constant 6 : i32
    %dma_wait3A_1061 = arith.constant 0 : i32
    %dma_wait3A_1062 = arith.constant 0 : i32
    %dma_wait3A_1063 = tpu.memref_slice %arg1[%dma_wait3A_1054, %dma_wait3A_1060, %dma_wait3A_1061, %dma_wait3A_1062] : memref<1x24x512x128xf32, #tpu.memory_space<vmem>> -> memref<1x2x512x128xf32, #tpu.memory_space<vmem>>
    %dma_wait3A_1064 = tpu.memref_squeeze %dma_wait3A_1063 : memref<1x2x512x128xf32, #tpu.memory_space<vmem>> -> memref<2x512x128xf32, #tpu.memory_space<vmem>>
    tpu.wait_dma2 semaphore(%arg3 : memref<!tpu.dma_semaphore, #tpu.memory_space<semaphore_mem>>) src(%dma_wait3A_1064 : memref<2x512x128xf32, #tpu.memory_space<vmem>>) dst(%dma_wait3A_1059 : memref<2x512x128xf32, #tpu.memory_space<any>>)
    %dma_wait3A_1065 = arith.constant 0 : i32
    %dma_wait3A_1066 = arith.constant 26 : i32
    %dma_wait3A_1067 = arith.constant 0 : i32
    %dma_wait3A_1068 = arith.constant 0 : i32
    %dma_wait3A_1069 = tpu.memref_slice %arg2[%arg0, %dma_wait3A_1066, %dma_wait3A_1067, %dma_wait3A_1068] : memref<7x108x512x128xf32, #tpu.memory_space<any>> -> memref<1x1x512x128xf32, #tpu.memory_space<any>>
    %dma_wait3A_1070 = tpu.memref_squeeze %dma_wait3A_1069 : memref<1x1x512x128xf32, #tpu.memory_space<any>> -> memref<1x512x128xf32, #tpu.memory_space<any>>
    %dma_wait3A_1071 = arith.constant 14 : i32
    %dma_wait3A_1072 = arith.constant 0 : i32
    %dma_wait3A_1073 = arith.constant 0 : i32
    %dma_wait3A_1074 = tpu.memref_slice %arg1[%dma_wait3A_1065, %dma_wait3A_1071, %dma_wait3A_1072, %dma_wait3A_1073] : memref<1x24x512x128xf32, #tpu.memory_space<vmem>> -> memref<1x1x512x128xf32, #tpu.memory_space<vmem>>
    %dma_wait3A_1075 = tpu.memref_squeeze %dma_wait3A_1074 : memref<1x1x512x128xf32, #tpu.memory_space<vmem>> -> memref<1x512x128xf32, #tpu.memory_space<vmem>>
    tpu.wait_dma2 semaphore(%arg3 : memref<!tpu.dma_semaphore, #tpu.memory_space<semaphore_mem>>) src(%dma_wait3A_1075 : memref<1x512x128xf32, #tpu.memory_space<vmem>>) dst(%dma_wait3A_1070 : memref<1x512x128xf32, #tpu.memory_space<any>>)
    %dma_wait3A_1076 = arith.constant 0 : i32
    %dma_wait3A_1077 = arith.constant 27 : i32
    %dma_wait3A_1078 = arith.constant 0 : i32
    %dma_wait3A_1079 = arith.constant 0 : i32
    %dma_wait3A_1080 = tpu.memref_slice %arg2[%arg0, %dma_wait3A_1077, %dma_wait3A_1078, %dma_wait3A_1079] : memref<7x108x512x128xf32, #tpu.memory_space<any>> -> memref<1x2x512x128xf32, #tpu.memory_space<any>>
    %dma_wait3A_1081 = tpu.memref_squeeze %dma_wait3A_1080 : memref<1x2x512x128xf32, #tpu.memory_space<any>> -> memref<2x512x128xf32, #tpu.memory_space<any>>
    %dma_wait3A_1082 = arith.constant 6 : i32
    %dma_wait3A_1083 = arith.constant 0 : i32
    %dma_wait3A_1084 = arith.constant 0 : i32
    %dma_wait3A_1085 = tpu.memref_slice %arg1[%dma_wait3A_1076, %dma_wait3A_1082, %dma_wait3A_1083, %dma_wait3A_1084] : memref<1x24x512x128xf32, #tpu.memory_space<vmem>> -> memref<1x2x512x128xf32, #tpu.memory_space<vmem>>
    %dma_wait3A_1086 = tpu.memref_squeeze %dma_wait3A_1085 : memref<1x2x512x128xf32, #tpu.memory_space<vmem>> -> memref<2x512x128xf32, #tpu.memory_space<vmem>>
    tpu.wait_dma2 semaphore(%arg3 : memref<!tpu.dma_semaphore, #tpu.memory_space<semaphore_mem>>) src(%dma_wait3A_1086 : memref<2x512x128xf32, #tpu.memory_space<vmem>>) dst(%dma_wait3A_1081 : memref<2x512x128xf32, #tpu.memory_space<any>>)
    %dma_wait3A_1087 = arith.constant 0 : i32
    %dma_wait3A_1088 = arith.constant 29 : i32
    %dma_wait3A_1089 = arith.constant 0 : i32
    %dma_wait3A_1090 = arith.constant 0 : i32
    %dma_wait3A_1091 = tpu.memref_slice %arg2[%arg0, %dma_wait3A_1088, %dma_wait3A_1089, %dma_wait3A_1090] : memref<7x108x512x128xf32, #tpu.memory_space<any>> -> memref<1x1x512x128xf32, #tpu.memory_space<any>>
    %dma_wait3A_1092 = tpu.memref_squeeze %dma_wait3A_1091 : memref<1x1x512x128xf32, #tpu.memory_space<any>> -> memref<1x512x128xf32, #tpu.memory_space<any>>
    %dma_wait3A_1093 = arith.constant 15 : i32
    %dma_wait3A_1094 = arith.constant 0 : i32
    %dma_wait3A_1095 = arith.constant 0 : i32
    %dma_wait3A_1096 = tpu.memref_slice %arg1[%dma_wait3A_1087, %dma_wait3A_1093, %dma_wait3A_1094, %dma_wait3A_1095] : memref<1x24x512x128xf32, #tpu.memory_space<vmem>> -> memref<1x1x512x128xf32, #tpu.memory_space<vmem>>
    %dma_wait3A_1097 = tpu.memref_squeeze %dma_wait3A_1096 : memref<1x1x512x128xf32, #tpu.memory_space<vmem>> -> memref<1x512x128xf32, #tpu.memory_space<vmem>>
    tpu.wait_dma2 semaphore(%arg3 : memref<!tpu.dma_semaphore, #tpu.memory_space<semaphore_mem>>) src(%dma_wait3A_1097 : memref<1x512x128xf32, #tpu.memory_space<vmem>>) dst(%dma_wait3A_1092 : memref<1x512x128xf32, #tpu.memory_space<any>>)
    %dma_wait3A_1098 = arith.constant 0 : i32
    %dma_wait3A_1099 = arith.constant 30 : i32
    %dma_wait3A_1100 = arith.constant 0 : i32
    %dma_wait3A_1101 = arith.constant 0 : i32
    %dma_wait3A_1102 = tpu.memref_slice %arg2[%arg0, %dma_wait3A_1099, %dma_wait3A_1100, %dma_wait3A_1101] : memref<7x108x512x128xf32, #tpu.memory_space<any>> -> memref<1x2x512x128xf32, #tpu.memory_space<any>>
    %dma_wait3A_1103 = tpu.memref_squeeze %dma_wait3A_1102 : memref<1x2x512x128xf32, #tpu.memory_space<any>> -> memref<2x512x128xf32, #tpu.memory_space<any>>
    %dma_wait3A_1104 = arith.constant 6 : i32
    %dma_wait3A_1105 = arith.constant 0 : i32
    %dma_wait3A_1106 = arith.constant 0 : i32
    %dma_wait3A_1107 = tpu.memref_slice %arg1[%dma_wait3A_1098, %dma_wait3A_1104, %dma_wait3A_1105, %dma_wait3A_1106] : memref<1x24x512x128xf32, #tpu.memory_space<vmem>> -> memref<1x2x512x128xf32, #tpu.memory_space<vmem>>
    %dma_wait3A_1108 = tpu.memref_squeeze %dma_wait3A_1107 : memref<1x2x512x128xf32, #tpu.memory_space<vmem>> -> memref<2x512x128xf32, #tpu.memory_space<vmem>>
    tpu.wait_dma2 semaphore(%arg3 : memref<!tpu.dma_semaphore, #tpu.memory_space<semaphore_mem>>) src(%dma_wait3A_1108 : memref<2x512x128xf32, #tpu.memory_space<vmem>>) dst(%dma_wait3A_1103 : memref<2x512x128xf32, #tpu.memory_space<any>>)
    %dma_wait3A_1109 = arith.constant 0 : i32
    %dma_wait3A_1110 = arith.constant 32 : i32
    %dma_wait3A_1111 = arith.constant 0 : i32
    %dma_wait3A_1112 = arith.constant 0 : i32
    %dma_wait3A_1113 = tpu.memref_slice %arg2[%arg0, %dma_wait3A_1110, %dma_wait3A_1111, %dma_wait3A_1112] : memref<7x108x512x128xf32, #tpu.memory_space<any>> -> memref<1x1x512x128xf32, #tpu.memory_space<any>>
    %dma_wait3A_1114 = tpu.memref_squeeze %dma_wait3A_1113 : memref<1x1x512x128xf32, #tpu.memory_space<any>> -> memref<1x512x128xf32, #tpu.memory_space<any>>
    %dma_wait3A_1115 = arith.constant 16 : i32
    %dma_wait3A_1116 = arith.constant 0 : i32
    %dma_wait3A_1117 = arith.constant 0 : i32
    %dma_wait3A_1118 = tpu.memref_slice %arg1[%dma_wait3A_1109, %dma_wait3A_1115, %dma_wait3A_1116, %dma_wait3A_1117] : memref<1x24x512x128xf32, #tpu.memory_space<vmem>> -> memref<1x1x512x128xf32, #tpu.memory_space<vmem>>
    %dma_wait3A_1119 = tpu.memref_squeeze %dma_wait3A_1118 : memref<1x1x512x128xf32, #tpu.memory_space<vmem>> -> memref<1x512x128xf32, #tpu.memory_space<vmem>>
    tpu.wait_dma2 semaphore(%arg3 : memref<!tpu.dma_semaphore, #tpu.memory_space<semaphore_mem>>) src(%dma_wait3A_1119 : memref<1x512x128xf32, #tpu.memory_space<vmem>>) dst(%dma_wait3A_1114 : memref<1x512x128xf32, #tpu.memory_space<any>>)
    %dma_wait3A_1120 = arith.constant 0 : i32
    %dma_wait3A_1121 = arith.constant 33 : i32
    %dma_wait3A_1122 = arith.constant 0 : i32
    %dma_wait3A_1123 = arith.constant 0 : i32
    %dma_wait3A_1124 = tpu.memref_slice %arg2[%arg0, %dma_wait3A_1121, %dma_wait3A_1122, %dma_wait3A_1123] : memref<7x108x512x128xf32, #tpu.memory_space<any>> -> memref<1x2x512x128xf32, #tpu.memory_space<any>>
    %dma_wait3A_1125 = tpu.memref_squeeze %dma_wait3A_1124 : memref<1x2x512x128xf32, #tpu.memory_space<any>> -> memref<2x512x128xf32, #tpu.memory_space<any>>
    %dma_wait3A_1126 = arith.constant 6 : i32
    %dma_wait3A_1127 = arith.constant 0 : i32
    %dma_wait3A_1128 = arith.constant 0 : i32
    %dma_wait3A_1129 = tpu.memref_slice %arg1[%dma_wait3A_1120, %dma_wait3A_1126, %dma_wait3A_1127, %dma_wait3A_1128] : memref<1x24x512x128xf32, #tpu.memory_space<vmem>> -> memref<1x2x512x128xf32, #tpu.memory_space<vmem>>
    %dma_wait3A_1130 = tpu.memref_squeeze %dma_wait3A_1129 : memref<1x2x512x128xf32, #tpu.memory_space<vmem>> -> memref<2x512x128xf32, #tpu.memory_space<vmem>>
    tpu.wait_dma2 semaphore(%arg3 : memref<!tpu.dma_semaphore, #tpu.memory_space<semaphore_mem>>) src(%dma_wait3A_1130 : memref<2x512x128xf32, #tpu.memory_space<vmem>>) dst(%dma_wait3A_1125 : memref<2x512x128xf32, #tpu.memory_space<any>>)
    %dma_wait3A_1131 = arith.constant 0 : i32
    %dma_wait3A_1132 = arith.constant 35 : i32
    %dma_wait3A_1133 = arith.constant 0 : i32
    %dma_wait3A_1134 = arith.constant 0 : i32
    %dma_wait3A_1135 = tpu.memref_slice %arg2[%arg0, %dma_wait3A_1132, %dma_wait3A_1133, %dma_wait3A_1134] : memref<7x108x512x128xf32, #tpu.memory_space<any>> -> memref<1x1x512x128xf32, #tpu.memory_space<any>>
    %dma_wait3A_1136 = tpu.memref_squeeze %dma_wait3A_1135 : memref<1x1x512x128xf32, #tpu.memory_space<any>> -> memref<1x512x128xf32, #tpu.memory_space<any>>
    %dma_wait3A_1137 = arith.constant 17 : i32
    %dma_wait3A_1138 = arith.constant 0 : i32
    %dma_wait3A_1139 = arith.constant 0 : i32
    %dma_wait3A_1140 = tpu.memref_slice %arg1[%dma_wait3A_1131, %dma_wait3A_1137, %dma_wait3A_1138, %dma_wait3A_1139] : memref<1x24x512x128xf32, #tpu.memory_space<vmem>> -> memref<1x1x512x128xf32, #tpu.memory_space<vmem>>
    %dma_wait3A_1141 = tpu.memref_squeeze %dma_wait3A_1140 : memref<1x1x512x128xf32, #tpu.memory_space<vmem>> -> memref<1x512x128xf32, #tpu.memory_space<vmem>>
    tpu.wait_dma2 semaphore(%arg3 : memref<!tpu.dma_semaphore, #tpu.memory_space<semaphore_mem>>) src(%dma_wait3A_1141 : memref<1x512x128xf32, #tpu.memory_space<vmem>>) dst(%dma_wait3A_1136 : memref<1x512x128xf32, #tpu.memory_space<any>>)
    %dma_wait3A_1142 = arith.constant 0 : i32
    %dma_wait3A_1143 = arith.constant 36 : i32
    %dma_wait3A_1144 = arith.constant 0 : i32
    %dma_wait3A_1145 = arith.constant 0 : i32
    %dma_wait3A_1146 = tpu.memref_slice %arg2[%arg0, %dma_wait3A_1143, %dma_wait3A_1144, %dma_wait3A_1145] : memref<7x108x512x128xf32, #tpu.memory_space<any>> -> memref<1x2x512x128xf32, #tpu.memory_space<any>>
    %dma_wait3A_1147 = tpu.memref_squeeze %dma_wait3A_1146 : memref<1x2x512x128xf32, #tpu.memory_space<any>> -> memref<2x512x128xf32, #tpu.memory_space<any>>
    %dma_wait3A_1148 = arith.constant 6 : i32
    %dma_wait3A_1149 = arith.constant 0 : i32
    %dma_wait3A_1150 = arith.constant 0 : i32
    %dma_wait3A_1151 = tpu.memref_slice %arg1[%dma_wait3A_1142, %dma_wait3A_1148, %dma_wait3A_1149, %dma_wait3A_1150] : memref<1x24x512x128xf32, #tpu.memory_space<vmem>> -> memref<1x2x512x128xf32, #tpu.memory_space<vmem>>
    %dma_wait3A_1152 = tpu.memref_squeeze %dma_wait3A_1151 : memref<1x2x512x128xf32, #tpu.memory_space<vmem>> -> memref<2x512x128xf32, #tpu.memory_space<vmem>>
    tpu.wait_dma2 semaphore(%arg3 : memref<!tpu.dma_semaphore, #tpu.memory_space<semaphore_mem>>) src(%dma_wait3A_1152 : memref<2x512x128xf32, #tpu.memory_space<vmem>>) dst(%dma_wait3A_1147 : memref<2x512x128xf32, #tpu.memory_space<any>>)
    %dma_wait3A_1153 = arith.constant 0 : i32
    %dma_wait3A_1154 = arith.constant 38 : i32
    %dma_wait3A_1155 = arith.constant 0 : i32
    %dma_wait3A_1156 = arith.constant 0 : i32
    %dma_wait3A_1157 = tpu.memref_slice %arg2[%arg0, %dma_wait3A_1154, %dma_wait3A_1155, %dma_wait3A_1156] : memref<7x108x512x128xf32, #tpu.memory_space<any>> -> memref<1x1x512x128xf32, #tpu.memory_space<any>>
    %dma_wait3A_1158 = tpu.memref_squeeze %dma_wait3A_1157 : memref<1x1x512x128xf32, #tpu.memory_space<any>> -> memref<1x512x128xf32, #tpu.memory_space<any>>
    %dma_wait3A_1159 = arith.constant 18 : i32
    %dma_wait3A_1160 = arith.constant 0 : i32
    %dma_wait3A_1161 = arith.constant 0 : i32
    %dma_wait3A_1162 = tpu.memref_slice %arg1[%dma_wait3A_1153, %dma_wait3A_1159, %dma_wait3A_1160, %dma_wait3A_1161] : memref<1x24x512x128xf32, #tpu.memory_space<vmem>> -> memref<1x1x512x128xf32, #tpu.memory_space<vmem>>
    %dma_wait3A_1163 = tpu.memref_squeeze %dma_wait3A_1162 : memref<1x1x512x128xf32, #tpu.memory_space<vmem>> -> memref<1x512x128xf32, #tpu.memory_space<vmem>>
    tpu.wait_dma2 semaphore(%arg3 : memref<!tpu.dma_semaphore, #tpu.memory_space<semaphore_mem>>) src(%dma_wait3A_1163 : memref<1x512x128xf32, #tpu.memory_space<vmem>>) dst(%dma_wait3A_1158 : memref<1x512x128xf32, #tpu.memory_space<any>>)
    %dma_wait3A_1164 = arith.constant 0 : i32
    %dma_wait3A_1165 = arith.constant 39 : i32
    %dma_wait3A_1166 = arith.constant 0 : i32
    %dma_wait3A_1167 = arith.constant 0 : i32
    %dma_wait3A_1168 = tpu.memref_slice %arg2[%arg0, %dma_wait3A_1165, %dma_wait3A_1166, %dma_wait3A_1167] : memref<7x108x512x128xf32, #tpu.memory_space<any>> -> memref<1x2x512x128xf32, #tpu.memory_space<any>>
    %dma_wait3A_1169 = tpu.memref_squeeze %dma_wait3A_1168 : memref<1x2x512x128xf32, #tpu.memory_space<any>> -> memref<2x512x128xf32, #tpu.memory_space<any>>
    %dma_wait3A_1170 = arith.constant 6 : i32
    %dma_wait3A_1171 = arith.constant 0 : i32
    %dma_wait3A_1172 = arith.constant 0 : i32
    %dma_wait3A_1173 = tpu.memref_slice %arg1[%dma_wait3A_1164, %dma_wait3A_1170, %dma_wait3A_1171, %dma_wait3A_1172] : memref<1x24x512x128xf32, #tpu.memory_space<vmem>> -> memref<1x2x512x128xf32, #tpu.memory_space<vmem>>
    %dma_wait3A_1174 = tpu.memref_squeeze %dma_wait3A_1173 : memref<1x2x512x128xf32, #tpu.memory_space<vmem>> -> memref<2x512x128xf32, #tpu.memory_space<vmem>>
    tpu.wait_dma2 semaphore(%arg3 : memref<!tpu.dma_semaphore, #tpu.memory_space<semaphore_mem>>) src(%dma_wait3A_1174 : memref<2x512x128xf32, #tpu.memory_space<vmem>>) dst(%dma_wait3A_1169 : memref<2x512x128xf32, #tpu.memory_space<any>>)
    %dma_wait3A_1175 = arith.constant 0 : i32
    %dma_wait3A_1176 = arith.constant 41 : i32
    %dma_wait3A_1177 = arith.constant 0 : i32
    %dma_wait3A_1178 = arith.constant 0 : i32
    %dma_wait3A_1179 = tpu.memref_slice %arg2[%arg0, %dma_wait3A_1176, %dma_wait3A_1177, %dma_wait3A_1178] : memref<7x108x512x128xf32, #tpu.memory_space<any>> -> memref<1x1x512x128xf32, #tpu.memory_space<any>>
    %dma_wait3A_1180 = tpu.memref_squeeze %dma_wait3A_1179 : memref<1x1x512x128xf32, #tpu.memory_space<any>> -> memref<1x512x128xf32, #tpu.memory_space<any>>
    %dma_wait3A_1181 = arith.constant 19 : i32
    %dma_wait3A_1182 = arith.constant 0 : i32
    %dma_wait3A_1183 = arith.constant 0 : i32
    %dma_wait3A_1184 = tpu.memref_slice %arg1[%dma_wait3A_1175, %dma_wait3A_1181, %dma_wait3A_1182, %dma_wait3A_1183] : memref<1x24x512x128xf32, #tpu.memory_space<vmem>> -> memref<1x1x512x128xf32, #tpu.memory_space<vmem>>
    %dma_wait3A_1185 = tpu.memref_squeeze %dma_wait3A_1184 : memref<1x1x512x128xf32, #tpu.memory_space<vmem>> -> memref<1x512x128xf32, #tpu.memory_space<vmem>>
    tpu.wait_dma2 semaphore(%arg3 : memref<!tpu.dma_semaphore, #tpu.memory_space<semaphore_mem>>) src(%dma_wait3A_1185 : memref<1x512x128xf32, #tpu.memory_space<vmem>>) dst(%dma_wait3A_1180 : memref<1x512x128xf32, #tpu.memory_space<any>>)
    %dma_wait3A_1186 = arith.constant 0 : i32
    %dma_wait3A_1187 = arith.constant 42 : i32
    %dma_wait3A_1188 = arith.constant 0 : i32
    %dma_wait3A_1189 = arith.constant 0 : i32
    %dma_wait3A_1190 = tpu.memref_slice %arg2[%arg0, %dma_wait3A_1187, %dma_wait3A_1188, %dma_wait3A_1189] : memref<7x108x512x128xf32, #tpu.memory_space<any>> -> memref<1x2x512x128xf32, #tpu.memory_space<any>>
    %dma_wait3A_1191 = tpu.memref_squeeze %dma_wait3A_1190 : memref<1x2x512x128xf32, #tpu.memory_space<any>> -> memref<2x512x128xf32, #tpu.memory_space<any>>
    %dma_wait3A_1192 = arith.constant 6 : i32
    %dma_wait3A_1193 = arith.constant 0 : i32
    %dma_wait3A_1194 = arith.constant 0 : i32
    %dma_wait3A_1195 = tpu.memref_slice %arg1[%dma_wait3A_1186, %dma_wait3A_1192, %dma_wait3A_1193, %dma_wait3A_1194] : memref<1x24x512x128xf32, #tpu.memory_space<vmem>> -> memref<1x2x512x128xf32, #tpu.memory_space<vmem>>
    %dma_wait3A_1196 = tpu.memref_squeeze %dma_wait3A_1195 : memref<1x2x512x128xf32, #tpu.memory_space<vmem>> -> memref<2x512x128xf32, #tpu.memory_space<vmem>>
    tpu.wait_dma2 semaphore(%arg3 : memref<!tpu.dma_semaphore, #tpu.memory_space<semaphore_mem>>) src(%dma_wait3A_1196 : memref<2x512x128xf32, #tpu.memory_space<vmem>>) dst(%dma_wait3A_1191 : memref<2x512x128xf32, #tpu.memory_space<any>>)
    %dma_wait3A_1197 = arith.constant 0 : i32
    %dma_wait3A_1198 = arith.constant 44 : i32
    %dma_wait3A_1199 = arith.constant 0 : i32
    %dma_wait3A_1200 = arith.constant 0 : i32
    %dma_wait3A_1201 = tpu.memref_slice %arg2[%arg0, %dma_wait3A_1198, %dma_wait3A_1199, %dma_wait3A_1200] : memref<7x108x512x128xf32, #tpu.memory_space<any>> -> memref<1x1x512x128xf32, #tpu.memory_space<any>>
    %dma_wait3A_1202 = tpu.memref_squeeze %dma_wait3A_1201 : memref<1x1x512x128xf32, #tpu.memory_space<any>> -> memref<1x512x128xf32, #tpu.memory_space<any>>
    %dma_wait3A_1203 = arith.constant 20 : i32
    %dma_wait3A_1204 = arith.constant 0 : i32
    %dma_wait3A_1205 = arith.constant 0 : i32
    %dma_wait3A_1206 = tpu.memref_slice %arg1[%dma_wait3A_1197, %dma_wait3A_1203, %dma_wait3A_1204, %dma_wait3A_1205] : memref<1x24x512x128xf32, #tpu.memory_space<vmem>> -> memref<1x1x512x128xf32, #tpu.memory_space<vmem>>
    %dma_wait3A_1207 = tpu.memref_squeeze %dma_wait3A_1206 : memref<1x1x512x128xf32, #tpu.memory_space<vmem>> -> memref<1x512x128xf32, #tpu.memory_space<vmem>>
    tpu.wait_dma2 semaphore(%arg3 : memref<!tpu.dma_semaphore, #tpu.memory_space<semaphore_mem>>) src(%dma_wait3A_1207 : memref<1x512x128xf32, #tpu.memory_space<vmem>>) dst(%dma_wait3A_1202 : memref<1x512x128xf32, #tpu.memory_space<any>>)
    %dma_wait3A_1208 = arith.constant 0 : i32
    %dma_wait3A_1209 = arith.constant 45 : i32
    %dma_wait3A_1210 = arith.constant 0 : i32
    %dma_wait3A_1211 = arith.constant 0 : i32
    %dma_wait3A_1212 = tpu.memref_slice %arg2[%arg0, %dma_wait3A_1209, %dma_wait3A_1210, %dma_wait3A_1211] : memref<7x108x512x128xf32, #tpu.memory_space<any>> -> memref<1x2x512x128xf32, #tpu.memory_space<any>>
    %dma_wait3A_1213 = tpu.memref_squeeze %dma_wait3A_1212 : memref<1x2x512x128xf32, #tpu.memory_space<any>> -> memref<2x512x128xf32, #tpu.memory_space<any>>
    %dma_wait3A_1214 = arith.constant 6 : i32
    %dma_wait3A_1215 = arith.constant 0 : i32
    %dma_wait3A_1216 = arith.constant 0 : i32
    %dma_wait3A_1217 = tpu.memref_slice %arg1[%dma_wait3A_1208, %dma_wait3A_1214, %dma_wait3A_1215, %dma_wait3A_1216] : memref<1x24x512x128xf32, #tpu.memory_space<vmem>> -> memref<1x2x512x128xf32, #tpu.memory_space<vmem>>
    %dma_wait3A_1218 = tpu.memref_squeeze %dma_wait3A_1217 : memref<1x2x512x128xf32, #tpu.memory_space<vmem>> -> memref<2x512x128xf32, #tpu.memory_space<vmem>>
    tpu.wait_dma2 semaphore(%arg3 : memref<!tpu.dma_semaphore, #tpu.memory_space<semaphore_mem>>) src(%dma_wait3A_1218 : memref<2x512x128xf32, #tpu.memory_space<vmem>>) dst(%dma_wait3A_1213 : memref<2x512x128xf32, #tpu.memory_space<any>>)
    %dma_wait3A_1219 = arith.constant 0 : i32
    %dma_wait3A_1220 = arith.constant 47 : i32
    %dma_wait3A_1221 = arith.constant 0 : i32
    %dma_wait3A_1222 = arith.constant 0 : i32
    %dma_wait3A_1223 = tpu.memref_slice %arg2[%arg0, %dma_wait3A_1220, %dma_wait3A_1221, %dma_wait3A_1222] : memref<7x108x512x128xf32, #tpu.memory_space<any>> -> memref<1x1x512x128xf32, #tpu.memory_space<any>>
    %dma_wait3A_1224 = tpu.memref_squeeze %dma_wait3A_1223 : memref<1x1x512x128xf32, #tpu.memory_space<any>> -> memref<1x512x128xf32, #tpu.memory_space<any>>
    %dma_wait3A_1225 = arith.constant 21 : i32
    %dma_wait3A_1226 = arith.constant 0 : i32
    %dma_wait3A_1227 = arith.constant 0 : i32
    %dma_wait3A_1228 = tpu.memref_slice %arg1[%dma_wait3A_1219, %dma_wait3A_1225, %dma_wait3A_1226, %dma_wait3A_1227] : memref<1x24x512x128xf32, #tpu.memory_space<vmem>> -> memref<1x1x512x128xf32, #tpu.memory_space<vmem>>
    %dma_wait3A_1229 = tpu.memref_squeeze %dma_wait3A_1228 : memref<1x1x512x128xf32, #tpu.memory_space<vmem>> -> memref<1x512x128xf32, #tpu.memory_space<vmem>>
    tpu.wait_dma2 semaphore(%arg3 : memref<!tpu.dma_semaphore, #tpu.memory_space<semaphore_mem>>) src(%dma_wait3A_1229 : memref<1x512x128xf32, #tpu.memory_space<vmem>>) dst(%dma_wait3A_1224 : memref<1x512x128xf32, #tpu.memory_space<any>>)
    %dma_wait3A_1230 = arith.constant 0 : i32
    %dma_wait3A_1231 = arith.constant 48 : i32
    %dma_wait3A_1232 = arith.constant 0 : i32
    %dma_wait3A_1233 = arith.constant 0 : i32
    %dma_wait3A_1234 = tpu.memref_slice %arg2[%arg0, %dma_wait3A_1231, %dma_wait3A_1232, %dma_wait3A_1233] : memref<7x108x512x128xf32, #tpu.memory_space<any>> -> memref<1x2x512x128xf32, #tpu.memory_space<any>>
    %dma_wait3A_1235 = tpu.memref_squeeze %dma_wait3A_1234 : memref<1x2x512x128xf32, #tpu.memory_space<any>> -> memref<2x512x128xf32, #tpu.memory_space<any>>
    %dma_wait3A_1236 = arith.constant 6 : i32
    %dma_wait3A_1237 = arith.constant 0 : i32
    %dma_wait3A_1238 = arith.constant 0 : i32
    %dma_wait3A_1239 = tpu.memref_slice %arg1[%dma_wait3A_1230, %dma_wait3A_1236, %dma_wait3A_1237, %dma_wait3A_1238] : memref<1x24x512x128xf32, #tpu.memory_space<vmem>> -> memref<1x2x512x128xf32, #tpu.memory_space<vmem>>
    %dma_wait3A_1240 = tpu.memref_squeeze %dma_wait3A_1239 : memref<1x2x512x128xf32, #tpu.memory_space<vmem>> -> memref<2x512x128xf32, #tpu.memory_space<vmem>>
    tpu.wait_dma2 semaphore(%arg3 : memref<!tpu.dma_semaphore, #tpu.memory_space<semaphore_mem>>) src(%dma_wait3A_1240 : memref<2x512x128xf32, #tpu.memory_space<vmem>>) dst(%dma_wait3A_1235 : memref<2x512x128xf32, #tpu.memory_space<any>>)
    %dma_wait3A_1241 = arith.constant 0 : i32
    %dma_wait3A_1242 = arith.constant 50 : i32
    %dma_wait3A_1243 = arith.constant 0 : i32
    %dma_wait3A_1244 = arith.constant 0 : i32
    %dma_wait3A_1245 = tpu.memref_slice %arg2[%arg0, %dma_wait3A_1242, %dma_wait3A_1243, %dma_wait3A_1244] : memref<7x108x512x128xf32, #tpu.memory_space<any>> -> memref<1x1x512x128xf32, #tpu.memory_space<any>>
    %dma_wait3A_1246 = tpu.memref_squeeze %dma_wait3A_1245 : memref<1x1x512x128xf32, #tpu.memory_space<any>> -> memref<1x512x128xf32, #tpu.memory_space<any>>
    %dma_wait3A_1247 = arith.constant 22 : i32
    %dma_wait3A_1248 = arith.constant 0 : i32
    %dma_wait3A_1249 = arith.constant 0 : i32
    %dma_wait3A_1250 = tpu.memref_slice %arg1[%dma_wait3A_1241, %dma_wait3A_1247, %dma_wait3A_1248, %dma_wait3A_1249] : memref<1x24x512x128xf32, #tpu.memory_space<vmem>> -> memref<1x1x512x128xf32, #tpu.memory_space<vmem>>
    %dma_wait3A_1251 = tpu.memref_squeeze %dma_wait3A_1250 : memref<1x1x512x128xf32, #tpu.memory_space<vmem>> -> memref<1x512x128xf32, #tpu.memory_space<vmem>>
    tpu.wait_dma2 semaphore(%arg3 : memref<!tpu.dma_semaphore, #tpu.memory_space<semaphore_mem>>) src(%dma_wait3A_1251 : memref<1x512x128xf32, #tpu.memory_space<vmem>>) dst(%dma_wait3A_1246 : memref<1x512x128xf32, #tpu.memory_space<any>>)
    %dma_wait3A_1252 = arith.constant 0 : i32
    %dma_wait3A_1253 = arith.constant 51 : i32
    %dma_wait3A_1254 = arith.constant 0 : i32
    %dma_wait3A_1255 = arith.constant 0 : i32
    %dma_wait3A_1256 = tpu.memref_slice %arg2[%arg0, %dma_wait3A_1253, %dma_wait3A_1254, %dma_wait3A_1255] : memref<7x108x512x128xf32, #tpu.memory_space<any>> -> memref<1x2x512x128xf32, #tpu.memory_space<any>>
    %dma_wait3A_1257 = tpu.memref_squeeze %dma_wait3A_1256 : memref<1x2x512x128xf32, #tpu.memory_space<any>> -> memref<2x512x128xf32, #tpu.memory_space<any>>
    %dma_wait3A_1258 = arith.constant 6 : i32
    %dma_wait3A_1259 = arith.constant 0 : i32
    %dma_wait3A_1260 = arith.constant 0 : i32
    %dma_wait3A_1261 = tpu.memref_slice %arg1[%dma_wait3A_1252, %dma_wait3A_1258, %dma_wait3A_1259, %dma_wait3A_1260] : memref<1x24x512x128xf32, #tpu.memory_space<vmem>> -> memref<1x2x512x128xf32, #tpu.memory_space<vmem>>
    %dma_wait3A_1262 = tpu.memref_squeeze %dma_wait3A_1261 : memref<1x2x512x128xf32, #tpu.memory_space<vmem>> -> memref<2x512x128xf32, #tpu.memory_space<vmem>>
    tpu.wait_dma2 semaphore(%arg3 : memref<!tpu.dma_semaphore, #tpu.memory_space<semaphore_mem>>) src(%dma_wait3A_1262 : memref<2x512x128xf32, #tpu.memory_space<vmem>>) dst(%dma_wait3A_1257 : memref<2x512x128xf32, #tpu.memory_space<any>>)
    %dma_wait3A_1263 = arith.constant 0 : i32
    %dma_wait3A_1264 = arith.constant 53 : i32
    %dma_wait3A_1265 = arith.constant 0 : i32
    %dma_wait3A_1266 = arith.constant 0 : i32
    %dma_wait3A_1267 = tpu.memref_slice %arg2[%arg0, %dma_wait3A_1264, %dma_wait3A_1265, %dma_wait3A_1266] : memref<7x108x512x128xf32, #tpu.memory_space<any>> -> memref<1x1x512x128xf32, #tpu.memory_space<any>>
    %dma_wait3A_1268 = tpu.memref_squeeze %dma_wait3A_1267 : memref<1x1x512x128xf32, #tpu.memory_space<any>> -> memref<1x512x128xf32, #tpu.memory_space<any>>
    %dma_wait3A_1269 = arith.constant 23 : i32
    %dma_wait3A_1270 = arith.constant 0 : i32
    %dma_wait3A_1271 = arith.constant 0 : i32
    %dma_wait3A_1272 = tpu.memref_slice %arg1[%dma_wait3A_1263, %dma_wait3A_1269, %dma_wait3A_1270, %dma_wait3A_1271] : memref<1x24x512x128xf32, #tpu.memory_space<vmem>> -> memref<1x1x512x128xf32, #tpu.memory_space<vmem>>
    %dma_wait3A_1273 = tpu.memref_squeeze %dma_wait3A_1272 : memref<1x1x512x128xf32, #tpu.memory_space<vmem>> -> memref<1x512x128xf32, #tpu.memory_space<vmem>>
    tpu.wait_dma2 semaphore(%arg3 : memref<!tpu.dma_semaphore, #tpu.memory_space<semaphore_mem>>) src(%dma_wait3A_1273 : memref<1x512x128xf32, #tpu.memory_space<vmem>>) dst(%dma_wait3A_1268 : memref<1x512x128xf32, #tpu.memory_space<any>>)
    %dma_wait3A_1274 = arith.constant 0 : i32
    %dma_wait3A_1275 = arith.constant 54 : i32
    %dma_wait3A_1276 = arith.constant 0 : i32
    %dma_wait3A_1277 = arith.constant 0 : i32
    %dma_wait3A_1278 = tpu.memref_slice %arg2[%arg0, %dma_wait3A_1275, %dma_wait3A_1276, %dma_wait3A_1277] : memref<7x108x512x128xf32, #tpu.memory_space<any>> -> memref<1x1x512x128xf32, #tpu.memory_space<any>>
    %dma_wait3A_1279 = tpu.memref_squeeze %dma_wait3A_1278 : memref<1x1x512x128xf32, #tpu.memory_space<any>> -> memref<1x512x128xf32, #tpu.memory_space<any>>
    %dma_wait3A_1280 = arith.constant 0 : i32
    %dma_wait3A_1281 = arith.constant 0 : i32
    %dma_wait3A_1282 = arith.constant 0 : i32
    %dma_wait3A_1283 = tpu.memref_slice %arg1[%dma_wait3A_1274, %dma_wait3A_1280, %dma_wait3A_1281, %dma_wait3A_1282] : memref<1x24x512x128xf32, #tpu.memory_space<vmem>> -> memref<1x1x512x128xf32, #tpu.memory_space<vmem>>
    %dma_wait3A_1284 = tpu.memref_squeeze %dma_wait3A_1283 : memref<1x1x512x128xf32, #tpu.memory_space<vmem>> -> memref<1x512x128xf32, #tpu.memory_space<vmem>>
    tpu.wait_dma2 semaphore(%arg3 : memref<!tpu.dma_semaphore, #tpu.memory_space<semaphore_mem>>) src(%dma_wait3A_1284 : memref<1x512x128xf32, #tpu.memory_space<vmem>>) dst(%dma_wait3A_1279 : memref<1x512x128xf32, #tpu.memory_space<any>>)
    %dma_wait3A_1285 = arith.constant 0 : i32
    %dma_wait3A_1286 = arith.constant 55 : i32
    %dma_wait3A_1287 = arith.constant 0 : i32
    %dma_wait3A_1288 = arith.constant 0 : i32
    %dma_wait3A_1289 = tpu.memref_slice %arg2[%arg0, %dma_wait3A_1286, %dma_wait3A_1287, %dma_wait3A_1288] : memref<7x108x512x128xf32, #tpu.memory_space<any>> -> memref<1x1x512x128xf32, #tpu.memory_space<any>>
    %dma_wait3A_1290 = tpu.memref_squeeze %dma_wait3A_1289 : memref<1x1x512x128xf32, #tpu.memory_space<any>> -> memref<1x512x128xf32, #tpu.memory_space<any>>
    %dma_wait3A_1291 = arith.constant 3 : i32
    %dma_wait3A_1292 = arith.constant 0 : i32
    %dma_wait3A_1293 = arith.constant 0 : i32
    %dma_wait3A_1294 = tpu.memref_slice %arg1[%dma_wait3A_1285, %dma_wait3A_1291, %dma_wait3A_1292, %dma_wait3A_1293] : memref<1x24x512x128xf32, #tpu.memory_space<vmem>> -> memref<1x1x512x128xf32, #tpu.memory_space<vmem>>
    %dma_wait3A_1295 = tpu.memref_squeeze %dma_wait3A_1294 : memref<1x1x512x128xf32, #tpu.memory_space<vmem>> -> memref<1x512x128xf32, #tpu.memory_space<vmem>>
    tpu.wait_dma2 semaphore(%arg3 : memref<!tpu.dma_semaphore, #tpu.memory_space<semaphore_mem>>) src(%dma_wait3A_1295 : memref<1x512x128xf32, #tpu.memory_space<vmem>>) dst(%dma_wait3A_1290 : memref<1x512x128xf32, #tpu.memory_space<any>>)
    %dma_wait3A_1296 = arith.constant 0 : i32
    %dma_wait3A_1297 = arith.constant 56 : i32
    %dma_wait3A_1298 = arith.constant 0 : i32
    %dma_wait3A_1299 = arith.constant 0 : i32
    %dma_wait3A_1300 = tpu.memref_slice %arg2[%arg0, %dma_wait3A_1297, %dma_wait3A_1298, %dma_wait3A_1299] : memref<7x108x512x128xf32, #tpu.memory_space<any>> -> memref<1x1x512x128xf32, #tpu.memory_space<any>>
    %dma_wait3A_1301 = tpu.memref_squeeze %dma_wait3A_1300 : memref<1x1x512x128xf32, #tpu.memory_space<any>> -> memref<1x512x128xf32, #tpu.memory_space<any>>
    %dma_wait3A_1302 = arith.constant 6 : i32
    %dma_wait3A_1303 = arith.constant 0 : i32
    %dma_wait3A_1304 = arith.constant 0 : i32
    %dma_wait3A_1305 = tpu.memref_slice %arg1[%dma_wait3A_1296, %dma_wait3A_1302, %dma_wait3A_1303, %dma_wait3A_1304] : memref<1x24x512x128xf32, #tpu.memory_space<vmem>> -> memref<1x1x512x128xf32, #tpu.memory_space<vmem>>
    %dma_wait3A_1306 = tpu.memref_squeeze %dma_wait3A_1305 : memref<1x1x512x128xf32, #tpu.memory_space<vmem>> -> memref<1x512x128xf32, #tpu.memory_space<vmem>>
    tpu.wait_dma2 semaphore(%arg3 : memref<!tpu.dma_semaphore, #tpu.memory_space<semaphore_mem>>) src(%dma_wait3A_1306 : memref<1x512x128xf32, #tpu.memory_space<vmem>>) dst(%dma_wait3A_1301 : memref<1x512x128xf32, #tpu.memory_space<any>>)
    %dma_wait3A_1307 = arith.constant 0 : i32
    %dma_wait3A_1308 = arith.constant 57 : i32
    %dma_wait3A_1309 = arith.constant 0 : i32
    %dma_wait3A_1310 = arith.constant 0 : i32
    %dma_wait3A_1311 = tpu.memref_slice %arg2[%arg0, %dma_wait3A_1308, %dma_wait3A_1309, %dma_wait3A_1310] : memref<7x108x512x128xf32, #tpu.memory_space<any>> -> memref<1x1x512x128xf32, #tpu.memory_space<any>>
    %dma_wait3A_1312 = tpu.memref_squeeze %dma_wait3A_1311 : memref<1x1x512x128xf32, #tpu.memory_space<any>> -> memref<1x512x128xf32, #tpu.memory_space<any>>
    %dma_wait3A_1313 = arith.constant 1 : i32
    %dma_wait3A_1314 = arith.constant 0 : i32
    %dma_wait3A_1315 = arith.constant 0 : i32
    %dma_wait3A_1316 = tpu.memref_slice %arg1[%dma_wait3A_1307, %dma_wait3A_1313, %dma_wait3A_1314, %dma_wait3A_1315] : memref<1x24x512x128xf32, #tpu.memory_space<vmem>> -> memref<1x1x512x128xf32, #tpu.memory_space<vmem>>
    %dma_wait3A_1317 = tpu.memref_squeeze %dma_wait3A_1316 : memref<1x1x512x128xf32, #tpu.memory_space<vmem>> -> memref<1x512x128xf32, #tpu.memory_space<vmem>>
    tpu.wait_dma2 semaphore(%arg3 : memref<!tpu.dma_semaphore, #tpu.memory_space<semaphore_mem>>) src(%dma_wait3A_1317 : memref<1x512x128xf32, #tpu.memory_space<vmem>>) dst(%dma_wait3A_1312 : memref<1x512x128xf32, #tpu.memory_space<any>>)
    %dma_wait3A_1318 = arith.constant 0 : i32
    %dma_wait3A_1319 = arith.constant 58 : i32
    %dma_wait3A_1320 = arith.constant 0 : i32
    %dma_wait3A_1321 = arith.constant 0 : i32
    %dma_wait3A_1322 = tpu.memref_slice %arg2[%arg0, %dma_wait3A_1319, %dma_wait3A_1320, %dma_wait3A_1321] : memref<7x108x512x128xf32, #tpu.memory_space<any>> -> memref<1x1x512x128xf32, #tpu.memory_space<any>>
    %dma_wait3A_1323 = tpu.memref_squeeze %dma_wait3A_1322 : memref<1x1x512x128xf32, #tpu.memory_space<any>> -> memref<1x512x128xf32, #tpu.memory_space<any>>
    %dma_wait3A_1324 = arith.constant 4 : i32
    %dma_wait3A_1325 = arith.constant 0 : i32
    %dma_wait3A_1326 = arith.constant 0 : i32
    %dma_wait3A_1327 = tpu.memref_slice %arg1[%dma_wait3A_1318, %dma_wait3A_1324, %dma_wait3A_1325, %dma_wait3A_1326] : memref<1x24x512x128xf32, #tpu.memory_space<vmem>> -> memref<1x1x512x128xf32, #tpu.memory_space<vmem>>
    %dma_wait3A_1328 = tpu.memref_squeeze %dma_wait3A_1327 : memref<1x1x512x128xf32, #tpu.memory_space<vmem>> -> memref<1x512x128xf32, #tpu.memory_space<vmem>>
    tpu.wait_dma2 semaphore(%arg3 : memref<!tpu.dma_semaphore, #tpu.memory_space<semaphore_mem>>) src(%dma_wait3A_1328 : memref<1x512x128xf32, #tpu.memory_space<vmem>>) dst(%dma_wait3A_1323 : memref<1x512x128xf32, #tpu.memory_space<any>>)
    %dma_wait3A_1329 = arith.constant 0 : i32
    %dma_wait3A_1330 = arith.constant 59 : i32
    %dma_wait3A_1331 = arith.constant 0 : i32
    %dma_wait3A_1332 = arith.constant 0 : i32
    %dma_wait3A_1333 = tpu.memref_slice %arg2[%arg0, %dma_wait3A_1330, %dma_wait3A_1331, %dma_wait3A_1332] : memref<7x108x512x128xf32, #tpu.memory_space<any>> -> memref<1x1x512x128xf32, #tpu.memory_space<any>>
    %dma_wait3A_1334 = tpu.memref_squeeze %dma_wait3A_1333 : memref<1x1x512x128xf32, #tpu.memory_space<any>> -> memref<1x512x128xf32, #tpu.memory_space<any>>
    %dma_wait3A_1335 = arith.constant 7 : i32
    %dma_wait3A_1336 = arith.constant 0 : i32
    %dma_wait3A_1337 = arith.constant 0 : i32
    %dma_wait3A_1338 = tpu.memref_slice %arg1[%dma_wait3A_1329, %dma_wait3A_1335, %dma_wait3A_1336, %dma_wait3A_1337] : memref<1x24x512x128xf32, #tpu.memory_space<vmem>> -> memref<1x1x512x128xf32, #tpu.memory_space<vmem>>
    %dma_wait3A_1339 = tpu.memref_squeeze %dma_wait3A_1338 : memref<1x1x512x128xf32, #tpu.memory_space<vmem>> -> memref<1x512x128xf32, #tpu.memory_space<vmem>>
    tpu.wait_dma2 semaphore(%arg3 : memref<!tpu.dma_semaphore, #tpu.memory_space<semaphore_mem>>) src(%dma_wait3A_1339 : memref<1x512x128xf32, #tpu.memory_space<vmem>>) dst(%dma_wait3A_1334 : memref<1x512x128xf32, #tpu.memory_space<any>>)
    %dma_wait3A_1340 = arith.constant 0 : i32
    %dma_wait3A_1341 = arith.constant 60 : i32
    %dma_wait3A_1342 = arith.constant 0 : i32
    %dma_wait3A_1343 = arith.constant 0 : i32
    %dma_wait3A_1344 = tpu.memref_slice %arg2[%arg0, %dma_wait3A_1341, %dma_wait3A_1342, %dma_wait3A_1343] : memref<7x108x512x128xf32, #tpu.memory_space<any>> -> memref<1x1x512x128xf32, #tpu.memory_space<any>>
    %dma_wait3A_1345 = tpu.memref_squeeze %dma_wait3A_1344 : memref<1x1x512x128xf32, #tpu.memory_space<any>> -> memref<1x512x128xf32, #tpu.memory_space<any>>
    %dma_wait3A_1346 = arith.constant 2 : i32
    %dma_wait3A_1347 = arith.constant 0 : i32
    %dma_wait3A_1348 = arith.constant 0 : i32
    %dma_wait3A_1349 = tpu.memref_slice %arg1[%dma_wait3A_1340, %dma_wait3A_1346, %dma_wait3A_1347, %dma_wait3A_1348] : memref<1x24x512x128xf32, #tpu.memory_space<vmem>> -> memref<1x1x512x128xf32, #tpu.memory_space<vmem>>
    %dma_wait3A_1350 = tpu.memref_squeeze %dma_wait3A_1349 : memref<1x1x512x128xf32, #tpu.memory_space<vmem>> -> memref<1x512x128xf32, #tpu.memory_space<vmem>>
    tpu.wait_dma2 semaphore(%arg3 : memref<!tpu.dma_semaphore, #tpu.memory_space<semaphore_mem>>) src(%dma_wait3A_1350 : memref<1x512x128xf32, #tpu.memory_space<vmem>>) dst(%dma_wait3A_1345 : memref<1x512x128xf32, #tpu.memory_space<any>>)
    %dma_wait3A_1351 = arith.constant 0 : i32
    %dma_wait3A_1352 = arith.constant 61 : i32
    %dma_wait3A_1353 = arith.constant 0 : i32
    %dma_wait3A_1354 = arith.constant 0 : i32
    %dma_wait3A_1355 = tpu.memref_slice %arg2[%arg0, %dma_wait3A_1352, %dma_wait3A_1353, %dma_wait3A_1354] : memref<7x108x512x128xf32, #tpu.memory_space<any>> -> memref<1x1x512x128xf32, #tpu.memory_space<any>>
    %dma_wait3A_1356 = tpu.memref_squeeze %dma_wait3A_1355 : memref<1x1x512x128xf32, #tpu.memory_space<any>> -> memref<1x512x128xf32, #tpu.memory_space<any>>
    %dma_wait3A_1357 = arith.constant 5 : i32
    %dma_wait3A_1358 = arith.constant 0 : i32
    %dma_wait3A_1359 = arith.constant 0 : i32
    %dma_wait3A_1360 = tpu.memref_slice %arg1[%dma_wait3A_1351, %dma_wait3A_1357, %dma_wait3A_1358, %dma_wait3A_1359] : memref<1x24x512x128xf32, #tpu.memory_space<vmem>> -> memref<1x1x512x128xf32, #tpu.memory_space<vmem>>
    %dma_wait3A_1361 = tpu.memref_squeeze %dma_wait3A_1360 : memref<1x1x512x128xf32, #tpu.memory_space<vmem>> -> memref<1x512x128xf32, #tpu.memory_space<vmem>>
    tpu.wait_dma2 semaphore(%arg3 : memref<!tpu.dma_semaphore, #tpu.memory_space<semaphore_mem>>) src(%dma_wait3A_1361 : memref<1x512x128xf32, #tpu.memory_space<vmem>>) dst(%dma_wait3A_1356 : memref<1x512x128xf32, #tpu.memory_space<any>>)
    %dma_wait3A_1362 = arith.constant 0 : i32
    %dma_wait3A_1363 = arith.constant 62 : i32
    %dma_wait3A_1364 = arith.constant 0 : i32
    %dma_wait3A_1365 = arith.constant 0 : i32
    %dma_wait3A_1366 = tpu.memref_slice %arg2[%arg0, %dma_wait3A_1363, %dma_wait3A_1364, %dma_wait3A_1365] : memref<7x108x512x128xf32, #tpu.memory_space<any>> -> memref<1x1x512x128xf32, #tpu.memory_space<any>>
    %dma_wait3A_1367 = tpu.memref_squeeze %dma_wait3A_1366 : memref<1x1x512x128xf32, #tpu.memory_space<any>> -> memref<1x512x128xf32, #tpu.memory_space<any>>
    %dma_wait3A_1368 = arith.constant 8 : i32
    %dma_wait3A_1369 = arith.constant 0 : i32
    %dma_wait3A_1370 = arith.constant 0 : i32
    %dma_wait3A_1371 = tpu.memref_slice %arg1[%dma_wait3A_1362, %dma_wait3A_1368, %dma_wait3A_1369, %dma_wait3A_1370] : memref<1x24x512x128xf32, #tpu.memory_space<vmem>> -> memref<1x1x512x128xf32, #tpu.memory_space<vmem>>
    %dma_wait3A_1372 = tpu.memref_squeeze %dma_wait3A_1371 : memref<1x1x512x128xf32, #tpu.memory_space<vmem>> -> memref<1x512x128xf32, #tpu.memory_space<vmem>>
    tpu.wait_dma2 semaphore(%arg3 : memref<!tpu.dma_semaphore, #tpu.memory_space<semaphore_mem>>) src(%dma_wait3A_1372 : memref<1x512x128xf32, #tpu.memory_space<vmem>>) dst(%dma_wait3A_1367 : memref<1x512x128xf32, #tpu.memory_space<any>>)
    %dma_wait3A_1373 = arith.constant 0 : i32
    %dma_wait3A_1374 = arith.constant 63 : i32
    %dma_wait3A_1375 = arith.constant 0 : i32
    %dma_wait3A_1376 = arith.constant 0 : i32
    %dma_wait3A_1377 = tpu.memref_slice %arg2[%arg0, %dma_wait3A_1374, %dma_wait3A_1375, %dma_wait3A_1376] : memref<7x108x512x128xf32, #tpu.memory_space<any>> -> memref<1x1x512x128xf32, #tpu.memory_space<any>>
    %dma_wait3A_1378 = tpu.memref_squeeze %dma_wait3A_1377 : memref<1x1x512x128xf32, #tpu.memory_space<any>> -> memref<1x512x128xf32, #tpu.memory_space<any>>
    %dma_wait3A_1379 = arith.constant 2 : i32
    %dma_wait3A_1380 = arith.constant 0 : i32
    %dma_wait3A_1381 = arith.constant 0 : i32
    %dma_wait3A_1382 = tpu.memref_slice %arg1[%dma_wait3A_1373, %dma_wait3A_1379, %dma_wait3A_1380, %dma_wait3A_1381] : memref<1x24x512x128xf32, #tpu.memory_space<vmem>> -> memref<1x1x512x128xf32, #tpu.memory_space<vmem>>
    %dma_wait3A_1383 = tpu.memref_squeeze %dma_wait3A_1382 : memref<1x1x512x128xf32, #tpu.memory_space<vmem>> -> memref<1x512x128xf32, #tpu.memory_space<vmem>>
    tpu.wait_dma2 semaphore(%arg3 : memref<!tpu.dma_semaphore, #tpu.memory_space<semaphore_mem>>) src(%dma_wait3A_1383 : memref<1x512x128xf32, #tpu.memory_space<vmem>>) dst(%dma_wait3A_1378 : memref<1x512x128xf32, #tpu.memory_space<any>>)
    %dma_wait3A_1384 = arith.constant 0 : i32
    %dma_wait3A_1385 = arith.constant 64 : i32
    %dma_wait3A_1386 = arith.constant 0 : i32
    %dma_wait3A_1387 = arith.constant 0 : i32
    %dma_wait3A_1388 = tpu.memref_slice %arg2[%arg0, %dma_wait3A_1385, %dma_wait3A_1386, %dma_wait3A_1387] : memref<7x108x512x128xf32, #tpu.memory_space<any>> -> memref<1x1x512x128xf32, #tpu.memory_space<any>>
    %dma_wait3A_1389 = tpu.memref_squeeze %dma_wait3A_1388 : memref<1x1x512x128xf32, #tpu.memory_space<any>> -> memref<1x512x128xf32, #tpu.memory_space<any>>
    %dma_wait3A_1390 = arith.constant 5 : i32
    %dma_wait3A_1391 = arith.constant 0 : i32
    %dma_wait3A_1392 = arith.constant 0 : i32
    %dma_wait3A_1393 = tpu.memref_slice %arg1[%dma_wait3A_1384, %dma_wait3A_1390, %dma_wait3A_1391, %dma_wait3A_1392] : memref<1x24x512x128xf32, #tpu.memory_space<vmem>> -> memref<1x1x512x128xf32, #tpu.memory_space<vmem>>
    %dma_wait3A_1394 = tpu.memref_squeeze %dma_wait3A_1393 : memref<1x1x512x128xf32, #tpu.memory_space<vmem>> -> memref<1x512x128xf32, #tpu.memory_space<vmem>>
    tpu.wait_dma2 semaphore(%arg3 : memref<!tpu.dma_semaphore, #tpu.memory_space<semaphore_mem>>) src(%dma_wait3A_1394 : memref<1x512x128xf32, #tpu.memory_space<vmem>>) dst(%dma_wait3A_1389 : memref<1x512x128xf32, #tpu.memory_space<any>>)
    %dma_wait3A_1395 = arith.constant 0 : i32
    %dma_wait3A_1396 = arith.constant 65 : i32
    %dma_wait3A_1397 = arith.constant 0 : i32
    %dma_wait3A_1398 = arith.constant 0 : i32
    %dma_wait3A_1399 = tpu.memref_slice %arg2[%arg0, %dma_wait3A_1396, %dma_wait3A_1397, %dma_wait3A_1398] : memref<7x108x512x128xf32, #tpu.memory_space<any>> -> memref<1x1x512x128xf32, #tpu.memory_space<any>>
    %dma_wait3A_1400 = tpu.memref_squeeze %dma_wait3A_1399 : memref<1x1x512x128xf32, #tpu.memory_space<any>> -> memref<1x512x128xf32, #tpu.memory_space<any>>
    %dma_wait3A_1401 = arith.constant 9 : i32
    %dma_wait3A_1402 = arith.constant 0 : i32
    %dma_wait3A_1403 = arith.constant 0 : i32
    %dma_wait3A_1404 = tpu.memref_slice %arg1[%dma_wait3A_1395, %dma_wait3A_1401, %dma_wait3A_1402, %dma_wait3A_1403] : memref<1x24x512x128xf32, #tpu.memory_space<vmem>> -> memref<1x1x512x128xf32, #tpu.memory_space<vmem>>
    %dma_wait3A_1405 = tpu.memref_squeeze %dma_wait3A_1404 : memref<1x1x512x128xf32, #tpu.memory_space<vmem>> -> memref<1x512x128xf32, #tpu.memory_space<vmem>>
    tpu.wait_dma2 semaphore(%arg3 : memref<!tpu.dma_semaphore, #tpu.memory_space<semaphore_mem>>) src(%dma_wait3A_1405 : memref<1x512x128xf32, #tpu.memory_space<vmem>>) dst(%dma_wait3A_1400 : memref<1x512x128xf32, #tpu.memory_space<any>>)
    %dma_wait3A_1406 = arith.constant 0 : i32
    %dma_wait3A_1407 = arith.constant 66 : i32
    %dma_wait3A_1408 = arith.constant 0 : i32
    %dma_wait3A_1409 = arith.constant 0 : i32
    %dma_wait3A_1410 = tpu.memref_slice %arg2[%arg0, %dma_wait3A_1407, %dma_wait3A_1408, %dma_wait3A_1409] : memref<7x108x512x128xf32, #tpu.memory_space<any>> -> memref<1x1x512x128xf32, #tpu.memory_space<any>>
    %dma_wait3A_1411 = tpu.memref_squeeze %dma_wait3A_1410 : memref<1x1x512x128xf32, #tpu.memory_space<any>> -> memref<1x512x128xf32, #tpu.memory_space<any>>
    %dma_wait3A_1412 = arith.constant 2 : i32
    %dma_wait3A_1413 = arith.constant 0 : i32
    %dma_wait3A_1414 = arith.constant 0 : i32
    %dma_wait3A_1415 = tpu.memref_slice %arg1[%dma_wait3A_1406, %dma_wait3A_1412, %dma_wait3A_1413, %dma_wait3A_1414] : memref<1x24x512x128xf32, #tpu.memory_space<vmem>> -> memref<1x1x512x128xf32, #tpu.memory_space<vmem>>
    %dma_wait3A_1416 = tpu.memref_squeeze %dma_wait3A_1415 : memref<1x1x512x128xf32, #tpu.memory_space<vmem>> -> memref<1x512x128xf32, #tpu.memory_space<vmem>>
    tpu.wait_dma2 semaphore(%arg3 : memref<!tpu.dma_semaphore, #tpu.memory_space<semaphore_mem>>) src(%dma_wait3A_1416 : memref<1x512x128xf32, #tpu.memory_space<vmem>>) dst(%dma_wait3A_1411 : memref<1x512x128xf32, #tpu.memory_space<any>>)
    %dma_wait3A_1417 = arith.constant 0 : i32
    %dma_wait3A_1418 = arith.constant 67 : i32
    %dma_wait3A_1419 = arith.constant 0 : i32
    %dma_wait3A_1420 = arith.constant 0 : i32
    %dma_wait3A_1421 = tpu.memref_slice %arg2[%arg0, %dma_wait3A_1418, %dma_wait3A_1419, %dma_wait3A_1420] : memref<7x108x512x128xf32, #tpu.memory_space<any>> -> memref<1x1x512x128xf32, #tpu.memory_space<any>>
    %dma_wait3A_1422 = tpu.memref_squeeze %dma_wait3A_1421 : memref<1x1x512x128xf32, #tpu.memory_space<any>> -> memref<1x512x128xf32, #tpu.memory_space<any>>
    %dma_wait3A_1423 = arith.constant 5 : i32
    %dma_wait3A_1424 = arith.constant 0 : i32
    %dma_wait3A_1425 = arith.constant 0 : i32
    %dma_wait3A_1426 = tpu.memref_slice %arg1[%dma_wait3A_1417, %dma_wait3A_1423, %dma_wait3A_1424, %dma_wait3A_1425] : memref<1x24x512x128xf32, #tpu.memory_space<vmem>> -> memref<1x1x512x128xf32, #tpu.memory_space<vmem>>
    %dma_wait3A_1427 = tpu.memref_squeeze %dma_wait3A_1426 : memref<1x1x512x128xf32, #tpu.memory_space<vmem>> -> memref<1x512x128xf32, #tpu.memory_space<vmem>>
    tpu.wait_dma2 semaphore(%arg3 : memref<!tpu.dma_semaphore, #tpu.memory_space<semaphore_mem>>) src(%dma_wait3A_1427 : memref<1x512x128xf32, #tpu.memory_space<vmem>>) dst(%dma_wait3A_1422 : memref<1x512x128xf32, #tpu.memory_space<any>>)
    %dma_wait3A_1428 = arith.constant 0 : i32
    %dma_wait3A_1429 = arith.constant 68 : i32
    %dma_wait3A_1430 = arith.constant 0 : i32
    %dma_wait3A_1431 = arith.constant 0 : i32
    %dma_wait3A_1432 = tpu.memref_slice %arg2[%arg0, %dma_wait3A_1429, %dma_wait3A_1430, %dma_wait3A_1431] : memref<7x108x512x128xf32, #tpu.memory_space<any>> -> memref<1x1x512x128xf32, #tpu.memory_space<any>>
    %dma_wait3A_1433 = tpu.memref_squeeze %dma_wait3A_1432 : memref<1x1x512x128xf32, #tpu.memory_space<any>> -> memref<1x512x128xf32, #tpu.memory_space<any>>
    %dma_wait3A_1434 = arith.constant 10 : i32
    %dma_wait3A_1435 = arith.constant 0 : i32
    %dma_wait3A_1436 = arith.constant 0 : i32
    %dma_wait3A_1437 = tpu.memref_slice %arg1[%dma_wait3A_1428, %dma_wait3A_1434, %dma_wait3A_1435, %dma_wait3A_1436] : memref<1x24x512x128xf32, #tpu.memory_space<vmem>> -> memref<1x1x512x128xf32, #tpu.memory_space<vmem>>
    %dma_wait3A_1438 = tpu.memref_squeeze %dma_wait3A_1437 : memref<1x1x512x128xf32, #tpu.memory_space<vmem>> -> memref<1x512x128xf32, #tpu.memory_space<vmem>>
    tpu.wait_dma2 semaphore(%arg3 : memref<!tpu.dma_semaphore, #tpu.memory_space<semaphore_mem>>) src(%dma_wait3A_1438 : memref<1x512x128xf32, #tpu.memory_space<vmem>>) dst(%dma_wait3A_1433 : memref<1x512x128xf32, #tpu.memory_space<any>>)
    %dma_wait3A_1439 = arith.constant 0 : i32
    %dma_wait3A_1440 = arith.constant 69 : i32
    %dma_wait3A_1441 = arith.constant 0 : i32
    %dma_wait3A_1442 = arith.constant 0 : i32
    %dma_wait3A_1443 = tpu.memref_slice %arg2[%arg0, %dma_wait3A_1440, %dma_wait3A_1441, %dma_wait3A_1442] : memref<7x108x512x128xf32, #tpu.memory_space<any>> -> memref<1x1x512x128xf32, #tpu.memory_space<any>>
    %dma_wait3A_1444 = tpu.memref_squeeze %dma_wait3A_1443 : memref<1x1x512x128xf32, #tpu.memory_space<any>> -> memref<1x512x128xf32, #tpu.memory_space<any>>
    %dma_wait3A_1445 = arith.constant 2 : i32
    %dma_wait3A_1446 = arith.constant 0 : i32
    %dma_wait3A_1447 = arith.constant 0 : i32
    %dma_wait3A_1448 = tpu.memref_slice %arg1[%dma_wait3A_1439, %dma_wait3A_1445, %dma_wait3A_1446, %dma_wait3A_1447] : memref<1x24x512x128xf32, #tpu.memory_space<vmem>> -> memref<1x1x512x128xf32, #tpu.memory_space<vmem>>
    %dma_wait3A_1449 = tpu.memref_squeeze %dma_wait3A_1448 : memref<1x1x512x128xf32, #tpu.memory_space<vmem>> -> memref<1x512x128xf32, #tpu.memory_space<vmem>>
    tpu.wait_dma2 semaphore(%arg3 : memref<!tpu.dma_semaphore, #tpu.memory_space<semaphore_mem>>) src(%dma_wait3A_1449 : memref<1x512x128xf32, #tpu.memory_space<vmem>>) dst(%dma_wait3A_1444 : memref<1x512x128xf32, #tpu.memory_space<any>>)
    %dma_wait3A_1450 = arith.constant 0 : i32
    %dma_wait3A_1451 = arith.constant 70 : i32
    %dma_wait3A_1452 = arith.constant 0 : i32
    %dma_wait3A_1453 = arith.constant 0 : i32
    %dma_wait3A_1454 = tpu.memref_slice %arg2[%arg0, %dma_wait3A_1451, %dma_wait3A_1452, %dma_wait3A_1453] : memref<7x108x512x128xf32, #tpu.memory_space<any>> -> memref<1x1x512x128xf32, #tpu.memory_space<any>>
    %dma_wait3A_1455 = tpu.memref_squeeze %dma_wait3A_1454 : memref<1x1x512x128xf32, #tpu.memory_space<any>> -> memref<1x512x128xf32, #tpu.memory_space<any>>
    %dma_wait3A_1456 = arith.constant 5 : i32
    %dma_wait3A_1457 = arith.constant 0 : i32
    %dma_wait3A_1458 = arith.constant 0 : i32
    %dma_wait3A_1459 = tpu.memref_slice %arg1[%dma_wait3A_1450, %dma_wait3A_1456, %dma_wait3A_1457, %dma_wait3A_1458] : memref<1x24x512x128xf32, #tpu.memory_space<vmem>> -> memref<1x1x512x128xf32, #tpu.memory_space<vmem>>
    %dma_wait3A_1460 = tpu.memref_squeeze %dma_wait3A_1459 : memref<1x1x512x128xf32, #tpu.memory_space<vmem>> -> memref<1x512x128xf32, #tpu.memory_space<vmem>>
    tpu.wait_dma2 semaphore(%arg3 : memref<!tpu.dma_semaphore, #tpu.memory_space<semaphore_mem>>) src(%dma_wait3A_1460 : memref<1x512x128xf32, #tpu.memory_space<vmem>>) dst(%dma_wait3A_1455 : memref<1x512x128xf32, #tpu.memory_space<any>>)
    %dma_wait3A_1461 = arith.constant 0 : i32
    %dma_wait3A_1462 = arith.constant 71 : i32
    %dma_wait3A_1463 = arith.constant 0 : i32
    %dma_wait3A_1464 = arith.constant 0 : i32
    %dma_wait3A_1465 = tpu.memref_slice %arg2[%arg0, %dma_wait3A_1462, %dma_wait3A_1463, %dma_wait3A_1464] : memref<7x108x512x128xf32, #tpu.memory_space<any>> -> memref<1x1x512x128xf32, #tpu.memory_space<any>>
    %dma_wait3A_1466 = tpu.memref_squeeze %dma_wait3A_1465 : memref<1x1x512x128xf32, #tpu.memory_space<any>> -> memref<1x512x128xf32, #tpu.memory_space<any>>
    %dma_wait3A_1467 = arith.constant 11 : i32
    %dma_wait3A_1468 = arith.constant 0 : i32
    %dma_wait3A_1469 = arith.constant 0 : i32
    %dma_wait3A_1470 = tpu.memref_slice %arg1[%dma_wait3A_1461, %dma_wait3A_1467, %dma_wait3A_1468, %dma_wait3A_1469] : memref<1x24x512x128xf32, #tpu.memory_space<vmem>> -> memref<1x1x512x128xf32, #tpu.memory_space<vmem>>
    %dma_wait3A_1471 = tpu.memref_squeeze %dma_wait3A_1470 : memref<1x1x512x128xf32, #tpu.memory_space<vmem>> -> memref<1x512x128xf32, #tpu.memory_space<vmem>>
    tpu.wait_dma2 semaphore(%arg3 : memref<!tpu.dma_semaphore, #tpu.memory_space<semaphore_mem>>) src(%dma_wait3A_1471 : memref<1x512x128xf32, #tpu.memory_space<vmem>>) dst(%dma_wait3A_1466 : memref<1x512x128xf32, #tpu.memory_space<any>>)
    %dma_wait3A_1472 = arith.constant 0 : i32
    %dma_wait3A_1473 = arith.constant 72 : i32
    %dma_wait3A_1474 = arith.constant 0 : i32
    %dma_wait3A_1475 = arith.constant 0 : i32
    %dma_wait3A_1476 = tpu.memref_slice %arg2[%arg0, %dma_wait3A_1473, %dma_wait3A_1474, %dma_wait3A_1475] : memref<7x108x512x128xf32, #tpu.memory_space<any>> -> memref<1x1x512x128xf32, #tpu.memory_space<any>>
    %dma_wait3A_1477 = tpu.memref_squeeze %dma_wait3A_1476 : memref<1x1x512x128xf32, #tpu.memory_space<any>> -> memref<1x512x128xf32, #tpu.memory_space<any>>
    %dma_wait3A_1478 = arith.constant 2 : i32
    %dma_wait3A_1479 = arith.constant 0 : i32
    %dma_wait3A_1480 = arith.constant 0 : i32
    %dma_wait3A_1481 = tpu.memref_slice %arg1[%dma_wait3A_1472, %dma_wait3A_1478, %dma_wait3A_1479, %dma_wait3A_1480] : memref<1x24x512x128xf32, #tpu.memory_space<vmem>> -> memref<1x1x512x128xf32, #tpu.memory_space<vmem>>
    %dma_wait3A_1482 = tpu.memref_squeeze %dma_wait3A_1481 : memref<1x1x512x128xf32, #tpu.memory_space<vmem>> -> memref<1x512x128xf32, #tpu.memory_space<vmem>>
    tpu.wait_dma2 semaphore(%arg3 : memref<!tpu.dma_semaphore, #tpu.memory_space<semaphore_mem>>) src(%dma_wait3A_1482 : memref<1x512x128xf32, #tpu.memory_space<vmem>>) dst(%dma_wait3A_1477 : memref<1x512x128xf32, #tpu.memory_space<any>>)
    %dma_wait3A_1483 = arith.constant 0 : i32
    %dma_wait3A_1484 = arith.constant 73 : i32
    %dma_wait3A_1485 = arith.constant 0 : i32
    %dma_wait3A_1486 = arith.constant 0 : i32
    %dma_wait3A_1487 = tpu.memref_slice %arg2[%arg0, %dma_wait3A_1484, %dma_wait3A_1485, %dma_wait3A_1486] : memref<7x108x512x128xf32, #tpu.memory_space<any>> -> memref<1x1x512x128xf32, #tpu.memory_space<any>>
    %dma_wait3A_1488 = tpu.memref_squeeze %dma_wait3A_1487 : memref<1x1x512x128xf32, #tpu.memory_space<any>> -> memref<1x512x128xf32, #tpu.memory_space<any>>
    %dma_wait3A_1489 = arith.constant 5 : i32
    %dma_wait3A_1490 = arith.constant 0 : i32
    %dma_wait3A_1491 = arith.constant 0 : i32
    %dma_wait3A_1492 = tpu.memref_slice %arg1[%dma_wait3A_1483, %dma_wait3A_1489, %dma_wait3A_1490, %dma_wait3A_1491] : memref<1x24x512x128xf32, #tpu.memory_space<vmem>> -> memref<1x1x512x128xf32, #tpu.memory_space<vmem>>
    %dma_wait3A_1493 = tpu.memref_squeeze %dma_wait3A_1492 : memref<1x1x512x128xf32, #tpu.memory_space<vmem>> -> memref<1x512x128xf32, #tpu.memory_space<vmem>>
    tpu.wait_dma2 semaphore(%arg3 : memref<!tpu.dma_semaphore, #tpu.memory_space<semaphore_mem>>) src(%dma_wait3A_1493 : memref<1x512x128xf32, #tpu.memory_space<vmem>>) dst(%dma_wait3A_1488 : memref<1x512x128xf32, #tpu.memory_space<any>>)
    %dma_wait3A_1494 = arith.constant 0 : i32
    %dma_wait3A_1495 = arith.constant 74 : i32
    %dma_wait3A_1496 = arith.constant 0 : i32
    %dma_wait3A_1497 = arith.constant 0 : i32
    %dma_wait3A_1498 = tpu.memref_slice %arg2[%arg0, %dma_wait3A_1495, %dma_wait3A_1496, %dma_wait3A_1497] : memref<7x108x512x128xf32, #tpu.memory_space<any>> -> memref<1x1x512x128xf32, #tpu.memory_space<any>>
    %dma_wait3A_1499 = tpu.memref_squeeze %dma_wait3A_1498 : memref<1x1x512x128xf32, #tpu.memory_space<any>> -> memref<1x512x128xf32, #tpu.memory_space<any>>
    %dma_wait3A_1500 = arith.constant 12 : i32
    %dma_wait3A_1501 = arith.constant 0 : i32
    %dma_wait3A_1502 = arith.constant 0 : i32
    %dma_wait3A_1503 = tpu.memref_slice %arg1[%dma_wait3A_1494, %dma_wait3A_1500, %dma_wait3A_1501, %dma_wait3A_1502] : memref<1x24x512x128xf32, #tpu.memory_space<vmem>> -> memref<1x1x512x128xf32, #tpu.memory_space<vmem>>
    %dma_wait3A_1504 = tpu.memref_squeeze %dma_wait3A_1503 : memref<1x1x512x128xf32, #tpu.memory_space<vmem>> -> memref<1x512x128xf32, #tpu.memory_space<vmem>>
    tpu.wait_dma2 semaphore(%arg3 : memref<!tpu.dma_semaphore, #tpu.memory_space<semaphore_mem>>) src(%dma_wait3A_1504 : memref<1x512x128xf32, #tpu.memory_space<vmem>>) dst(%dma_wait3A_1499 : memref<1x512x128xf32, #tpu.memory_space<any>>)
    %dma_wait3A_1505 = arith.constant 0 : i32
    %dma_wait3A_1506 = arith.constant 75 : i32
    %dma_wait3A_1507 = arith.constant 0 : i32
    %dma_wait3A_1508 = arith.constant 0 : i32
    %dma_wait3A_1509 = tpu.memref_slice %arg2[%arg0, %dma_wait3A_1506, %dma_wait3A_1507, %dma_wait3A_1508] : memref<7x108x512x128xf32, #tpu.memory_space<any>> -> memref<1x1x512x128xf32, #tpu.memory_space<any>>
    %dma_wait3A_1510 = tpu.memref_squeeze %dma_wait3A_1509 : memref<1x1x512x128xf32, #tpu.memory_space<any>> -> memref<1x512x128xf32, #tpu.memory_space<any>>
    %dma_wait3A_1511 = arith.constant 2 : i32
    %dma_wait3A_1512 = arith.constant 0 : i32
    %dma_wait3A_1513 = arith.constant 0 : i32
    %dma_wait3A_1514 = tpu.memref_slice %arg1[%dma_wait3A_1505, %dma_wait3A_1511, %dma_wait3A_1512, %dma_wait3A_1513] : memref<1x24x512x128xf32, #tpu.memory_space<vmem>> -> memref<1x1x512x128xf32, #tpu.memory_space<vmem>>
    %dma_wait3A_1515 = tpu.memref_squeeze %dma_wait3A_1514 : memref<1x1x512x128xf32, #tpu.memory_space<vmem>> -> memref<1x512x128xf32, #tpu.memory_space<vmem>>
    tpu.wait_dma2 semaphore(%arg3 : memref<!tpu.dma_semaphore, #tpu.memory_space<semaphore_mem>>) src(%dma_wait3A_1515 : memref<1x512x128xf32, #tpu.memory_space<vmem>>) dst(%dma_wait3A_1510 : memref<1x512x128xf32, #tpu.memory_space<any>>)
    %dma_wait3A_1516 = arith.constant 0 : i32
    %dma_wait3A_1517 = arith.constant 76 : i32
    %dma_wait3A_1518 = arith.constant 0 : i32
    %dma_wait3A_1519 = arith.constant 0 : i32
    %dma_wait3A_1520 = tpu.memref_slice %arg2[%arg0, %dma_wait3A_1517, %dma_wait3A_1518, %dma_wait3A_1519] : memref<7x108x512x128xf32, #tpu.memory_space<any>> -> memref<1x1x512x128xf32, #tpu.memory_space<any>>
    %dma_wait3A_1521 = tpu.memref_squeeze %dma_wait3A_1520 : memref<1x1x512x128xf32, #tpu.memory_space<any>> -> memref<1x512x128xf32, #tpu.memory_space<any>>
    %dma_wait3A_1522 = arith.constant 5 : i32
    %dma_wait3A_1523 = arith.constant 0 : i32
    %dma_wait3A_1524 = arith.constant 0 : i32
    %dma_wait3A_1525 = tpu.memref_slice %arg1[%dma_wait3A_1516, %dma_wait3A_1522, %dma_wait3A_1523, %dma_wait3A_1524] : memref<1x24x512x128xf32, #tpu.memory_space<vmem>> -> memref<1x1x512x128xf32, #tpu.memory_space<vmem>>
    %dma_wait3A_1526 = tpu.memref_squeeze %dma_wait3A_1525 : memref<1x1x512x128xf32, #tpu.memory_space<vmem>> -> memref<1x512x128xf32, #tpu.memory_space<vmem>>
    tpu.wait_dma2 semaphore(%arg3 : memref<!tpu.dma_semaphore, #tpu.memory_space<semaphore_mem>>) src(%dma_wait3A_1526 : memref<1x512x128xf32, #tpu.memory_space<vmem>>) dst(%dma_wait3A_1521 : memref<1x512x128xf32, #tpu.memory_space<any>>)
    %dma_wait3A_1527 = arith.constant 0 : i32
    %dma_wait3A_1528 = arith.constant 77 : i32
    %dma_wait3A_1529 = arith.constant 0 : i32
    %dma_wait3A_1530 = arith.constant 0 : i32
    %dma_wait3A_1531 = tpu.memref_slice %arg2[%arg0, %dma_wait3A_1528, %dma_wait3A_1529, %dma_wait3A_1530] : memref<7x108x512x128xf32, #tpu.memory_space<any>> -> memref<1x1x512x128xf32, #tpu.memory_space<any>>
    %dma_wait3A_1532 = tpu.memref_squeeze %dma_wait3A_1531 : memref<1x1x512x128xf32, #tpu.memory_space<any>> -> memref<1x512x128xf32, #tpu.memory_space<any>>
    %dma_wait3A_1533 = arith.constant 13 : i32
    %dma_wait3A_1534 = arith.constant 0 : i32
    %dma_wait3A_1535 = arith.constant 0 : i32
    %dma_wait3A_1536 = tpu.memref_slice %arg1[%dma_wait3A_1527, %dma_wait3A_1533, %dma_wait3A_1534, %dma_wait3A_1535] : memref<1x24x512x128xf32, #tpu.memory_space<vmem>> -> memref<1x1x512x128xf32, #tpu.memory_space<vmem>>
    %dma_wait3A_1537 = tpu.memref_squeeze %dma_wait3A_1536 : memref<1x1x512x128xf32, #tpu.memory_space<vmem>> -> memref<1x512x128xf32, #tpu.memory_space<vmem>>
    tpu.wait_dma2 semaphore(%arg3 : memref<!tpu.dma_semaphore, #tpu.memory_space<semaphore_mem>>) src(%dma_wait3A_1537 : memref<1x512x128xf32, #tpu.memory_space<vmem>>) dst(%dma_wait3A_1532 : memref<1x512x128xf32, #tpu.memory_space<any>>)
    %dma_wait3A_1538 = arith.constant 0 : i32
    %dma_wait3A_1539 = arith.constant 78 : i32
    %dma_wait3A_1540 = arith.constant 0 : i32
    %dma_wait3A_1541 = arith.constant 0 : i32
    %dma_wait3A_1542 = tpu.memref_slice %arg2[%arg0, %dma_wait3A_1539, %dma_wait3A_1540, %dma_wait3A_1541] : memref<7x108x512x128xf32, #tpu.memory_space<any>> -> memref<1x1x512x128xf32, #tpu.memory_space<any>>
    %dma_wait3A_1543 = tpu.memref_squeeze %dma_wait3A_1542 : memref<1x1x512x128xf32, #tpu.memory_space<any>> -> memref<1x512x128xf32, #tpu.memory_space<any>>
    %dma_wait3A_1544 = arith.constant 2 : i32
    %dma_wait3A_1545 = arith.constant 0 : i32
    %dma_wait3A_1546 = arith.constant 0 : i32
    %dma_wait3A_1547 = tpu.memref_slice %arg1[%dma_wait3A_1538, %dma_wait3A_1544, %dma_wait3A_1545, %dma_wait3A_1546] : memref<1x24x512x128xf32, #tpu.memory_space<vmem>> -> memref<1x1x512x128xf32, #tpu.memory_space<vmem>>
    %dma_wait3A_1548 = tpu.memref_squeeze %dma_wait3A_1547 : memref<1x1x512x128xf32, #tpu.memory_space<vmem>> -> memref<1x512x128xf32, #tpu.memory_space<vmem>>
    tpu.wait_dma2 semaphore(%arg3 : memref<!tpu.dma_semaphore, #tpu.memory_space<semaphore_mem>>) src(%dma_wait3A_1548 : memref<1x512x128xf32, #tpu.memory_space<vmem>>) dst(%dma_wait3A_1543 : memref<1x512x128xf32, #tpu.memory_space<any>>)
    %dma_wait3A_1549 = arith.constant 0 : i32
    %dma_wait3A_1550 = arith.constant 79 : i32
    %dma_wait3A_1551 = arith.constant 0 : i32
    %dma_wait3A_1552 = arith.constant 0 : i32
    %dma_wait3A_1553 = tpu.memref_slice %arg2[%arg0, %dma_wait3A_1550, %dma_wait3A_1551, %dma_wait3A_1552] : memref<7x108x512x128xf32, #tpu.memory_space<any>> -> memref<1x1x512x128xf32, #tpu.memory_space<any>>
    %dma_wait3A_1554 = tpu.memref_squeeze %dma_wait3A_1553 : memref<1x1x512x128xf32, #tpu.memory_space<any>> -> memref<1x512x128xf32, #tpu.memory_space<any>>
    %dma_wait3A_1555 = arith.constant 5 : i32
    %dma_wait3A_1556 = arith.constant 0 : i32
    %dma_wait3A_1557 = arith.constant 0 : i32
    %dma_wait3A_1558 = tpu.memref_slice %arg1[%dma_wait3A_1549, %dma_wait3A_1555, %dma_wait3A_1556, %dma_wait3A_1557] : memref<1x24x512x128xf32, #tpu.memory_space<vmem>> -> memref<1x1x512x128xf32, #tpu.memory_space<vmem>>
    %dma_wait3A_1559 = tpu.memref_squeeze %dma_wait3A_1558 : memref<1x1x512x128xf32, #tpu.memory_space<vmem>> -> memref<1x512x128xf32, #tpu.memory_space<vmem>>
    tpu.wait_dma2 semaphore(%arg3 : memref<!tpu.dma_semaphore, #tpu.memory_space<semaphore_mem>>) src(%dma_wait3A_1559 : memref<1x512x128xf32, #tpu.memory_space<vmem>>) dst(%dma_wait3A_1554 : memref<1x512x128xf32, #tpu.memory_space<any>>)
    %dma_wait3A_1560 = arith.constant 0 : i32
    %dma_wait3A_1561 = arith.constant 80 : i32
    %dma_wait3A_1562 = arith.constant 0 : i32
    %dma_wait3A_1563 = arith.constant 0 : i32
    %dma_wait3A_1564 = tpu.memref_slice %arg2[%arg0, %dma_wait3A_1561, %dma_wait3A_1562, %dma_wait3A_1563] : memref<7x108x512x128xf32, #tpu.memory_space<any>> -> memref<1x1x512x128xf32, #tpu.memory_space<any>>
    %dma_wait3A_1565 = tpu.memref_squeeze %dma_wait3A_1564 : memref<1x1x512x128xf32, #tpu.memory_space<any>> -> memref<1x512x128xf32, #tpu.memory_space<any>>
    %dma_wait3A_1566 = arith.constant 14 : i32
    %dma_wait3A_1567 = arith.constant 0 : i32
    %dma_wait3A_1568 = arith.constant 0 : i32
    %dma_wait3A_1569 = tpu.memref_slice %arg1[%dma_wait3A_1560, %dma_wait3A_1566, %dma_wait3A_1567, %dma_wait3A_1568] : memref<1x24x512x128xf32, #tpu.memory_space<vmem>> -> memref<1x1x512x128xf32, #tpu.memory_space<vmem>>
    %dma_wait3A_1570 = tpu.memref_squeeze %dma_wait3A_1569 : memref<1x1x512x128xf32, #tpu.memory_space<vmem>> -> memref<1x512x128xf32, #tpu.memory_space<vmem>>
    tpu.wait_dma2 semaphore(%arg3 : memref<!tpu.dma_semaphore, #tpu.memory_space<semaphore_mem>>) src(%dma_wait3A_1570 : memref<1x512x128xf32, #tpu.memory_space<vmem>>) dst(%dma_wait3A_1565 : memref<1x512x128xf32, #tpu.memory_space<any>>)
    %dma_wait3A_1571 = arith.constant 0 : i32
    %dma_wait3A_1572 = arith.constant 81 : i32
    %dma_wait3A_1573 = arith.constant 0 : i32
    %dma_wait3A_1574 = arith.constant 0 : i32
    %dma_wait3A_1575 = tpu.memref_slice %arg2[%arg0, %dma_wait3A_1572, %dma_wait3A_1573, %dma_wait3A_1574] : memref<7x108x512x128xf32, #tpu.memory_space<any>> -> memref<1x1x512x128xf32, #tpu.memory_space<any>>
    %dma_wait3A_1576 = tpu.memref_squeeze %dma_wait3A_1575 : memref<1x1x512x128xf32, #tpu.memory_space<any>> -> memref<1x512x128xf32, #tpu.memory_space<any>>
    %dma_wait3A_1577 = arith.constant 2 : i32
    %dma_wait3A_1578 = arith.constant 0 : i32
    %dma_wait3A_1579 = arith.constant 0 : i32
    %dma_wait3A_1580 = tpu.memref_slice %arg1[%dma_wait3A_1571, %dma_wait3A_1577, %dma_wait3A_1578, %dma_wait3A_1579] : memref<1x24x512x128xf32, #tpu.memory_space<vmem>> -> memref<1x1x512x128xf32, #tpu.memory_space<vmem>>
    %dma_wait3A_1581 = tpu.memref_squeeze %dma_wait3A_1580 : memref<1x1x512x128xf32, #tpu.memory_space<vmem>> -> memref<1x512x128xf32, #tpu.memory_space<vmem>>
    tpu.wait_dma2 semaphore(%arg3 : memref<!tpu.dma_semaphore, #tpu.memory_space<semaphore_mem>>) src(%dma_wait3A_1581 : memref<1x512x128xf32, #tpu.memory_space<vmem>>) dst(%dma_wait3A_1576 : memref<1x512x128xf32, #tpu.memory_space<any>>)
    %dma_wait3A_1582 = arith.constant 0 : i32
    %dma_wait3A_1583 = arith.constant 82 : i32
    %dma_wait3A_1584 = arith.constant 0 : i32
    %dma_wait3A_1585 = arith.constant 0 : i32
    %dma_wait3A_1586 = tpu.memref_slice %arg2[%arg0, %dma_wait3A_1583, %dma_wait3A_1584, %dma_wait3A_1585] : memref<7x108x512x128xf32, #tpu.memory_space<any>> -> memref<1x1x512x128xf32, #tpu.memory_space<any>>
    %dma_wait3A_1587 = tpu.memref_squeeze %dma_wait3A_1586 : memref<1x1x512x128xf32, #tpu.memory_space<any>> -> memref<1x512x128xf32, #tpu.memory_space<any>>
    %dma_wait3A_1588 = arith.constant 5 : i32
    %dma_wait3A_1589 = arith.constant 0 : i32
    %dma_wait3A_1590 = arith.constant 0 : i32
    %dma_wait3A_1591 = tpu.memref_slice %arg1[%dma_wait3A_1582, %dma_wait3A_1588, %dma_wait3A_1589, %dma_wait3A_1590] : memref<1x24x512x128xf32, #tpu.memory_space<vmem>> -> memref<1x1x512x128xf32, #tpu.memory_space<vmem>>
    %dma_wait3A_1592 = tpu.memref_squeeze %dma_wait3A_1591 : memref<1x1x512x128xf32, #tpu.memory_space<vmem>> -> memref<1x512x128xf32, #tpu.memory_space<vmem>>
    tpu.wait_dma2 semaphore(%arg3 : memref<!tpu.dma_semaphore, #tpu.memory_space<semaphore_mem>>) src(%dma_wait3A_1592 : memref<1x512x128xf32, #tpu.memory_space<vmem>>) dst(%dma_wait3A_1587 : memref<1x512x128xf32, #tpu.memory_space<any>>)
    %dma_wait3A_1593 = arith.constant 0 : i32
    %dma_wait3A_1594 = arith.constant 83 : i32
    %dma_wait3A_1595 = arith.constant 0 : i32
    %dma_wait3A_1596 = arith.constant 0 : i32
    %dma_wait3A_1597 = tpu.memref_slice %arg2[%arg0, %dma_wait3A_1594, %dma_wait3A_1595, %dma_wait3A_1596] : memref<7x108x512x128xf32, #tpu.memory_space<any>> -> memref<1x1x512x128xf32, #tpu.memory_space<any>>
    %dma_wait3A_1598 = tpu.memref_squeeze %dma_wait3A_1597 : memref<1x1x512x128xf32, #tpu.memory_space<any>> -> memref<1x512x128xf32, #tpu.memory_space<any>>
    %dma_wait3A_1599 = arith.constant 15 : i32
    %dma_wait3A_1600 = arith.constant 0 : i32
    %dma_wait3A_1601 = arith.constant 0 : i32
    %dma_wait3A_1602 = tpu.memref_slice %arg1[%dma_wait3A_1593, %dma_wait3A_1599, %dma_wait3A_1600, %dma_wait3A_1601] : memref<1x24x512x128xf32, #tpu.memory_space<vmem>> -> memref<1x1x512x128xf32, #tpu.memory_space<vmem>>
    %dma_wait3A_1603 = tpu.memref_squeeze %dma_wait3A_1602 : memref<1x1x512x128xf32, #tpu.memory_space<vmem>> -> memref<1x512x128xf32, #tpu.memory_space<vmem>>
    tpu.wait_dma2 semaphore(%arg3 : memref<!tpu.dma_semaphore, #tpu.memory_space<semaphore_mem>>) src(%dma_wait3A_1603 : memref<1x512x128xf32, #tpu.memory_space<vmem>>) dst(%dma_wait3A_1598 : memref<1x512x128xf32, #tpu.memory_space<any>>)
    %dma_wait3A_1604 = arith.constant 0 : i32
    %dma_wait3A_1605 = arith.constant 84 : i32
    %dma_wait3A_1606 = arith.constant 0 : i32
    %dma_wait3A_1607 = arith.constant 0 : i32
    %dma_wait3A_1608 = tpu.memref_slice %arg2[%arg0, %dma_wait3A_1605, %dma_wait3A_1606, %dma_wait3A_1607] : memref<7x108x512x128xf32, #tpu.memory_space<any>> -> memref<1x1x512x128xf32, #tpu.memory_space<any>>
    %dma_wait3A_1609 = tpu.memref_squeeze %dma_wait3A_1608 : memref<1x1x512x128xf32, #tpu.memory_space<any>> -> memref<1x512x128xf32, #tpu.memory_space<any>>
    %dma_wait3A_1610 = arith.constant 2 : i32
    %dma_wait3A_1611 = arith.constant 0 : i32
    %dma_wait3A_1612 = arith.constant 0 : i32
    %dma_wait3A_1613 = tpu.memref_slice %arg1[%dma_wait3A_1604, %dma_wait3A_1610, %dma_wait3A_1611, %dma_wait3A_1612] : memref<1x24x512x128xf32, #tpu.memory_space<vmem>> -> memref<1x1x512x128xf32, #tpu.memory_space<vmem>>
    %dma_wait3A_1614 = tpu.memref_squeeze %dma_wait3A_1613 : memref<1x1x512x128xf32, #tpu.memory_space<vmem>> -> memref<1x512x128xf32, #tpu.memory_space<vmem>>
    tpu.wait_dma2 semaphore(%arg3 : memref<!tpu.dma_semaphore, #tpu.memory_space<semaphore_mem>>) src(%dma_wait3A_1614 : memref<1x512x128xf32, #tpu.memory_space<vmem>>) dst(%dma_wait3A_1609 : memref<1x512x128xf32, #tpu.memory_space<any>>)
    %dma_wait3A_1615 = arith.constant 0 : i32
    %dma_wait3A_1616 = arith.constant 85 : i32
    %dma_wait3A_1617 = arith.constant 0 : i32
    %dma_wait3A_1618 = arith.constant 0 : i32
    %dma_wait3A_1619 = tpu.memref_slice %arg2[%arg0, %dma_wait3A_1616, %dma_wait3A_1617, %dma_wait3A_1618] : memref<7x108x512x128xf32, #tpu.memory_space<any>> -> memref<1x1x512x128xf32, #tpu.memory_space<any>>
    %dma_wait3A_1620 = tpu.memref_squeeze %dma_wait3A_1619 : memref<1x1x512x128xf32, #tpu.memory_space<any>> -> memref<1x512x128xf32, #tpu.memory_space<any>>
    %dma_wait3A_1621 = arith.constant 5 : i32
    %dma_wait3A_1622 = arith.constant 0 : i32
    %dma_wait3A_1623 = arith.constant 0 : i32
    %dma_wait3A_1624 = tpu.memref_slice %arg1[%dma_wait3A_1615, %dma_wait3A_1621, %dma_wait3A_1622, %dma_wait3A_1623] : memref<1x24x512x128xf32, #tpu.memory_space<vmem>> -> memref<1x1x512x128xf32, #tpu.memory_space<vmem>>
    %dma_wait3A_1625 = tpu.memref_squeeze %dma_wait3A_1624 : memref<1x1x512x128xf32, #tpu.memory_space<vmem>> -> memref<1x512x128xf32, #tpu.memory_space<vmem>>
    tpu.wait_dma2 semaphore(%arg3 : memref<!tpu.dma_semaphore, #tpu.memory_space<semaphore_mem>>) src(%dma_wait3A_1625 : memref<1x512x128xf32, #tpu.memory_space<vmem>>) dst(%dma_wait3A_1620 : memref<1x512x128xf32, #tpu.memory_space<any>>)
    %dma_wait3A_1626 = arith.constant 0 : i32
    %dma_wait3A_1627 = arith.constant 86 : i32
    %dma_wait3A_1628 = arith.constant 0 : i32
    %dma_wait3A_1629 = arith.constant 0 : i32
    %dma_wait3A_1630 = tpu.memref_slice %arg2[%arg0, %dma_wait3A_1627, %dma_wait3A_1628, %dma_wait3A_1629] : memref<7x108x512x128xf32, #tpu.memory_space<any>> -> memref<1x1x512x128xf32, #tpu.memory_space<any>>
    %dma_wait3A_1631 = tpu.memref_squeeze %dma_wait3A_1630 : memref<1x1x512x128xf32, #tpu.memory_space<any>> -> memref<1x512x128xf32, #tpu.memory_space<any>>
    %dma_wait3A_1632 = arith.constant 16 : i32
    %dma_wait3A_1633 = arith.constant 0 : i32
    %dma_wait3A_1634 = arith.constant 0 : i32
    %dma_wait3A_1635 = tpu.memref_slice %arg1[%dma_wait3A_1626, %dma_wait3A_1632, %dma_wait3A_1633, %dma_wait3A_1634] : memref<1x24x512x128xf32, #tpu.memory_space<vmem>> -> memref<1x1x512x128xf32, #tpu.memory_space<vmem>>
    %dma_wait3A_1636 = tpu.memref_squeeze %dma_wait3A_1635 : memref<1x1x512x128xf32, #tpu.memory_space<vmem>> -> memref<1x512x128xf32, #tpu.memory_space<vmem>>
    tpu.wait_dma2 semaphore(%arg3 : memref<!tpu.dma_semaphore, #tpu.memory_space<semaphore_mem>>) src(%dma_wait3A_1636 : memref<1x512x128xf32, #tpu.memory_space<vmem>>) dst(%dma_wait3A_1631 : memref<1x512x128xf32, #tpu.memory_space<any>>)
    %dma_wait3A_1637 = arith.constant 0 : i32
    %dma_wait3A_1638 = arith.constant 87 : i32
    %dma_wait3A_1639 = arith.constant 0 : i32
    %dma_wait3A_1640 = arith.constant 0 : i32
    %dma_wait3A_1641 = tpu.memref_slice %arg2[%arg0, %dma_wait3A_1638, %dma_wait3A_1639, %dma_wait3A_1640] : memref<7x108x512x128xf32, #tpu.memory_space<any>> -> memref<1x1x512x128xf32, #tpu.memory_space<any>>
    %dma_wait3A_1642 = tpu.memref_squeeze %dma_wait3A_1641 : memref<1x1x512x128xf32, #tpu.memory_space<any>> -> memref<1x512x128xf32, #tpu.memory_space<any>>
    %dma_wait3A_1643 = arith.constant 2 : i32
    %dma_wait3A_1644 = arith.constant 0 : i32
    %dma_wait3A_1645 = arith.constant 0 : i32
    %dma_wait3A_1646 = tpu.memref_slice %arg1[%dma_wait3A_1637, %dma_wait3A_1643, %dma_wait3A_1644, %dma_wait3A_1645] : memref<1x24x512x128xf32, #tpu.memory_space<vmem>> -> memref<1x1x512x128xf32, #tpu.memory_space<vmem>>
    %dma_wait3A_1647 = tpu.memref_squeeze %dma_wait3A_1646 : memref<1x1x512x128xf32, #tpu.memory_space<vmem>> -> memref<1x512x128xf32, #tpu.memory_space<vmem>>
    tpu.wait_dma2 semaphore(%arg3 : memref<!tpu.dma_semaphore, #tpu.memory_space<semaphore_mem>>) src(%dma_wait3A_1647 : memref<1x512x128xf32, #tpu.memory_space<vmem>>) dst(%dma_wait3A_1642 : memref<1x512x128xf32, #tpu.memory_space<any>>)
    %dma_wait3A_1648 = arith.constant 0 : i32
    %dma_wait3A_1649 = arith.constant 88 : i32
    %dma_wait3A_1650 = arith.constant 0 : i32
    %dma_wait3A_1651 = arith.constant 0 : i32
    %dma_wait3A_1652 = tpu.memref_slice %arg2[%arg0, %dma_wait3A_1649, %dma_wait3A_1650, %dma_wait3A_1651] : memref<7x108x512x128xf32, #tpu.memory_space<any>> -> memref<1x1x512x128xf32, #tpu.memory_space<any>>
    %dma_wait3A_1653 = tpu.memref_squeeze %dma_wait3A_1652 : memref<1x1x512x128xf32, #tpu.memory_space<any>> -> memref<1x512x128xf32, #tpu.memory_space<any>>
    %dma_wait3A_1654 = arith.constant 5 : i32
    %dma_wait3A_1655 = arith.constant 0 : i32
    %dma_wait3A_1656 = arith.constant 0 : i32
    %dma_wait3A_1657 = tpu.memref_slice %arg1[%dma_wait3A_1648, %dma_wait3A_1654, %dma_wait3A_1655, %dma_wait3A_1656] : memref<1x24x512x128xf32, #tpu.memory_space<vmem>> -> memref<1x1x512x128xf32, #tpu.memory_space<vmem>>
    %dma_wait3A_1658 = tpu.memref_squeeze %dma_wait3A_1657 : memref<1x1x512x128xf32, #tpu.memory_space<vmem>> -> memref<1x512x128xf32, #tpu.memory_space<vmem>>
    tpu.wait_dma2 semaphore(%arg3 : memref<!tpu.dma_semaphore, #tpu.memory_space<semaphore_mem>>) src(%dma_wait3A_1658 : memref<1x512x128xf32, #tpu.memory_space<vmem>>) dst(%dma_wait3A_1653 : memref<1x512x128xf32, #tpu.memory_space<any>>)
    %dma_wait3A_1659 = arith.constant 0 : i32
    %dma_wait3A_1660 = arith.constant 89 : i32
    %dma_wait3A_1661 = arith.constant 0 : i32
    %dma_wait3A_1662 = arith.constant 0 : i32
    %dma_wait3A_1663 = tpu.memref_slice %arg2[%arg0, %dma_wait3A_1660, %dma_wait3A_1661, %dma_wait3A_1662] : memref<7x108x512x128xf32, #tpu.memory_space<any>> -> memref<1x1x512x128xf32, #tpu.memory_space<any>>
    %dma_wait3A_1664 = tpu.memref_squeeze %dma_wait3A_1663 : memref<1x1x512x128xf32, #tpu.memory_space<any>> -> memref<1x512x128xf32, #tpu.memory_space<any>>
    %dma_wait3A_1665 = arith.constant 17 : i32
    %dma_wait3A_1666 = arith.constant 0 : i32
    %dma_wait3A_1667 = arith.constant 0 : i32
    %dma_wait3A_1668 = tpu.memref_slice %arg1[%dma_wait3A_1659, %dma_wait3A_1665, %dma_wait3A_1666, %dma_wait3A_1667] : memref<1x24x512x128xf32, #tpu.memory_space<vmem>> -> memref<1x1x512x128xf32, #tpu.memory_space<vmem>>
    %dma_wait3A_1669 = tpu.memref_squeeze %dma_wait3A_1668 : memref<1x1x512x128xf32, #tpu.memory_space<vmem>> -> memref<1x512x128xf32, #tpu.memory_space<vmem>>
    tpu.wait_dma2 semaphore(%arg3 : memref<!tpu.dma_semaphore, #tpu.memory_space<semaphore_mem>>) src(%dma_wait3A_1669 : memref<1x512x128xf32, #tpu.memory_space<vmem>>) dst(%dma_wait3A_1664 : memref<1x512x128xf32, #tpu.memory_space<any>>)
    %dma_wait3A_1670 = arith.constant 0 : i32
    %dma_wait3A_1671 = arith.constant 90 : i32
    %dma_wait3A_1672 = arith.constant 0 : i32
    %dma_wait3A_1673 = arith.constant 0 : i32
    %dma_wait3A_1674 = tpu.memref_slice %arg2[%arg0, %dma_wait3A_1671, %dma_wait3A_1672, %dma_wait3A_1673] : memref<7x108x512x128xf32, #tpu.memory_space<any>> -> memref<1x1x512x128xf32, #tpu.memory_space<any>>
    %dma_wait3A_1675 = tpu.memref_squeeze %dma_wait3A_1674 : memref<1x1x512x128xf32, #tpu.memory_space<any>> -> memref<1x512x128xf32, #tpu.memory_space<any>>
    %dma_wait3A_1676 = arith.constant 2 : i32
    %dma_wait3A_1677 = arith.constant 0 : i32
    %dma_wait3A_1678 = arith.constant 0 : i32
    %dma_wait3A_1679 = tpu.memref_slice %arg1[%dma_wait3A_1670, %dma_wait3A_1676, %dma_wait3A_1677, %dma_wait3A_1678] : memref<1x24x512x128xf32, #tpu.memory_space<vmem>> -> memref<1x1x512x128xf32, #tpu.memory_space<vmem>>
    %dma_wait3A_1680 = tpu.memref_squeeze %dma_wait3A_1679 : memref<1x1x512x128xf32, #tpu.memory_space<vmem>> -> memref<1x512x128xf32, #tpu.memory_space<vmem>>
    tpu.wait_dma2 semaphore(%arg3 : memref<!tpu.dma_semaphore, #tpu.memory_space<semaphore_mem>>) src(%dma_wait3A_1680 : memref<1x512x128xf32, #tpu.memory_space<vmem>>) dst(%dma_wait3A_1675 : memref<1x512x128xf32, #tpu.memory_space<any>>)
    %dma_wait3A_1681 = arith.constant 0 : i32
    %dma_wait3A_1682 = arith.constant 91 : i32
    %dma_wait3A_1683 = arith.constant 0 : i32
    %dma_wait3A_1684 = arith.constant 0 : i32
    %dma_wait3A_1685 = tpu.memref_slice %arg2[%arg0, %dma_wait3A_1682, %dma_wait3A_1683, %dma_wait3A_1684] : memref<7x108x512x128xf32, #tpu.memory_space<any>> -> memref<1x1x512x128xf32, #tpu.memory_space<any>>
    %dma_wait3A_1686 = tpu.memref_squeeze %dma_wait3A_1685 : memref<1x1x512x128xf32, #tpu.memory_space<any>> -> memref<1x512x128xf32, #tpu.memory_space<any>>
    %dma_wait3A_1687 = arith.constant 5 : i32
    %dma_wait3A_1688 = arith.constant 0 : i32
    %dma_wait3A_1689 = arith.constant 0 : i32
    %dma_wait3A_1690 = tpu.memref_slice %arg1[%dma_wait3A_1681, %dma_wait3A_1687, %dma_wait3A_1688, %dma_wait3A_1689] : memref<1x24x512x128xf32, #tpu.memory_space<vmem>> -> memref<1x1x512x128xf32, #tpu.memory_space<vmem>>
    %dma_wait3A_1691 = tpu.memref_squeeze %dma_wait3A_1690 : memref<1x1x512x128xf32, #tpu.memory_space<vmem>> -> memref<1x512x128xf32, #tpu.memory_space<vmem>>
    tpu.wait_dma2 semaphore(%arg3 : memref<!tpu.dma_semaphore, #tpu.memory_space<semaphore_mem>>) src(%dma_wait3A_1691 : memref<1x512x128xf32, #tpu.memory_space<vmem>>) dst(%dma_wait3A_1686 : memref<1x512x128xf32, #tpu.memory_space<any>>)
    %dma_wait3A_1692 = arith.constant 0 : i32
    %dma_wait3A_1693 = arith.constant 92 : i32
    %dma_wait3A_1694 = arith.constant 0 : i32
    %dma_wait3A_1695 = arith.constant 0 : i32
    %dma_wait3A_1696 = tpu.memref_slice %arg2[%arg0, %dma_wait3A_1693, %dma_wait3A_1694, %dma_wait3A_1695] : memref<7x108x512x128xf32, #tpu.memory_space<any>> -> memref<1x1x512x128xf32, #tpu.memory_space<any>>
    %dma_wait3A_1697 = tpu.memref_squeeze %dma_wait3A_1696 : memref<1x1x512x128xf32, #tpu.memory_space<any>> -> memref<1x512x128xf32, #tpu.memory_space<any>>
    %dma_wait3A_1698 = arith.constant 18 : i32
    %dma_wait3A_1699 = arith.constant 0 : i32
    %dma_wait3A_1700 = arith.constant 0 : i32
    %dma_wait3A_1701 = tpu.memref_slice %arg1[%dma_wait3A_1692, %dma_wait3A_1698, %dma_wait3A_1699, %dma_wait3A_1700] : memref<1x24x512x128xf32, #tpu.memory_space<vmem>> -> memref<1x1x512x128xf32, #tpu.memory_space<vmem>>
    %dma_wait3A_1702 = tpu.memref_squeeze %dma_wait3A_1701 : memref<1x1x512x128xf32, #tpu.memory_space<vmem>> -> memref<1x512x128xf32, #tpu.memory_space<vmem>>
    tpu.wait_dma2 semaphore(%arg3 : memref<!tpu.dma_semaphore, #tpu.memory_space<semaphore_mem>>) src(%dma_wait3A_1702 : memref<1x512x128xf32, #tpu.memory_space<vmem>>) dst(%dma_wait3A_1697 : memref<1x512x128xf32, #tpu.memory_space<any>>)
    %dma_wait3A_1703 = arith.constant 0 : i32
    %dma_wait3A_1704 = arith.constant 93 : i32
    %dma_wait3A_1705 = arith.constant 0 : i32
    %dma_wait3A_1706 = arith.constant 0 : i32
    %dma_wait3A_1707 = tpu.memref_slice %arg2[%arg0, %dma_wait3A_1704, %dma_wait3A_1705, %dma_wait3A_1706] : memref<7x108x512x128xf32, #tpu.memory_space<any>> -> memref<1x1x512x128xf32, #tpu.memory_space<any>>
    %dma_wait3A_1708 = tpu.memref_squeeze %dma_wait3A_1707 : memref<1x1x512x128xf32, #tpu.memory_space<any>> -> memref<1x512x128xf32, #tpu.memory_space<any>>
    %dma_wait3A_1709 = arith.constant 2 : i32
    %dma_wait3A_1710 = arith.constant 0 : i32
    %dma_wait3A_1711 = arith.constant 0 : i32
    %dma_wait3A_1712 = tpu.memref_slice %arg1[%dma_wait3A_1703, %dma_wait3A_1709, %dma_wait3A_1710, %dma_wait3A_1711] : memref<1x24x512x128xf32, #tpu.memory_space<vmem>> -> memref<1x1x512x128xf32, #tpu.memory_space<vmem>>
    %dma_wait3A_1713 = tpu.memref_squeeze %dma_wait3A_1712 : memref<1x1x512x128xf32, #tpu.memory_space<vmem>> -> memref<1x512x128xf32, #tpu.memory_space<vmem>>
    tpu.wait_dma2 semaphore(%arg3 : memref<!tpu.dma_semaphore, #tpu.memory_space<semaphore_mem>>) src(%dma_wait3A_1713 : memref<1x512x128xf32, #tpu.memory_space<vmem>>) dst(%dma_wait3A_1708 : memref<1x512x128xf32, #tpu.memory_space<any>>)
    %dma_wait3A_1714 = arith.constant 0 : i32
    %dma_wait3A_1715 = arith.constant 94 : i32
    %dma_wait3A_1716 = arith.constant 0 : i32
    %dma_wait3A_1717 = arith.constant 0 : i32
    %dma_wait3A_1718 = tpu.memref_slice %arg2[%arg0, %dma_wait3A_1715, %dma_wait3A_1716, %dma_wait3A_1717] : memref<7x108x512x128xf32, #tpu.memory_space<any>> -> memref<1x1x512x128xf32, #tpu.memory_space<any>>
    %dma_wait3A_1719 = tpu.memref_squeeze %dma_wait3A_1718 : memref<1x1x512x128xf32, #tpu.memory_space<any>> -> memref<1x512x128xf32, #tpu.memory_space<any>>
    %dma_wait3A_1720 = arith.constant 5 : i32
    %dma_wait3A_1721 = arith.constant 0 : i32
    %dma_wait3A_1722 = arith.constant 0 : i32
    %dma_wait3A_1723 = tpu.memref_slice %arg1[%dma_wait3A_1714, %dma_wait3A_1720, %dma_wait3A_1721, %dma_wait3A_1722] : memref<1x24x512x128xf32, #tpu.memory_space<vmem>> -> memref<1x1x512x128xf32, #tpu.memory_space<vmem>>
    %dma_wait3A_1724 = tpu.memref_squeeze %dma_wait3A_1723 : memref<1x1x512x128xf32, #tpu.memory_space<vmem>> -> memref<1x512x128xf32, #tpu.memory_space<vmem>>
    tpu.wait_dma2 semaphore(%arg3 : memref<!tpu.dma_semaphore, #tpu.memory_space<semaphore_mem>>) src(%dma_wait3A_1724 : memref<1x512x128xf32, #tpu.memory_space<vmem>>) dst(%dma_wait3A_1719 : memref<1x512x128xf32, #tpu.memory_space<any>>)
    %dma_wait3A_1725 = arith.constant 0 : i32
    %dma_wait3A_1726 = arith.constant 95 : i32
    %dma_wait3A_1727 = arith.constant 0 : i32
    %dma_wait3A_1728 = arith.constant 0 : i32
    %dma_wait3A_1729 = tpu.memref_slice %arg2[%arg0, %dma_wait3A_1726, %dma_wait3A_1727, %dma_wait3A_1728] : memref<7x108x512x128xf32, #tpu.memory_space<any>> -> memref<1x1x512x128xf32, #tpu.memory_space<any>>
    %dma_wait3A_1730 = tpu.memref_squeeze %dma_wait3A_1729 : memref<1x1x512x128xf32, #tpu.memory_space<any>> -> memref<1x512x128xf32, #tpu.memory_space<any>>
    %dma_wait3A_1731 = arith.constant 19 : i32
    %dma_wait3A_1732 = arith.constant 0 : i32
    %dma_wait3A_1733 = arith.constant 0 : i32
    %dma_wait3A_1734 = tpu.memref_slice %arg1[%dma_wait3A_1725, %dma_wait3A_1731, %dma_wait3A_1732, %dma_wait3A_1733] : memref<1x24x512x128xf32, #tpu.memory_space<vmem>> -> memref<1x1x512x128xf32, #tpu.memory_space<vmem>>
    %dma_wait3A_1735 = tpu.memref_squeeze %dma_wait3A_1734 : memref<1x1x512x128xf32, #tpu.memory_space<vmem>> -> memref<1x512x128xf32, #tpu.memory_space<vmem>>
    tpu.wait_dma2 semaphore(%arg3 : memref<!tpu.dma_semaphore, #tpu.memory_space<semaphore_mem>>) src(%dma_wait3A_1735 : memref<1x512x128xf32, #tpu.memory_space<vmem>>) dst(%dma_wait3A_1730 : memref<1x512x128xf32, #tpu.memory_space<any>>)
    %dma_wait3A_1736 = arith.constant 0 : i32
    %dma_wait3A_1737 = arith.constant 96 : i32
    %dma_wait3A_1738 = arith.constant 0 : i32
    %dma_wait3A_1739 = arith.constant 0 : i32
    %dma_wait3A_1740 = tpu.memref_slice %arg2[%arg0, %dma_wait3A_1737, %dma_wait3A_1738, %dma_wait3A_1739] : memref<7x108x512x128xf32, #tpu.memory_space<any>> -> memref<1x1x512x128xf32, #tpu.memory_space<any>>
    %dma_wait3A_1741 = tpu.memref_squeeze %dma_wait3A_1740 : memref<1x1x512x128xf32, #tpu.memory_space<any>> -> memref<1x512x128xf32, #tpu.memory_space<any>>
    %dma_wait3A_1742 = arith.constant 2 : i32
    %dma_wait3A_1743 = arith.constant 0 : i32
    %dma_wait3A_1744 = arith.constant 0 : i32
    %dma_wait3A_1745 = tpu.memref_slice %arg1[%dma_wait3A_1736, %dma_wait3A_1742, %dma_wait3A_1743, %dma_wait3A_1744] : memref<1x24x512x128xf32, #tpu.memory_space<vmem>> -> memref<1x1x512x128xf32, #tpu.memory_space<vmem>>
    %dma_wait3A_1746 = tpu.memref_squeeze %dma_wait3A_1745 : memref<1x1x512x128xf32, #tpu.memory_space<vmem>> -> memref<1x512x128xf32, #tpu.memory_space<vmem>>
    tpu.wait_dma2 semaphore(%arg3 : memref<!tpu.dma_semaphore, #tpu.memory_space<semaphore_mem>>) src(%dma_wait3A_1746 : memref<1x512x128xf32, #tpu.memory_space<vmem>>) dst(%dma_wait3A_1741 : memref<1x512x128xf32, #tpu.memory_space<any>>)
    %dma_wait3A_1747 = arith.constant 0 : i32
    %dma_wait3A_1748 = arith.constant 97 : i32
    %dma_wait3A_1749 = arith.constant 0 : i32
    %dma_wait3A_1750 = arith.constant 0 : i32
    %dma_wait3A_1751 = tpu.memref_slice %arg2[%arg0, %dma_wait3A_1748, %dma_wait3A_1749, %dma_wait3A_1750] : memref<7x108x512x128xf32, #tpu.memory_space<any>> -> memref<1x1x512x128xf32, #tpu.memory_space<any>>
    %dma_wait3A_1752 = tpu.memref_squeeze %dma_wait3A_1751 : memref<1x1x512x128xf32, #tpu.memory_space<any>> -> memref<1x512x128xf32, #tpu.memory_space<any>>
    %dma_wait3A_1753 = arith.constant 5 : i32
    %dma_wait3A_1754 = arith.constant 0 : i32
    %dma_wait3A_1755 = arith.constant 0 : i32
    %dma_wait3A_1756 = tpu.memref_slice %arg1[%dma_wait3A_1747, %dma_wait3A_1753, %dma_wait3A_1754, %dma_wait3A_1755] : memref<1x24x512x128xf32, #tpu.memory_space<vmem>> -> memref<1x1x512x128xf32, #tpu.memory_space<vmem>>
    %dma_wait3A_1757 = tpu.memref_squeeze %dma_wait3A_1756 : memref<1x1x512x128xf32, #tpu.memory_space<vmem>> -> memref<1x512x128xf32, #tpu.memory_space<vmem>>
    tpu.wait_dma2 semaphore(%arg3 : memref<!tpu.dma_semaphore, #tpu.memory_space<semaphore_mem>>) src(%dma_wait3A_1757 : memref<1x512x128xf32, #tpu.memory_space<vmem>>) dst(%dma_wait3A_1752 : memref<1x512x128xf32, #tpu.memory_space<any>>)
    %dma_wait3A_1758 = arith.constant 0 : i32
    %dma_wait3A_1759 = arith.constant 98 : i32
    %dma_wait3A_1760 = arith.constant 0 : i32
    %dma_wait3A_1761 = arith.constant 0 : i32
    %dma_wait3A_1762 = tpu.memref_slice %arg2[%arg0, %dma_wait3A_1759, %dma_wait3A_1760, %dma_wait3A_1761] : memref<7x108x512x128xf32, #tpu.memory_space<any>> -> memref<1x1x512x128xf32, #tpu.memory_space<any>>
    %dma_wait3A_1763 = tpu.memref_squeeze %dma_wait3A_1762 : memref<1x1x512x128xf32, #tpu.memory_space<any>> -> memref<1x512x128xf32, #tpu.memory_space<any>>
    %dma_wait3A_1764 = arith.constant 20 : i32
    %dma_wait3A_1765 = arith.constant 0 : i32
    %dma_wait3A_1766 = arith.constant 0 : i32
    %dma_wait3A_1767 = tpu.memref_slice %arg1[%dma_wait3A_1758, %dma_wait3A_1764, %dma_wait3A_1765, %dma_wait3A_1766] : memref<1x24x512x128xf32, #tpu.memory_space<vmem>> -> memref<1x1x512x128xf32, #tpu.memory_space<vmem>>
    %dma_wait3A_1768 = tpu.memref_squeeze %dma_wait3A_1767 : memref<1x1x512x128xf32, #tpu.memory_space<vmem>> -> memref<1x512x128xf32, #tpu.memory_space<vmem>>
    tpu.wait_dma2 semaphore(%arg3 : memref<!tpu.dma_semaphore, #tpu.memory_space<semaphore_mem>>) src(%dma_wait3A_1768 : memref<1x512x128xf32, #tpu.memory_space<vmem>>) dst(%dma_wait3A_1763 : memref<1x512x128xf32, #tpu.memory_space<any>>)
    %dma_wait3A_1769 = arith.constant 0 : i32
    %dma_wait3A_1770 = arith.constant 99 : i32
    %dma_wait3A_1771 = arith.constant 0 : i32
    %dma_wait3A_1772 = arith.constant 0 : i32
    %dma_wait3A_1773 = tpu.memref_slice %arg2[%arg0, %dma_wait3A_1770, %dma_wait3A_1771, %dma_wait3A_1772] : memref<7x108x512x128xf32, #tpu.memory_space<any>> -> memref<1x1x512x128xf32, #tpu.memory_space<any>>
    %dma_wait3A_1774 = tpu.memref_squeeze %dma_wait3A_1773 : memref<1x1x512x128xf32, #tpu.memory_space<any>> -> memref<1x512x128xf32, #tpu.memory_space<any>>
    %dma_wait3A_1775 = arith.constant 2 : i32
    %dma_wait3A_1776 = arith.constant 0 : i32
    %dma_wait3A_1777 = arith.constant 0 : i32
    %dma_wait3A_1778 = tpu.memref_slice %arg1[%dma_wait3A_1769, %dma_wait3A_1775, %dma_wait3A_1776, %dma_wait3A_1777] : memref<1x24x512x128xf32, #tpu.memory_space<vmem>> -> memref<1x1x512x128xf32, #tpu.memory_space<vmem>>
    %dma_wait3A_1779 = tpu.memref_squeeze %dma_wait3A_1778 : memref<1x1x512x128xf32, #tpu.memory_space<vmem>> -> memref<1x512x128xf32, #tpu.memory_space<vmem>>
    tpu.wait_dma2 semaphore(%arg3 : memref<!tpu.dma_semaphore, #tpu.memory_space<semaphore_mem>>) src(%dma_wait3A_1779 : memref<1x512x128xf32, #tpu.memory_space<vmem>>) dst(%dma_wait3A_1774 : memref<1x512x128xf32, #tpu.memory_space<any>>)
    %dma_wait3A_1780 = arith.constant 0 : i32
    %dma_wait3A_1781 = arith.constant 100 : i32
    %dma_wait3A_1782 = arith.constant 0 : i32
    %dma_wait3A_1783 = arith.constant 0 : i32
    %dma_wait3A_1784 = tpu.memref_slice %arg2[%arg0, %dma_wait3A_1781, %dma_wait3A_1782, %dma_wait3A_1783] : memref<7x108x512x128xf32, #tpu.memory_space<any>> -> memref<1x1x512x128xf32, #tpu.memory_space<any>>
    %dma_wait3A_1785 = tpu.memref_squeeze %dma_wait3A_1784 : memref<1x1x512x128xf32, #tpu.memory_space<any>> -> memref<1x512x128xf32, #tpu.memory_space<any>>
    %dma_wait3A_1786 = arith.constant 5 : i32
    %dma_wait3A_1787 = arith.constant 0 : i32
    %dma_wait3A_1788 = arith.constant 0 : i32
    %dma_wait3A_1789 = tpu.memref_slice %arg1[%dma_wait3A_1780, %dma_wait3A_1786, %dma_wait3A_1787, %dma_wait3A_1788] : memref<1x24x512x128xf32, #tpu.memory_space<vmem>> -> memref<1x1x512x128xf32, #tpu.memory_space<vmem>>
    %dma_wait3A_1790 = tpu.memref_squeeze %dma_wait3A_1789 : memref<1x1x512x128xf32, #tpu.memory_space<vmem>> -> memref<1x512x128xf32, #tpu.memory_space<vmem>>
    tpu.wait_dma2 semaphore(%arg3 : memref<!tpu.dma_semaphore, #tpu.memory_space<semaphore_mem>>) src(%dma_wait3A_1790 : memref<1x512x128xf32, #tpu.memory_space<vmem>>) dst(%dma_wait3A_1785 : memref<1x512x128xf32, #tpu.memory_space<any>>)
    %dma_wait3A_1791 = arith.constant 0 : i32
    %dma_wait3A_1792 = arith.constant 101 : i32
    %dma_wait3A_1793 = arith.constant 0 : i32
    %dma_wait3A_1794 = arith.constant 0 : i32
    %dma_wait3A_1795 = tpu.memref_slice %arg2[%arg0, %dma_wait3A_1792, %dma_wait3A_1793, %dma_wait3A_1794] : memref<7x108x512x128xf32, #tpu.memory_space<any>> -> memref<1x1x512x128xf32, #tpu.memory_space<any>>
    %dma_wait3A_1796 = tpu.memref_squeeze %dma_wait3A_1795 : memref<1x1x512x128xf32, #tpu.memory_space<any>> -> memref<1x512x128xf32, #tpu.memory_space<any>>
    %dma_wait3A_1797 = arith.constant 21 : i32
    %dma_wait3A_1798 = arith.constant 0 : i32
    %dma_wait3A_1799 = arith.constant 0 : i32
    %dma_wait3A_1800 = tpu.memref_slice %arg1[%dma_wait3A_1791, %dma_wait3A_1797, %dma_wait3A_1798, %dma_wait3A_1799] : memref<1x24x512x128xf32, #tpu.memory_space<vmem>> -> memref<1x1x512x128xf32, #tpu.memory_space<vmem>>
    %dma_wait3A_1801 = tpu.memref_squeeze %dma_wait3A_1800 : memref<1x1x512x128xf32, #tpu.memory_space<vmem>> -> memref<1x512x128xf32, #tpu.memory_space<vmem>>
    tpu.wait_dma2 semaphore(%arg3 : memref<!tpu.dma_semaphore, #tpu.memory_space<semaphore_mem>>) src(%dma_wait3A_1801 : memref<1x512x128xf32, #tpu.memory_space<vmem>>) dst(%dma_wait3A_1796 : memref<1x512x128xf32, #tpu.memory_space<any>>)
    %dma_wait3A_1802 = arith.constant 0 : i32
    %dma_wait3A_1803 = arith.constant 102 : i32
    %dma_wait3A_1804 = arith.constant 0 : i32
    %dma_wait3A_1805 = arith.constant 0 : i32
    %dma_wait3A_1806 = tpu.memref_slice %arg2[%arg0, %dma_wait3A_1803, %dma_wait3A_1804, %dma_wait3A_1805] : memref<7x108x512x128xf32, #tpu.memory_space<any>> -> memref<1x1x512x128xf32, #tpu.memory_space<any>>
    %dma_wait3A_1807 = tpu.memref_squeeze %dma_wait3A_1806 : memref<1x1x512x128xf32, #tpu.memory_space<any>> -> memref<1x512x128xf32, #tpu.memory_space<any>>
    %dma_wait3A_1808 = arith.constant 2 : i32
    %dma_wait3A_1809 = arith.constant 0 : i32
    %dma_wait3A_1810 = arith.constant 0 : i32
    %dma_wait3A_1811 = tpu.memref_slice %arg1[%dma_wait3A_1802, %dma_wait3A_1808, %dma_wait3A_1809, %dma_wait3A_1810] : memref<1x24x512x128xf32, #tpu.memory_space<vmem>> -> memref<1x1x512x128xf32, #tpu.memory_space<vmem>>
    %dma_wait3A_1812 = tpu.memref_squeeze %dma_wait3A_1811 : memref<1x1x512x128xf32, #tpu.memory_space<vmem>> -> memref<1x512x128xf32, #tpu.memory_space<vmem>>
    tpu.wait_dma2 semaphore(%arg3 : memref<!tpu.dma_semaphore, #tpu.memory_space<semaphore_mem>>) src(%dma_wait3A_1812 : memref<1x512x128xf32, #tpu.memory_space<vmem>>) dst(%dma_wait3A_1807 : memref<1x512x128xf32, #tpu.memory_space<any>>)
    %dma_wait3A_1813 = arith.constant 0 : i32
    %dma_wait3A_1814 = arith.constant 103 : i32
    %dma_wait3A_1815 = arith.constant 0 : i32
    %dma_wait3A_1816 = arith.constant 0 : i32
    %dma_wait3A_1817 = tpu.memref_slice %arg2[%arg0, %dma_wait3A_1814, %dma_wait3A_1815, %dma_wait3A_1816] : memref<7x108x512x128xf32, #tpu.memory_space<any>> -> memref<1x1x512x128xf32, #tpu.memory_space<any>>
    %dma_wait3A_1818 = tpu.memref_squeeze %dma_wait3A_1817 : memref<1x1x512x128xf32, #tpu.memory_space<any>> -> memref<1x512x128xf32, #tpu.memory_space<any>>
    %dma_wait3A_1819 = arith.constant 5 : i32
    %dma_wait3A_1820 = arith.constant 0 : i32
    %dma_wait3A_1821 = arith.constant 0 : i32
    %dma_wait3A_1822 = tpu.memref_slice %arg1[%dma_wait3A_1813, %dma_wait3A_1819, %dma_wait3A_1820, %dma_wait3A_1821] : memref<1x24x512x128xf32, #tpu.memory_space<vmem>> -> memref<1x1x512x128xf32, #tpu.memory_space<vmem>>
    %dma_wait3A_1823 = tpu.memref_squeeze %dma_wait3A_1822 : memref<1x1x512x128xf32, #tpu.memory_space<vmem>> -> memref<1x512x128xf32, #tpu.memory_space<vmem>>
    tpu.wait_dma2 semaphore(%arg3 : memref<!tpu.dma_semaphore, #tpu.memory_space<semaphore_mem>>) src(%dma_wait3A_1823 : memref<1x512x128xf32, #tpu.memory_space<vmem>>) dst(%dma_wait3A_1818 : memref<1x512x128xf32, #tpu.memory_space<any>>)
    %dma_wait3A_1824 = arith.constant 0 : i32
    %dma_wait3A_1825 = arith.constant 104 : i32
    %dma_wait3A_1826 = arith.constant 0 : i32
    %dma_wait3A_1827 = arith.constant 0 : i32
    %dma_wait3A_1828 = tpu.memref_slice %arg2[%arg0, %dma_wait3A_1825, %dma_wait3A_1826, %dma_wait3A_1827] : memref<7x108x512x128xf32, #tpu.memory_space<any>> -> memref<1x1x512x128xf32, #tpu.memory_space<any>>
    %dma_wait3A_1829 = tpu.memref_squeeze %dma_wait3A_1828 : memref<1x1x512x128xf32, #tpu.memory_space<any>> -> memref<1x512x128xf32, #tpu.memory_space<any>>
    %dma_wait3A_1830 = arith.constant 22 : i32
    %dma_wait3A_1831 = arith.constant 0 : i32
    %dma_wait3A_1832 = arith.constant 0 : i32
    %dma_wait3A_1833 = tpu.memref_slice %arg1[%dma_wait3A_1824, %dma_wait3A_1830, %dma_wait3A_1831, %dma_wait3A_1832] : memref<1x24x512x128xf32, #tpu.memory_space<vmem>> -> memref<1x1x512x128xf32, #tpu.memory_space<vmem>>
    %dma_wait3A_1834 = tpu.memref_squeeze %dma_wait3A_1833 : memref<1x1x512x128xf32, #tpu.memory_space<vmem>> -> memref<1x512x128xf32, #tpu.memory_space<vmem>>
    tpu.wait_dma2 semaphore(%arg3 : memref<!tpu.dma_semaphore, #tpu.memory_space<semaphore_mem>>) src(%dma_wait3A_1834 : memref<1x512x128xf32, #tpu.memory_space<vmem>>) dst(%dma_wait3A_1829 : memref<1x512x128xf32, #tpu.memory_space<any>>)
    %dma_wait3A_1835 = arith.constant 0 : i32
    %dma_wait3A_1836 = arith.constant 105 : i32
    %dma_wait3A_1837 = arith.constant 0 : i32
    %dma_wait3A_1838 = arith.constant 0 : i32
    %dma_wait3A_1839 = tpu.memref_slice %arg2[%arg0, %dma_wait3A_1836, %dma_wait3A_1837, %dma_wait3A_1838] : memref<7x108x512x128xf32, #tpu.memory_space<any>> -> memref<1x1x512x128xf32, #tpu.memory_space<any>>
    %dma_wait3A_1840 = tpu.memref_squeeze %dma_wait3A_1839 : memref<1x1x512x128xf32, #tpu.memory_space<any>> -> memref<1x512x128xf32, #tpu.memory_space<any>>
    %dma_wait3A_1841 = arith.constant 2 : i32
    %dma_wait3A_1842 = arith.constant 0 : i32
    %dma_wait3A_1843 = arith.constant 0 : i32
    %dma_wait3A_1844 = tpu.memref_slice %arg1[%dma_wait3A_1835, %dma_wait3A_1841, %dma_wait3A_1842, %dma_wait3A_1843] : memref<1x24x512x128xf32, #tpu.memory_space<vmem>> -> memref<1x1x512x128xf32, #tpu.memory_space<vmem>>
    %dma_wait3A_1845 = tpu.memref_squeeze %dma_wait3A_1844 : memref<1x1x512x128xf32, #tpu.memory_space<vmem>> -> memref<1x512x128xf32, #tpu.memory_space<vmem>>
    tpu.wait_dma2 semaphore(%arg3 : memref<!tpu.dma_semaphore, #tpu.memory_space<semaphore_mem>>) src(%dma_wait3A_1845 : memref<1x512x128xf32, #tpu.memory_space<vmem>>) dst(%dma_wait3A_1840 : memref<1x512x128xf32, #tpu.memory_space<any>>)
    %dma_wait3A_1846 = arith.constant 0 : i32
    %dma_wait3A_1847 = arith.constant 106 : i32
    %dma_wait3A_1848 = arith.constant 0 : i32
    %dma_wait3A_1849 = arith.constant 0 : i32
    %dma_wait3A_1850 = tpu.memref_slice %arg2[%arg0, %dma_wait3A_1847, %dma_wait3A_1848, %dma_wait3A_1849] : memref<7x108x512x128xf32, #tpu.memory_space<any>> -> memref<1x1x512x128xf32, #tpu.memory_space<any>>
    %dma_wait3A_1851 = tpu.memref_squeeze %dma_wait3A_1850 : memref<1x1x512x128xf32, #tpu.memory_space<any>> -> memref<1x512x128xf32, #tpu.memory_space<any>>
    %dma_wait3A_1852 = arith.constant 5 : i32
    %dma_wait3A_1853 = arith.constant 0 : i32
    %dma_wait3A_1854 = arith.constant 0 : i32
    %dma_wait3A_1855 = tpu.memref_slice %arg1[%dma_wait3A_1846, %dma_wait3A_1852, %dma_wait3A_1853, %dma_wait3A_1854] : memref<1x24x512x128xf32, #tpu.memory_space<vmem>> -> memref<1x1x512x128xf32, #tpu.memory_space<vmem>>
    %dma_wait3A_1856 = tpu.memref_squeeze %dma_wait3A_1855 : memref<1x1x512x128xf32, #tpu.memory_space<vmem>> -> memref<1x512x128xf32, #tpu.memory_space<vmem>>
    tpu.wait_dma2 semaphore(%arg3 : memref<!tpu.dma_semaphore, #tpu.memory_space<semaphore_mem>>) src(%dma_wait3A_1856 : memref<1x512x128xf32, #tpu.memory_space<vmem>>) dst(%dma_wait3A_1851 : memref<1x512x128xf32, #tpu.memory_space<any>>)
    %dma_wait3A_1857 = arith.constant 0 : i32
    %dma_wait3A_1858 = arith.constant 107 : i32
    %dma_wait3A_1859 = arith.constant 0 : i32
    %dma_wait3A_1860 = arith.constant 0 : i32
    %dma_wait3A_1861 = tpu.memref_slice %arg2[%arg0, %dma_wait3A_1858, %dma_wait3A_1859, %dma_wait3A_1860] : memref<7x108x512x128xf32, #tpu.memory_space<any>> -> memref<1x1x512x128xf32, #tpu.memory_space<any>>
    %dma_wait3A_1862 = tpu.memref_squeeze %dma_wait3A_1861 : memref<1x1x512x128xf32, #tpu.memory_space<any>> -> memref<1x512x128xf32, #tpu.memory_space<any>>
    %dma_wait3A_1863 = arith.constant 23 : i32
    %dma_wait3A_1864 = arith.constant 0 : i32
    %dma_wait3A_1865 = arith.constant 0 : i32
    %dma_wait3A_1866 = tpu.memref_slice %arg1[%dma_wait3A_1857, %dma_wait3A_1863, %dma_wait3A_1864, %dma_wait3A_1865] : memref<1x24x512x128xf32, #tpu.memory_space<vmem>> -> memref<1x1x512x128xf32, #tpu.memory_space<vmem>>
    %dma_wait3A_1867 = tpu.memref_squeeze %dma_wait3A_1866 : memref<1x1x512x128xf32, #tpu.memory_space<vmem>> -> memref<1x512x128xf32, #tpu.memory_space<vmem>>
    tpu.wait_dma2 semaphore(%arg3 : memref<!tpu.dma_semaphore, #tpu.memory_space<semaphore_mem>>) src(%dma_wait3A_1867 : memref<1x512x128xf32, #tpu.memory_space<vmem>>) dst(%dma_wait3A_1862 : memref<1x512x128xf32, #tpu.memory_space<any>>)
    return
  }
  func.func @transform_0(%arg0: i32) -> (i32, i32, i32, i32) {
    %c0_i32 = arith.constant 0 : i32
    %c0_i32_0 = arith.constant 0 : i32
    %c0_i32_1 = arith.constant 0 : i32
    %c0_i32_2 = arith.constant 0 : i32
    return %arg0, %c0_i32, %c0_i32_0, %c0_i32_1 : i32, i32, i32, i32
  }
}

</mosaic_0001>

<sc_bundles>
// kernel: kernel.4.cloned.1.call-start
scs
__scs_entry_jumppad:
0x0: {  	(pc) =	sbr.rel $0x88, $3  }
0x1: {  	(tag) =	ssettag $0x0;
	lr =	simm.s32 $0x1  }
0x2: {  	[smem:$0x3FA0] =	sst lr;
	_ =	strace $0xD0000000  }
0x3: {  	_ = 	snop  }
0x4: {  	_ = 	snop  }
0x5: {  	_ = 	snop  }
0x6: {  	_ = 	snop  }
0x7: {  	_ = 	snop  }
__scs_overlays_trampoline_lowered:
0x8: {  	[smem:$0x3FAF] =	sst s0  }
0x9: {  	[smem:$0x3FB0] =	sst s1  }
0xa: {  	[smem:$0x3FB1] =	sst s2  }
0xb: {  	[smem:$0x3FB2] =	sst s3  }
0xc: {  	[smem:$0x3FB3] =	sst s4  }
0xd: {  	[smem:$0x3FB4] =	sst s5  }
0xe: {  	[smem:$0x3FB5] =	sst s6  }
0xf: {  	[smem:$0x3FB6] =	sst s7  }
0x10: {  	[smem:$0x3FB7] =	sst s8  }
0x11: {  	[smem:$0x3FB8] =	sst s9;
	s0 =	simm.s32 @!p0 $0x0  }
0x12: {  	s1 =	sld [smem:$0x3F9E];
	s0 =	simm.s32 @p0 $0x1  }
0x13: {  	[smem:$0x3FB9] =	sst s0;
	s0 =	simm.s32 @!p1 $0x0  }
0x14: {  	s2 =	sld [smem:$0x3F9D];
	s0 =	simm.s32 @p1 $0x1  }
0x15: {  	[smem:$0x3FBA] =	sst s0;
	s0 =	simm.s32 @!p2 $0x0  }
0x16: {  	s3 =	sld [smem:$0x3FDB];
	s0 =	simm.s32 @p2 $0x1  }
0x17: {  	s4 =	simm.s32 $0x1BF5;
	[smem:$0x3FBC] =	sst s0  }
0x18: {  	s0 =	sld [smem:$0x3F9F];
	_ =	swait.ge [sflag:s4], $0x0  }
0x19: {  	s7 =	sld [smem:$0x3FA0]  }
0x1a: {  	s8 =	sadd.s32 $0xFFFFE003, lr  }
0x1b: {  	s9 =	sadd.s32 $0xFFFFFEF7, lr;
	s5 =	simm.s32 $0xFFFFFFFF;
	p2 =	slt.u32 s8, $0xFFFFF086  }
0x1c: {  	p1 =	slt.u32 s9, $0xF7A;
	s5 =	simm.s32 @!p2 $0x0  }
0x1d: {  	s5 =	simm.s32 @p1 $0x1;
	p0 =	seq.s32 s7, s2  }
0x1e: {  	s7 =	smul.u32 @!p0 $0xF7A, s2;
	p2 =	seq.s32 @!p0 s5, $0x0  }
0x1f: {  	s9 =	smul.u32 $0xF7A, s1;
	s8 =	simm.s32 @!p0 $0x1BF5;
	p2 =	por !p2, p0  }
0x20: {  	[sflag:s8] =	ssyncset.s32 @!p0 $0xFFFFF086;
	s6 =	sadd.s32 @!p0 s3, s7;
	s7 =	simm.s32 @!p0 $0x108  }
0x21: {  	s3 =	sadd.s32 s3, s9;
	s6 =	sadd.s32 @!p0 $0x88, s6;
	s7 =	simm.s32 @p2 $0x1082  }
0x22: {  	[simem:s7], [sflag:s8] =	dma.local @!p0 [hbm:s6], $0xF7A  }
0x23: {  	s9 =	sor.u32 $0xD0000000, s2;
	s6 =	simm.s32 $0x108;
	_ =	swait.ge @!p0 [sflag:s8], $0x0  }
0x24: {  	s3 =	sadd.s32 $0x88, s3;
	s6 =	simm.s32 @!p1 $0x1082;
	[sflag:s4] =	ssyncset.s32 $0xFFFFF086  }
0x25: {  	[simem:s6], [sflag:s4] =	dma.local [hbm:s3], $0xF7A  }
0x26: {  	[smem:$0x3FA0] =	sst s1;
	(tag) =	ssettag s2;
	_ =	strace s9  }
0x27: {  	s1 =	sld [smem:$0x3FB0]  }
0x28: {  	s2 =	sld [smem:$0x3FB1]  }
0x29: {  	s4 =	sld [smem:$0x3FB3]  }
0x2a: {  	p0 =	seq.s32 s5, $0x0;
	s5 =	sld [smem:$0x3FB4]  }
0x2b: {  	s6 =	sld [smem:$0x3FB5]  }
0x2c: {  	s7 =	sld [smem:$0x3FB6]  }
0x2d: {  	s3 =	simm.s32 $0x108;
	s8 =	sld [smem:$0x3FB7]  }
0x2e: {  	s3 =	simm.s32 @!p0 $0x1082;
	s9 =	sld [smem:$0x3FB8]  }
0x2f: {  	lr =	sadd.s32 s0, s3;
	s0 =	sld [smem:$0x3FAF]  }
0x30: {  	s3 =	sld [smem:$0x3FB2]  }
0x31: {  	[smem:$0x3FBB] =	sst s10  }
0x32: {  	s10 =	sld [smem:$0x3FB9];
	_ =	sdelay $0x3  }
0x33: {  	p0 =	seq.s32 s10, $0x1;
	s10 =	sld [smem:$0x3FBB];
	_ =	sdelay $0x3  }
0x34: {  	[smem:$0x3FBB] =	sst s10  }
0x35: {  	s10 =	sld [smem:$0x3FBA];
	_ =	sdelay $0x3  }
0x36: {  	p1 =	seq.s32 s10, $0x1;
	s10 =	sld [smem:$0x3FBB];
	_ =	sdelay $0x3  }
0x37: {  	[smem:$0x3FBB] =	sst s10  }
0x38: {  	s10 =	sld [smem:$0x3FBC]  }
0x39: {  	_ = 	snop;
	(pc) =	sbr.ind lr, $3  }
0x3a: {  	_ = 	snop  }
0x3b: {  	_ = 	snop  }
0x3c: {  	p2 =	seq.s32 s10, $0x1;
	s10 =	sld [smem:$0x3FBB]  }
0x3d: {  	_ =	shalt  }
0x3e: {  	_ =	shalt  }
0x3f: {  	_ =	shalt  }
0x40: {  	_ =	shalt  }
0x41: {  	_ =	shalt  }
0x42: {  	_ =	shalt  }
0x43: {  	_ =	shalt  }
0x44: {  	_ =	shalt  }
0x45: {  	_ =	shalt  }
0x46: {  	_ =	shalt  }
0x47: {  	_ =	shalt  }
0x48: {  	_ =	shalt  }
0x49: {  	_ =	shalt  }
0x4a: {  	_ =	shalt  }
0x4b: {  	_ =	shalt  }
0x4c: {  	_ =	shalt  }
0x4d: {  	_ =	shalt  }
0x4e: {  	_ =	shalt  }
0x4f: {  	_ =	shalt  }
0x50: {  	_ =	shalt  }
0x51: {  	_ =	shalt  }
0x52: {  	_ =	shalt  }
0x53: {  	_ =	shalt  }
0x54: {  	_ =	shalt  }
0x55: {  	_ =	shalt  }
0x56: {  	_ =	shalt  }
0x57: {  	_ =	shalt  }
0x58: {  	_ =	shalt  }
0x59: {  	_ =	shalt  }
0x5a: {  	_ =	shalt  }
0x5b: {  	_ =	shalt  }
0x5c: {  	_ =	shalt  }
0x5d: {  	_ =	shalt  }
0x5e: {  	_ =	shalt  }
0x5f: {  	_ =	shalt  }
0x60: {  	_ =	shalt  }
0x61: {  	_ =	shalt  }
0x62: {  	_ =	shalt  }
0x63: {  	_ =	shalt  }
0x64: {  	_ =	shalt  }
0x65: {  	_ =	shalt  }
0x66: {  	_ =	shalt  }
0x67: {  	_ =	shalt  }
0x68: {  	_ =	shalt  }
0x69: {  	_ =	shalt  }
0x6a: {  	_ =	shalt  }
0x6b: {  	_ =	shalt  }
0x6c: {  	_ =	shalt  }
0x6d: {  	_ =	shalt  }
0x6e: {  	_ =	shalt  }
0x6f: {  	_ =	shalt  }
0x70: {  	_ =	shalt  }
0x71: {  	_ =	shalt  }
0x72: {  	_ =	shalt  }
0x73: {  	_ =	shalt  }
0x74: {  	_ =	shalt  }
0x75: {  	_ =	shalt  }
0x76: {  	_ =	shalt  }
0x77: {  	_ =	shalt  }
0x78: {  	_ =	shalt  }
0x79: {  	_ =	shalt  }
0x7a: {  	_ =	shalt  }
0x7b: {  	_ =	shalt  }
0x7c: {  	_ =	shalt  }
0x7d: {  	_ =	shalt  }
0x7e: {  	_ =	shalt  }
0x7f: {  	_ =	shalt  }
0x80: {  	_ =	shalt  }
0x81: {  	_ =	shalt  }
0x82: {  	_ =	shalt  }
0x83: {  	_ =	shalt  }
0x84: {  	_ =	shalt  }
0x85: {  	_ =	shalt  }
0x86: {  	_ =	shalt  }
0x87: {  	_ =	shalt  }
.Lfunc_end0:
.L_simem_size_0:
called_computation_lowered:
.L_overlay_start_0:
0x88: {  	s2 =	sld [smem:$0x3FD9]  }
0x89: {  	s3 =	sld [smem:$0x3FFE];
	_ =	sdelay $0x1  }
0x8a: {  	s1 =	srdreg.scid  }
0x8b: {  	s0 =	sand.u32 $0x1, s1  }
0x8c: {  	s16 =	sshll.u32 s0, $0xA;
	s2 =	sadd.s32 s3, s2  }
0x8d: {  	s2 =	sadd.s32 s2, s16  }
0x8e: {  	[smem:$0x3FC7] =	sst s2  }
0x8f: {  	_ = 	snop  }
0x90: {  	(tm) =	ssettm $0x1  }
0x91: {  	s17 =	sld [smem:$0x3FFB];
	_ =	sdelay $0x3  }
0x92: {  	_ =	strace s17  }
0x93: {  	s2 =	sld [smem:$0x3FFC];
	_ =	sdelay $0x3  }
0x94: {  	_ =	strace s2  }
0x95: {  	s2 =	sld [smem:$0x3FFD];
	_ =	sdelay $0x3  }
0x96: {  	_ =	strace s2  }
0x97: {  	_ =	strace $0x8FFFFFFF  }
0x98: {  	s18 =	sld [smem:$0x3FDB];
	_ =	sdelay $0x1  }
0x99: {  	s19 =	simm.s32 $_scs_section_size  }
0x9a: {  	s4 =	simm.s32 $_size__tile_overlayer_lowered;
	s5 =	simm.s32 $_tile_overlayer_lowered  }
0x9b: {  	s22 =	simm.s32 $0x1BFF;
	s21 =	sshll.u32 s5, $0x1;
	s2 =	sadd.s32 s19, s18  }
0x9c: {  	s6 =	simm.s32 $0x0;
	s20 =	sshll.u32 s4, $0x1;
	s4 =	sadd.s32 s21, s2  }
0x9d: {  	[timem:s6], [sflag:s22] =	dma.local [hbm:s4], s20  }
0x9e: {  	_ =	swait.ge [sflag:s22], s20  }
0x9f: {  	s3 =	ssub.s32 $0x0, s20;
	[sflag:s22] =	ssyncset.done $0x0  }
0xa0: {  	[sflag:s22] =	ssyncadd.s32 s3;
	_ =	sdelay $0x1  }
0xa1: {  	s23 =	simm.s32 $0x1B8B  }
0xa2: {  	_ =	swait.ge [sflag:s23], $0x1  }
0xa3: {  	[sflag:s23] =	ssyncset.done $0x0  }
0xa4: {  	s25 =	simm.s32 $0x1B8E;
	s24 =	sld [smem:$0x3FFE];
	[sflag:s23] =	ssyncadd.s32 $0xFFFFFFFF  }
0xa5: {  	s26 =	simm.s32 $execute0_lowered;
	[smem:$0x3FD2] =	sst s25  }
0xa6: {  	s4 =	sshll.u32 s26, $0x1;
	_ =	strace $0x80000046;
	[dreg:$0x1] =	wrdreg $0xFFFFFFFF  }
0xa7: {  	s28 =	simm.s32 $_size_execute0_lowered;
	s2 =	sadd.s32 s2, s4;
	[dreg:$0x0] =	wrdreg $0x0  }
0xa8: {  	s4 =	sshll.u32 s28, $0x1;
	[dreg:$0x2] =	wrdreg s2  }
0xa9: {  	[dreg:$0x3] =	wrdreg s4  }
0xaa: {  	[dreg:$0x4] =	wrdreg $0xC0  }
0xab: {  	_ =	task [dreg:s6], $0x5FFFF  }
0xac: {  	[dreg:$0x1] =	wrdreg $0xFFFFFFFF  }
0xad: {  	[dreg:$0x0] =	wrdreg $0x60  }
0xae: {  	[dreg:$0x2] =	wrdreg s24  }
0xaf: {  	[dreg:$0x3] =	wrdreg $0x9  }
0xb0: {  	_ =	task.clear_ibuf [dreg:s6], $0x4FFFF;
	_ =	strace $0x90000046  }
0xb1: {  	s29 =	simm.s32 $0x9;
	_ =	strace $0x80000048  }
0xb2: {  	_ =	swait.ge [sflag:s29], $0x1  }
0xb3: {  	[sflag:s29] =	ssyncadd.s32 $0xFFFFFFFF  }
0xb4: {  	_ =	strace $0x90000048  }
0xb5: {  	_ =	sfence  }
0xb6: {  	s30 =	sld [smem:$0x0];
	_ =	sdelay $0x2  }
0xb7: {  	s31 =	sshll.u32 s1, $0xD;
	s1 =	sshrl.u32 s1, $0x2  }
0xb8: {  	s3 =	sand.u32 $0x4000, s31;
	s1 =	sadd.s32 s1, s30  }
0xb9: {  	s0 =	sor.u32 s3, s0;
	s1 =	sshll.u32 s1, $0x11  }
0xba: {  	s0 =	sor.u32 s1, s0  }
0xbb: {  	s0 =	sadd.s32 $0x8F2B, s0  }
0xbc: {  	[sflag:s0] =	ssyncadd.remote.s32 $0x1  }
0xbd: {  	_ =	sfence.sel $0xFFFF  }
0xbe: {  	[dreg:$0x0] =	wrdreg $0xFFFFFFFF;
	(pc) =	sbr.abs _section_cstart, $3  }
0xbf: {  	[dreg:$0x1] =	wrdreg $0xFFFFFFFF  }
0xc0: {  	_ =	task.clear_ibuf [dreg:s6], $0x2FFFF;
	_ =	strace $0x9FFFFFFF  }
0xc1: {  	(tm) =	ssettm $0x7FFFFFFF  }
tec
execute0_lowered:
.L_overlay_start_1:
0x0: {  	(tag) =	ssettag $0x1  }
0x1: {  	s5 =	rddreg [dreg:$0x0];
	s2 =	simm.s32 $0x0  }
0x2: {  	[smem:$0x7FF] =	sst s2;
	s3 =	sadd.s32 $0x400, s5  }
0x3: {  	s21 =	sadd.s32 $0x500, s5;
	_ =	strace $0x80000047;
	[dreg:$0x2] =	wrdreg s3  }
0x4: {  	s22 =	sadd.s32 $0x600, s5;
	[dreg:$0x4] =	wrdreg s21  }
0x5: {  	s23 =	sadd.s32 $0x700, s5;
	[dreg:$0x5] =	wrdreg s22  }
0x6: {  	s24 =	sadd.s32 $0x800, s5;
	[dreg:$0x6] =	wrdreg s23  }
0x7: {  	s25 =	sadd.s32 $0x900, s5;
	[dreg:$0x7] =	wrdreg s24  }
0x8: {  	s26 =	sadd.s32 $0xA00, s5;
	[dreg:$0x8] =	wrdreg s25  }
0x9: {  	s28 =	sadd.s32 $0xB00, s5;
	[dreg:$0x9] =	wrdreg s26  }
0xa: {  	s29 =	sadd.s32 $0xC00, s5;
	[dreg:$0xa] =	wrdreg s28  }
0xb: {  	s30 =	sadd.s32 $0xD00, s5;
	[dreg:$0xb] =	wrdreg s29  }
0xc: {  	s31 =	sadd.s32 $0xE00, s5;
	[dreg:$0xc] =	wrdreg s30  }
0xd: {  	s9 =	sadd.s32 $0x1200, s5;
	[dreg:$0xd] =	wrdreg s31  }
0xe: {  	s10 =	sadd.s32 $0x1300, s5;
	[dreg:$0x11] =	wrdreg s9  }
0xf: {  	s11 =	sadd.s32 $0x1400, s5;
	[dreg:$0x12] =	wrdreg s10  }
0x10: {  	s12 =	sadd.s32 $0x1500, s5;
	[dreg:$0x13] =	wrdreg s11  }
0x11: {  	s13 =	sadd.s32 $0x1600, s5;
	[dreg:$0x14] =	wrdreg s12  }
0x12: {  	s14 =	sadd.s32 $0x1700, s5;
	[dreg:$0x15] =	wrdreg s13  }
0x13: {  	s15 =	sadd.s32 $0x1800, s5;
	[dreg:$0x16] =	wrdreg s14  }
0x14: {  	s0 =	srdreg.scid;
	s16 =	sadd.s32 $0x1900, s5;
	[dreg:$0x17] =	wrdreg s15  }
0x15: {  	s8 =	stileid.u32;
	s17 =	sadd.s32 $0x1A00, s5;
	[dreg:$0x18] =	wrdreg s16  }
0x16: {  	s0 =	sand.u32 $0x1, s0;
	s18 =	sadd.s32 $0x1B00, s5;
	[dreg:$0x19] =	wrdreg s17  }
0x17: {  	s1 =	sshll.u32 s8, $0x1;
	[dreg:$0x1a] =	wrdreg s18;
	s21 =	sadd.s32 $0x1E00, s5  }
0x18: {  	s1 =	sor.u32 s0, s1;
	s22 =	sadd.s32 $0x1F00, s5;
	[dreg:$0x1d] =	wrdreg s21  }
0x19: {  	s0 =	ssub.s32 $0x2, s0;
	s23 =	sadd.s32 $0x2000, s5;
	[dreg:$0x1e] =	wrdreg s22  }
0x1a: {  	s24 =	sadd.s32 $0x2100, s5;
	s25 =	sadd.s32 $0x2200, s5;
	[dreg:$0x1f] =	wrdreg s23  }
0x1b: {  	s26 =	sadd.s32 $0x2300, s5;
	s19 =	sshll.u32 s1, $0x6;
	[smem:$0x7F7] =	sst s24  }
0x1c: {  	s1 =	sshll.u32 s1, $0xD;
	s4 =	sshrl.u32 s0, $0x1;
	[smem:$0x7F8] =	sst s25  }
0x1d: {  	[smem:$0x7F9] =	sst s26;
	s6 =	sadd.s32 s1, s5;
	s1 =	sadd.s32 $0xF00, s5  }
0x1e: {  	s7 =	ssub.s32 s0, s4;
	s4 =	sadd.s32 $0x1100, s5;
	[dreg:$0xe] =	wrdreg s1  }
0x1f: {  	s3 =	sadd.s32 s19, s5;
	s19 =	sadd.s32 $0x1C00, s5;
	[dreg:$0x10] =	wrdreg s4  }
0x20: {  	s20 =	sadd.s32 $0x30400, s3;
	[dreg:$0x1b] =	wrdreg s19  }
0x21: {  	s3 =	sadd.s32 $0x1000, s5;
	[dreg:$0x3] =	wrdreg s20  }
0x22: {  	s28 =	sadd.s32 $0x30C00, s6;
	[dreg:$0xf] =	wrdreg s3  }
.Ltmp0:
0x23: {  	s29 =	sadd.s32 $0x70C00, s6;
	[smem:$0x7FA] =	sst s28;
	(pc) =	sbr.rel .LBB2_1-.Ltmp0, $4  }
0x24: {  	s30 =	sadd.s32 $0xB0C00, s6;
	[smem:$0x7FB] =	sst s29  }
0x25: {  	v0 =	vlaneseq.u32;
	p0 =	sgt.u32 s8, $0x5;
	s31 =	sadd.s32 $0xF0C00, s6;
	[smem:$0x7FC] =	sst s30  }
0x26: {  	v1 =	vshrl.u32 v0, $0x3;
	s8 =	simm.s32 $0x2;
	s20 =	sadd.s32 $0x1D00, s5;
	[smem:$0x7FD] =	sst s31  }
0x27: {  	vm0 =	vmmov $0xffff;
	v0 =	vand.u32 $0x7, v0;
	v1 =	vmul.u32 $0x8, v1;
	s0 =	smax.u32 s7, $0x1;
	s5 =	simm.s32 $0x1;
	[dreg:$0x1c] =	wrdreg s20  }
.LBB2_3:
0x28: {  	s0 =	sld [smem:$0x7F6];
	_ =	sdelay $0x2  }
0x29: {  	s0 =	sadd.s32 $0xFFFFFFFF, s0  }
0x2a: {  	p1 =	sne.s32 s0, $0x0  }
.Ltmp1:
0x2b: {  	_ = 	snop;
	(pc) =	sbr.rel @!p1 .LBB2_4-.Ltmp1, $1  }
0x2c: {  	_ =	sdelay $0x3  }
.LBB2_1:
0x2d: {  	[smem:$0x7F6] =	sst s0  }
0x2e: {  	s10 =	rddreg [dreg:$0x3]  }
0x2f: {  	[tilespmem:s2], [sflag:$0x2] =	stream.linear.gather [hbm4b:s10+s2], $0x200, $0x38;
	[tilespmem:$0x10200] =	vst v63  }
0x30: {  	_ =	swait.ge [sflag:s8], $0x200  }
0x31: {  	[sflag:s8] =	ssyncset.done $0x0  }
0x32: {  	[sflag:s8] =	ssyncadd.s32 $0xFFFFFE00  }
0x33: {  	v2 =	vld.msk [tilespmem:$0x0], $0xff;
	_ =	sdelay $0x4  }
0x34: {  	v3 =	vshll.u32 v2, $0x6  }
0x35: {  	v2 =	vand.u32 $0x7, v2;
	v3 =	vand.u32 $0xFFFFFE00, v3  }
0x36: {  	v2 =	vor.u32 v2, v3  }
0x37: {  	v2 =	vperm.xlane v2, v0;
	_ =	sdelay $0x1  }
0x38: {  	v2 =	vadd.s32 v1, v2;
	_ =	sdelay $0x3  }
0x39: {  	s14 =	simm.s32 $0x200;
	s10 =	rddreg [dreg:$0x2]  }
0x3a: {  	[tilespmem:s14], [sflag:$0x1] =	stream.indirect_vreg.gather [hbm4b:s10+s2], $0x80, v2, vm0, $0xb8;
	[tilespmem:$0x10200] =	vst v63  }
0x3b: {  	s15 =	simm.s32 $0xA00;
	s11 =	rddreg [dreg:$0x4]  }
0x3c: {  	[tilespmem:s15], [sflag:$0x1] =	stream.indirect_vreg.gather [hbm4b:s11+s2], $0x80, v2, vm0, $0xb8;
	[tilespmem:$0x10200] =	vst v63  }
0x3d: {  	s16 =	simm.s32 $0x1200;
	s12 =	rddreg [dreg:$0x5]  }
0x3e: {  	[tilespmem:s16], [sflag:$0x1] =	stream.indirect_vreg.gather [hbm4b:s12+s2], $0x80, v2, vm0, $0xb8;
	[tilespmem:$0x10200] =	vst v63  }
0x3f: {  	s17 =	simm.s32 $0x1A00;
	s13 =	rddreg [dreg:$0x6]  }
0x40: {  	[tilespmem:s17], [sflag:$0x1] =	stream.indirect_vreg.gather [hbm4b:s13+s2], $0x80, v2, vm0, $0xb8;
	[tilespmem:$0x10200] =	vst v63  }
0x41: {  	s18 =	simm.s32 $0x2200;
	s14 =	rddreg [dreg:$0x7]  }
0x42: {  	[tilespmem:s18], [sflag:$0x1] =	stream.indirect_vreg.gather [hbm4b:s14+s2], $0x80, v2, vm0, $0xb8;
	[tilespmem:$0x10200] =	vst v63  }
0x43: {  	s19 =	simm.s32 $0x2A00;
	s15 =	rddreg [dreg:$0x8]  }
0x44: {  	[tilespmem:s19], [sflag:$0x1] =	stream.indirect_vreg.gather [hbm4b:s15+s2], $0x80, v2, vm0, $0xb8;
	[tilespmem:$0x10200] =	vst v63  }
0x45: {  	s20 =	simm.s32 $0x3200;
	s16 =	rddreg [dreg:$0x9]  }
0x46: {  	[tilespmem:s20], [sflag:$0x1] =	stream.indirect_vreg.gather [hbm4b:s16+s2], $0x80, v2, vm0, $0xb8;
	[tilespmem:$0x10200] =	vst v63  }
0x47: {  	s21 =	simm.s32 $0x3A00;
	s17 =	rddreg [dreg:$0xa]  }
0x48: {  	[tilespmem:s21], [sflag:$0x1] =	stream.indirect_vreg.gather [hbm4b:s17+s2], $0x80, v2, vm0, $0xb8;
	[tilespmem:$0x10200] =	vst v63  }
0x49: {  	s22 =	simm.s32 $0x4200;
	s18 =	rddreg [dreg:$0xb]  }
0x4a: {  	[tilespmem:s22], [sflag:$0x1] =	stream.indirect_vreg.gather [hbm4b:s18+s2], $0x80, v2, vm0, $0xb8;
	[tilespmem:$0x10200] =	vst v63  }
0x4b: {  	s23 =	simm.s32 $0x4A00;
	s19 =	rddreg [dreg:$0xc]  }
0x4c: {  	[tilespmem:s23], [sflag:$0x1] =	stream.indirect_vreg.gather [hbm4b:s19+s2], $0x80, v2, vm0, $0xb8;
	[tilespmem:$0x10200] =	vst v63  }
0x4d: {  	s24 =	simm.s32 $0x5200;
	s20 =	rddreg [dreg:$0xd]  }
0x4e: {  	[tilespmem:s24], [sflag:$0x1] =	stream.indirect_vreg.gather [hbm4b:s20+s2], $0x80, v2, vm0, $0xb8;
	[tilespmem:$0x10200] =	vst v63  }
0x4f: {  	s25 =	simm.s32 $0x5A00;
	s21 =	rddreg [dreg:$0xe]  }
0x50: {  	[tilespmem:s25], [sflag:$0x1] =	stream.indirect_vreg.gather [hbm4b:s21+s2], $0x80, v2, vm0, $0xb8;
	[tilespmem:$0x10200] =	vst v63  }
0x51: {  	s26 =	simm.s32 $0x6200;
	s22 =	rddreg [dreg:$0xf]  }
0x52: {  	[tilespmem:s26], [sflag:$0x1] =	stream.indirect_vreg.gather [hbm4b:s22+s2], $0x80, v2, vm0, $0xb8;
	[tilespmem:$0x10200] =	vst v63  }
0x53: {  	s1 =	simm.s32 $0x6A00;
	s23 =	rddreg [dreg:$0x10]  }
0x54: {  	[tilespmem:s1], [sflag:$0x1] =	stream.indirect_vreg.gather [hbm4b:s23+s2], $0x80, v2, vm0, $0xb8;
	[tilespmem:$0x10200] =	vst v63  }
0x55: {  	s3 =	simm.s32 $0x7200;
	s24 =	rddreg [dreg:$0x11]  }
0x56: {  	[tilespmem:s3], [sflag:$0x1] =	stream.indirect_vreg.gather [hbm4b:s24+s2], $0x80, v2, vm0, $0xb8;
	[tilespmem:$0x10200] =	vst v63  }
0x57: {  	s4 =	simm.s32 $0x7A00;
	s25 =	rddreg [dreg:$0x12]  }
0x58: {  	[tilespmem:s4], [sflag:$0x1] =	stream.indirect_vreg.gather [hbm4b:s25+s2], $0x80, v2, vm0, $0xb8;
	[tilespmem:$0x10200] =	vst v63  }
0x59: {  	s6 =	simm.s32 $0x8200;
	s26 =	rddreg [dreg:$0x13]  }
0x5a: {  	[tilespmem:s6], [sflag:$0x1] =	stream.indirect_vreg.gather [hbm4b:s26+s2], $0x80, v2, vm0, $0xb8;
	[tilespmem:$0x10200] =	vst v63  }
0x5b: {  	s9 =	simm.s32 $0x8A00;
	s28 =	rddreg [dreg:$0x14]  }
0x5c: {  	[tilespmem:s9], [sflag:$0x1] =	stream.indirect_vreg.gather [hbm4b:s28+s2], $0x80, v2, vm0, $0xb8;
	[tilespmem:$0x10200] =	vst v63  }
0x5d: {  	s29 =	rddreg [dreg:$0x15];
	s1 =	simm.s32 $0x9200  }
0x5e: {  	[tilespmem:s1], [sflag:$0x1] =	stream.indirect_vreg.gather [hbm4b:s29+s2], $0x80, v2, vm0, $0xb8;
	[tilespmem:$0x10200] =	vst v63  }
0x5f: {  	s30 =	rddreg [dreg:$0x16];
	s3 =	simm.s32 $0x9A00  }
0x60: {  	[tilespmem:s3], [sflag:$0x1] =	stream.indirect_vreg.gather [hbm4b:s30+s2], $0x80, v2, vm0, $0xb8;
	[tilespmem:$0x10200] =	vst v63  }
0x61: {  	s31 =	rddreg [dreg:$0x17];
	s4 =	simm.s32 $0xA200  }
0x62: {  	[tilespmem:s4], [sflag:$0x1] =	stream.indirect_vreg.gather [hbm4b:s31+s2], $0x80, v2, vm0, $0xb8;
	[tilespmem:$0x10200] =	vst v63  }
0x63: {  	s1 =	simm.s32 $0xAA00;
	s4 =	rddreg [dreg:$0x18]  }
0x64: {  	[tilespmem:s1], [sflag:$0x1] =	stream.indirect_vreg.gather [hbm4b:s4+s2], $0x80, v2, vm0, $0xb8;
	[tilespmem:$0x10200] =	vst v63  }
0x65: {  	s6 =	rddreg [dreg:$0x19];
	s9 =	simm.s32 $0xB200  }
0x66: {  	[tilespmem:s9], [sflag:$0x1] =	stream.indirect_vreg.gather [hbm4b:s6+s2], $0x80, v2, vm0, $0xb8;
	[tilespmem:$0x10200] =	vst v63  }
0x67: {  	s0 =	rddreg [dreg:$0x1a];
	s3 =	simm.s32 $0xBA00  }
0x68: {  	[tilespmem:s3], [sflag:$0x1] =	stream.indirect_vreg.gather [hbm4b:s0+s2], $0x80, v2, vm0, $0xb8;
	[tilespmem:$0x10200] =	vst v63  }
0x69: {  	s6 =	rddreg [dreg:$0x1b];
	s9 =	simm.s32 $0xC200  }
0x6a: {  	[tilespmem:s9], [sflag:$0x1] =	stream.indirect_vreg.gather [hbm4b:s6+s2], $0x80, v2, vm0, $0xb8;
	[tilespmem:$0x10200] =	vst v63  }
0x6b: {  	s0 =	rddreg [dreg:$0x1c];
	s3 =	simm.s32 $0xCA00  }
0x6c: {  	[tilespmem:s3], [sflag:$0x1] =	stream.indirect_vreg.gather [hbm4b:s0+s2], $0x80, v2, vm0, $0xb8;
	[tilespmem:$0x10200] =	vst v63  }
0x6d: {  	s6 =	rddreg [dreg:$0x1d];
	s9 =	simm.s32 $0xD200  }
0x6e: {  	[tilespmem:s9], [sflag:$0x1] =	stream.indirect_vreg.gather [hbm4b:s6+s2], $0x80, v2, vm0, $0xb8;
	[tilespmem:$0x10200] =	vst v63  }
0x6f: {  	s3 =	simm.s32 $0xDA00;
	s9 =	rddreg [dreg:$0x1e]  }
0x70: {  	[tilespmem:s3], [sflag:$0x1] =	stream.indirect_vreg.gather [hbm4b:s9+s2], $0x80, v2, vm0, $0xb8;
	[tilespmem:$0x10200] =	vst v63  }
0x71: {  	s0 =	rddreg [dreg:$0x1f];
	s3 =	simm.s32 $0xE200  }
0x72: {  	[tilespmem:s3], [sflag:$0x1] =	stream.indirect_vreg.gather [hbm4b:s0+s2], $0x80, v2, vm0, $0xb8;
	[tilespmem:$0x10200] =	vst v63  }
0x73: {  	s0 =	sld [smem:$0x7F7];
	_ =	sdelay $0x1  }
0x74: {  	s3 =	simm.s32 $0xEA00  }
0x75: {  	[tilespmem:s3], [sflag:$0x1] =	stream.indirect_vreg.gather [hbm4b:s0+s2], $0x80, v2, vm0, $0xb8;
	[tilespmem:$0x10200] =	vst v63  }
0x76: {  	s3 =	sld [smem:$0x7F8];
	_ =	sdelay $0x1  }
0x77: {  	s0 =	simm.s32 $0xF200  }
0x78: {  	[tilespmem:s0], [sflag:$0x1] =	stream.indirect_vreg.gather [hbm4b:s3+s2], $0x80, v2, vm0, $0xb8;
	[tilespmem:$0x10200] =	vst v63  }
0x79: {  	s0 =	sld [smem:$0x7F9];
	_ =	sdelay $0x1  }
0x7a: {  	s1 =	simm.s32 $0xFA00  }
0x7b: {  	[tilespmem:s1], [sflag:$0x1] =	stream.indirect_vreg.gather [hbm4b:s0+s2], $0x80, v2, vm0, $0xb8;
	[tilespmem:$0x10200] =	vst v63  }
0x7c: {  	_ =	swait.ge [sflag:s5], $0x10000  }
0x7d: {  	s1 =	sld [smem:$0x7FA]  }
0x7e: {  	[sflag:s5] =	ssyncset.done $0x0  }
0x7f: {  	s7 =	simm.s32 $0x200;
	[sflag:s5] =	ssyncadd.s32 $0xFFFF0000  }
0x80: {  	[hbm4b:s1+s2] =	stream.linear.scatter [tilespmem:s7], [sflag:$0x2], $0x10000, $0x38;
	[tilespmem:$0x10200] =	vst v63  }
0x81: {  	_ =	swait.ge [sflag:s8], $0x10000  }
0x82: {  	[sflag:s8] =	ssyncset.done $0x0  }
0x83: {  	[sflag:s8] =	ssyncadd.s32 $0xFFFF0000  }
0x84: {  	v2 =	vld.msk [tilespmem:$0x80], $0xff;
	_ =	sdelay $0x4  }
0x85: {  	v3 =	vshll.u32 v2, $0x6  }
0x86: {  	v2 =	vand.u32 $0x7, v2;
	v3 =	vand.u32 $0xFFFFFE00, v3  }
0x87: {  	v2 =	vor.u32 v2, v3  }
0x88: {  	v2 =	vperm.xlane v2, v0;
	_ =	sdelay $0x1  }
0x89: {  	v2 =	vadd.s32 v1, v2;
	_ =	sdelay $0x4  }
0x8a: {  	[tilespmem:s7], [sflag:$0x1] =	stream.indirect_vreg.gather [hbm4b:s10+s2], $0x80, v2, vm0, $0xb8;
	[tilespmem:$0x10200] =	vst v63  }
0x8b: {  	s1 =	simm.s32 $0xA00  }
0x8c: {  	[tilespmem:s1], [sflag:$0x1] =	stream.indirect_vreg.gather [hbm4b:s11+s2], $0x80, v2, vm0, $0xb8;
	[tilespmem:$0x10200] =	vst v63  }
0x8d: {  	s7 =	simm.s32 $0x1200  }
0x8e: {  	[tilespmem:s7], [sflag:$0x1] =	stream.indirect_vreg.gather [hbm4b:s12+s2], $0x80, v2, vm0, $0xb8;
	[tilespmem:$0x10200] =	vst v63  }
0x8f: {  	s1 =	simm.s32 $0x1A00  }
0x90: {  	[tilespmem:s1], [sflag:$0x1] =	stream.indirect_vreg.gather [hbm4b:s13+s2], $0x80, v2, vm0, $0xb8;
	[tilespmem:$0x10200] =	vst v63  }
0x91: {  	s7 =	simm.s32 $0x2200  }
0x92: {  	[tilespmem:s7], [sflag:$0x1] =	stream.indirect_vreg.gather [hbm4b:s14+s2], $0x80, v2, vm0, $0xb8;
	[tilespmem:$0x10200] =	vst v63  }
0x93: {  	s1 =	simm.s32 $0x2A00  }
0x94: {  	[tilespmem:s1], [sflag:$0x1] =	stream.indirect_vreg.gather [hbm4b:s15+s2], $0x80, v2, vm0, $0xb8;
	[tilespmem:$0x10200] =	vst v63  }
0x95: {  	s7 =	simm.s32 $0x3200  }
0x96: {  	[tilespmem:s7], [sflag:$0x1] =	stream.indirect_vreg.gather [hbm4b:s16+s2], $0x80, v2, vm0, $0xb8;
	[tilespmem:$0x10200] =	vst v63  }
0x97: {  	s1 =	simm.s32 $0x3A00  }
0x98: {  	[tilespmem:s1], [sflag:$0x1] =	stream.indirect_vreg.gather [hbm4b:s17+s2], $0x80, v2, vm0, $0xb8;
	[tilespmem:$0x10200] =	vst v63  }
0x99: {  	s7 =	simm.s32 $0x4200  }
0x9a: {  	[tilespmem:s7], [sflag:$0x1] =	stream.indirect_vreg.gather [hbm4b:s18+s2], $0x80, v2, vm0, $0xb8;
	[tilespmem:$0x10200] =	vst v63  }
0x9b: {  	s1 =	simm.s32 $0x4A00  }
0x9c: {  	[tilespmem:s1], [sflag:$0x1] =	stream.indirect_vreg.gather [hbm4b:s19+s2], $0x80, v2, vm0, $0xb8;
	[tilespmem:$0x10200] =	vst v63  }
0x9d: {  	s7 =	simm.s32 $0x5200  }
0x9e: {  	[tilespmem:s7], [sflag:$0x1] =	stream.indirect_vreg.gather [hbm4b:s20+s2], $0x80, v2, vm0, $0xb8;
	[tilespmem:$0x10200] =	vst v63  }
0x9f: {  	s1 =	simm.s32 $0x5A00  }
0xa0: {  	[tilespmem:s1], [sflag:$0x1] =	stream.indirect_vreg.gather [hbm4b:s21+s2], $0x80, v2, vm0, $0xb8;
	[tilespmem:$0x10200] =	vst v63  }
0xa1: {  	s7 =	simm.s32 $0x6200  }
0xa2: {  	[tilespmem:s7], [sflag:$0x1] =	stream.indirect_vreg.gather [hbm4b:s22+s2], $0x80, v2, vm0, $0xb8;
	[tilespmem:$0x10200] =	vst v63  }
0xa3: {  	s1 =	simm.s32 $0x6A00  }
0xa4: {  	[tilespmem:s1], [sflag:$0x1] =	stream.indirect_vreg.gather [hbm4b:s23+s2], $0x80, v2, vm0, $0xb8;
	[tilespmem:$0x10200] =	vst v63  }
0xa5: {  	s7 =	simm.s32 $0x7200  }
0xa6: {  	[tilespmem:s7], [sflag:$0x1] =	stream.indirect_vreg.gather [hbm4b:s24+s2], $0x80, v2, vm0, $0xb8;
	[tilespmem:$0x10200] =	vst v63  }
0xa7: {  	s1 =	simm.s32 $0x7A00  }
0xa8: {  	[tilespmem:s1], [sflag:$0x1] =	stream.indirect_vreg.gather [hbm4b:s25+s2], $0x80, v2, vm0, $0xb8;
	[tilespmem:$0x10200] =	vst v63  }
0xa9: {  	s7 =	simm.s32 $0x8200  }
0xaa: {  	[tilespmem:s7], [sflag:$0x1] =	stream.indirect_vreg.gather [hbm4b:s26+s2], $0x80, v2, vm0, $0xb8;
	[tilespmem:$0x10200] =	vst v63  }
0xab: {  	s1 =	simm.s32 $0x8A00  }
0xac: {  	[tilespmem:s1], [sflag:$0x1] =	stream.indirect_vreg.gather [hbm4b:s28+s2], $0x80, v2, vm0, $0xb8;
	[tilespmem:$0x10200] =	vst v63  }
0xad: {  	s7 =	simm.s32 $0x9200  }
0xae: {  	[tilespmem:s7], [sflag:$0x1] =	stream.indirect_vreg.gather [hbm4b:s29+s2], $0x80, v2, vm0, $0xb8;
	[tilespmem:$0x10200] =	vst v63  }
0xaf: {  	s1 =	simm.s32 $0x9A00  }
0xb0: {  	[tilespmem:s1], [sflag:$0x1] =	stream.indirect_vreg.gather [hbm4b:s30+s2], $0x80, v2, vm0, $0xb8;
	[tilespmem:$0x10200] =	vst v63  }
0xb1: {  	s7 =	simm.s32 $0xA200  }
0xb2: {  	[tilespmem:s7], [sflag:$0x1] =	stream.indirect_vreg.gather [hbm4b:s31+s2], $0x80, v2, vm0, $0xb8;
	[tilespmem:$0x10200] =	vst v63  }
0xb3: {  	s1 =	simm.s32 $0xAA00  }
0xb4: {  	[tilespmem:s1], [sflag:$0x1] =	stream.indirect_vreg.gather [hbm4b:s4+s2], $0x80, v2, vm0, $0xb8;
	[tilespmem:$0x10200] =	vst v63  }
0xb5: {  	s7 =	simm.s32 $0xB200;
	s1 =	rddreg [dreg:$0x19]  }
0xb6: {  	[tilespmem:s7], [sflag:$0x1] =	stream.indirect_vreg.gather [hbm4b:s1+s2], $0x80, v2, vm0, $0xb8;
	[tilespmem:$0x10200] =	vst v63  }
0xb7: {  	s4 =	rddreg [dreg:$0x1a];
	s7 =	simm.s32 $0xBA00  }
0xb8: {  	[tilespmem:s7], [sflag:$0x1] =	stream.indirect_vreg.gather [hbm4b:s4+s2], $0x80, v2, vm0, $0xb8;
	[tilespmem:$0x10200] =	vst v63  }
0xb9: {  	s4 =	rddreg [dreg:$0x1b];
	s7 =	simm.s32 $0xC200  }
0xba: {  	[tilespmem:s7], [sflag:$0x1] =	stream.indirect_vreg.gather [hbm4b:s4+s2], $0x80, v2, vm0, $0xb8;
	[tilespmem:$0x10200] =	vst v63  }
0xbb: {  	s0 =	rddreg [dreg:$0x1c];
	s7 =	simm.s32 $0xCA00  }
0xbc: {  	[tilespmem:s7], [sflag:$0x1] =	stream.indirect_vreg.gather [hbm4b:s0+s2], $0x80, v2, vm0, $0xb8;
	[tilespmem:$0x10200] =	vst v63  }
0xbd: {  	s6 =	smov.u32 s6;
	s7 =	simm.s32 $0xD200  }
0xbe: {  	[tilespmem:s7], [sflag:$0x1] =	stream.indirect_vreg.gather [hbm4b:s6+s2], $0x80, v2, vm0, $0xb8;
	[tilespmem:$0x10200] =	vst v63  }
0xbf: {  	s6 =	simm.s32 $0xDA00  }
0xc0: {  	[tilespmem:s6], [sflag:$0x1] =	stream.indirect_vreg.gather [hbm4b:s9+s2], $0x80, v2, vm0, $0xb8;
	[tilespmem:$0x10200] =	vst v63  }
0xc1: {  	s7 =	simm.s32 $0xE200;
	s6 =	rddreg [dreg:$0x1f]  }
0xc2: {  	[tilespmem:s7], [sflag:$0x1] =	stream.indirect_vreg.gather [hbm4b:s6+s2], $0x80, v2, vm0, $0xb8;
	[tilespmem:$0x10200] =	vst v63  }
0xc3: {  	s7 =	sld [smem:$0x7F7];
	_ =	sdelay $0x1  }
0xc4: {  	s6 =	simm.s32 $0xEA00  }
0xc5: {  	[tilespmem:s6], [sflag:$0x1] =	stream.indirect_vreg.gather [hbm4b:s7+s2], $0x80, v2, vm0, $0xb8;
	[tilespmem:$0x10200] =	vst v63  }
0xc6: {  	s7 =	simm.s32 $0xF200  }
0xc7: {  	[tilespmem:s7], [sflag:$0x1] =	stream.indirect_vreg.gather [hbm4b:s3+s2], $0x80, v2, vm0, $0xb8;
	[tilespmem:$0x10200] =	vst v63  }
0xc8: {  	s3 =	sld [smem:$0x7F9];
	_ =	sdelay $0x1  }
0xc9: {  	s6 =	simm.s32 $0xFA00  }
0xca: {  	[tilespmem:s6], [sflag:$0x1] =	stream.indirect_vreg.gather [hbm4b:s3+s2], $0x80, v2, vm0, $0xb8;
	[tilespmem:$0x10200] =	vst v63  }
0xcb: {  	_ =	swait.ge [sflag:s5], $0x10000  }
0xcc: {  	s0 =	sld [smem:$0x7FB]  }
0xcd: {  	[sflag:s5] =	ssyncset.done $0x0  }
0xce: {  	s6 =	simm.s32 $0x200;
	[sflag:s5] =	ssyncadd.s32 $0xFFFF0000  }
0xcf: {  	[hbm4b:s0+s2] =	stream.linear.scatter [tilespmem:s6], [sflag:$0x2], $0x10000, $0x38;
	[tilespmem:$0x10200] =	vst v63  }
0xd0: {  	_ =	swait.ge [sflag:s8], $0x10000  }
0xd1: {  	[sflag:s8] =	ssyncset.done $0x0  }
0xd2: {  	[sflag:s8] =	ssyncadd.s32 $0xFFFF0000  }
0xd3: {  	v2 =	vld.msk [tilespmem:$0x100], $0xff;
	_ =	sdelay $0x4  }
0xd4: {  	v3 =	vshll.u32 v2, $0x6  }
0xd5: {  	v2 =	vand.u32 $0x7, v2;
	v3 =	vand.u32 $0xFFFFFE00, v3  }
0xd6: {  	v2 =	vor.u32 v2, v3  }
0xd7: {  	v2 =	vperm.xlane v2, v0;
	_ =	sdelay $0x1  }
0xd8: {  	v2 =	vadd.s32 v1, v2;
	_ =	sdelay $0x4  }
0xd9: {  	[tilespmem:s6], [sflag:$0x1] =	stream.indirect_vreg.gather [hbm4b:s10+s2], $0x80, v2, vm0, $0xb8;
	[tilespmem:$0x10200] =	vst v63  }
0xda: {  	s6 =	simm.s32 $0xA00  }
0xdb: {  	[tilespmem:s6], [sflag:$0x1] =	stream.indirect_vreg.gather [hbm4b:s11+s2], $0x80, v2, vm0, $0xb8;
	[tilespmem:$0x10200] =	vst v63  }
0xdc: {  	s6 =	simm.s32 $0x1200  }
0xdd: {  	[tilespmem:s6], [sflag:$0x1] =	stream.indirect_vreg.gather [hbm4b:s12+s2], $0x80, v2, vm0, $0xb8;
	[tilespmem:$0x10200] =	vst v63  }
0xde: {  	s6 =	simm.s32 $0x1A00  }
0xdf: {  	[tilespmem:s6], [sflag:$0x1] =	stream.indirect_vreg.gather [hbm4b:s13+s2], $0x80, v2, vm0, $0xb8;
	[tilespmem:$0x10200] =	vst v63  }
0xe0: {  	s6 =	simm.s32 $0x2200  }
0xe1: {  	[tilespmem:s6], [sflag:$0x1] =	stream.indirect_vreg.gather [hbm4b:s14+s2], $0x80, v2, vm0, $0xb8;
	[tilespmem:$0x10200] =	vst v63  }
0xe2: {  	s6 =	simm.s32 $0x2A00  }
0xe3: {  	[tilespmem:s6], [sflag:$0x1] =	stream.indirect_vreg.gather [hbm4b:s15+s2], $0x80, v2, vm0, $0xb8;
	[tilespmem:$0x10200] =	vst v63  }
0xe4: {  	s6 =	simm.s32 $0x3200  }
0xe5: {  	[tilespmem:s6], [sflag:$0x1] =	stream.indirect_vreg.gather [hbm4b:s16+s2], $0x80, v2, vm0, $0xb8;
	[tilespmem:$0x10200] =	vst v63  }
0xe6: {  	s6 =	simm.s32 $0x3A00  }
0xe7: {  	[tilespmem:s6], [sflag:$0x1] =	stream.indirect_vreg.gather [hbm4b:s17+s2], $0x80, v2, vm0, $0xb8;
	[tilespmem:$0x10200] =	vst v63  }
0xe8: {  	s6 =	simm.s32 $0x4200  }
0xe9: {  	[tilespmem:s6], [sflag:$0x1] =	stream.indirect_vreg.gather [hbm4b:s18+s2], $0x80, v2, vm0, $0xb8;
	[tilespmem:$0x10200] =	vst v63  }
0xea: {  	s6 =	simm.s32 $0x4A00  }
0xeb: {  	[tilespmem:s6], [sflag:$0x1] =	stream.indirect_vreg.gather [hbm4b:s19+s2], $0x80, v2, vm0, $0xb8;
	[tilespmem:$0x10200] =	vst v63  }
0xec: {  	s6 =	simm.s32 $0x5200  }
0xed: {  	[tilespmem:s6], [sflag:$0x1] =	stream.indirect_vreg.gather [hbm4b:s20+s2], $0x80, v2, vm0, $0xb8;
	[tilespmem:$0x10200] =	vst v63  }
0xee: {  	s6 =	simm.s32 $0x5A00  }
0xef: {  	[tilespmem:s6], [sflag:$0x1] =	stream.indirect_vreg.gather [hbm4b:s21+s2], $0x80, v2, vm0, $0xb8;
	[tilespmem:$0x10200] =	vst v63  }
0xf0: {  	s6 =	simm.s32 $0x6200  }
0xf1: {  	[tilespmem:s6], [sflag:$0x1] =	stream.indirect_vreg.gather [hbm4b:s22+s2], $0x80, v2, vm0, $0xb8;
	[tilespmem:$0x10200] =	vst v63  }
0xf2: {  	s6 =	simm.s32 $0x6A00  }
0xf3: {  	[tilespmem:s6], [sflag:$0x1] =	stream.indirect_vreg.gather [hbm4b:s23+s2], $0x80, v2, vm0, $0xb8;
	[tilespmem:$0x10200] =	vst v63  }
0xf4: {  	s6 =	simm.s32 $0x7200  }
0xf5: {  	[tilespmem:s6], [sflag:$0x1] =	stream.indirect_vreg.gather [hbm4b:s24+s2], $0x80, v2, vm0, $0xb8;
	[tilespmem:$0x10200] =	vst v63  }
0xf6: {  	s6 =	simm.s32 $0x7A00  }
0xf7: {  	[tilespmem:s6], [sflag:$0x1] =	stream.indirect_vreg.gather [hbm4b:s25+s2], $0x80, v2, vm0, $0xb8;
	[tilespmem:$0x10200] =	vst v63  }
0xf8: {  	s6 =	simm.s32 $0x8200  }
0xf9: {  	[tilespmem:s6], [sflag:$0x1] =	stream.indirect_vreg.gather [hbm4b:s26+s2], $0x80, v2, vm0, $0xb8;
	[tilespmem:$0x10200] =	vst v63  }
0xfa: {  	s6 =	simm.s32 $0x8A00  }
0xfb: {  	[tilespmem:s6], [sflag:$0x1] =	stream.indirect_vreg.gather [hbm4b:s28+s2], $0x80, v2, vm0, $0xb8;
	[tilespmem:$0x10200] =	vst v63  }
0xfc: {  	s6 =	simm.s32 $0x9200  }
0xfd: {  	[tilespmem:s6], [sflag:$0x1] =	stream.indirect_vreg.gather [hbm4b:s29+s2], $0x80, v2, vm0, $0xb8;
	[tilespmem:$0x10200] =	vst v63  }
0xfe: {  	s6 =	simm.s32 $0x9A00  }
0xff: {  	[tilespmem:s6], [sflag:$0x1] =	stream.indirect_vreg.gather [hbm4b:s30+s2], $0x80, v2, vm0, $0xb8;
	[tilespmem:$0x10200] =	vst v63  }
0x100: {  	s6 =	simm.s32 $0xA200  }
0x101: {  	[tilespmem:s6], [sflag:$0x1] =	stream.indirect_vreg.gather [hbm4b:s31+s2], $0x80, v2, vm0, $0xb8;
	[tilespmem:$0x10200] =	vst v63  }
0x102: {  	s0 =	rddreg [dreg:$0x18];
	s6 =	simm.s32 $0xAA00  }
0x103: {  	[tilespmem:s6], [sflag:$0x1] =	stream.indirect_vreg.gather [hbm4b:s0+s2], $0x80, v2, vm0, $0xb8;
	[tilespmem:$0x10200] =	vst v63  }
0x104: {  	s6 =	simm.s32 $0xB200  }
0x105: {  	[tilespmem:s6], [sflag:$0x1] =	stream.indirect_vreg.gather [hbm4b:s1+s2], $0x80, v2, vm0, $0xb8;
	[tilespmem:$0x10200] =	vst v63  }
0x106: {  	s1 =	rddreg [dreg:$0x1a];
	s6 =	simm.s32 $0xBA00  }
0x107: {  	[tilespmem:s6], [sflag:$0x1] =	stream.indirect_vreg.gather [hbm4b:s1+s2], $0x80, v2, vm0, $0xb8;
	[tilespmem:$0x10200] =	vst v63  }
0x108: {  	s1 =	simm.s32 $0xC200  }
0x109: {  	[tilespmem:s1], [sflag:$0x1] =	stream.indirect_vreg.gather [hbm4b:s4+s2], $0x80, v2, vm0, $0xb8;
	[tilespmem:$0x10200] =	vst v63  }
0x10a: {  	s6 =	simm.s32 $0xCA00;
	s4 =	rddreg [dreg:$0x1c]  }
0x10b: {  	[tilespmem:s6], [sflag:$0x1] =	stream.indirect_vreg.gather [hbm4b:s4+s2], $0x80, v2, vm0, $0xb8;
	[tilespmem:$0x10200] =	vst v63  }
0x10c: {  	s4 =	simm.s32 $0xD200;
	s6 =	rddreg [dreg:$0x1d]  }
0x10d: {  	[tilespmem:s4], [sflag:$0x1] =	stream.indirect_vreg.gather [hbm4b:s6+s2], $0x80, v2, vm0, $0xb8;
	[tilespmem:$0x10200] =	vst v63  }
0x10e: {  	s4 =	simm.s32 $0xDA00  }
0x10f: {  	[tilespmem:s4], [sflag:$0x1] =	stream.indirect_vreg.gather [hbm4b:s9+s2], $0x80, v2, vm0, $0xb8;
	[tilespmem:$0x10200] =	vst v63  }
0x110: {  	s1 =	simm.s32 $0xE200;
	s4 =	rddreg [dreg:$0x1f]  }
0x111: {  	[tilespmem:s1], [sflag:$0x1] =	stream.indirect_vreg.gather [hbm4b:s4+s2], $0x80, v2, vm0, $0xb8;
	[tilespmem:$0x10200] =	vst v63  }
0x112: {  	s1 =	sld [smem:$0x7F7];
	_ =	sdelay $0x1  }
0x113: {  	s10 =	simm.s32 $0x200;
	s4 =	simm.s32 $0xEA00  }
0x114: {  	[tilespmem:s4], [sflag:$0x1] =	stream.indirect_vreg.gather [hbm4b:s1+s2], $0x80, v2, vm0, $0xb8;
	[tilespmem:$0x10200] =	vst v63  }
0x115: {  	s11 =	simm.s32 $0x1200;
	s12 =	simm.s32 $0x1A00;
	s1 =	sld [smem:$0x7F8]  }
0x116: {  	s13 =	simm.s32 $0x2200;
	s14 =	simm.s32 $0x2A00;
	s15 =	simm.s32 $0x3200  }
0x117: {  	s16 =	simm.s32 $0x3A00;
	s17 =	simm.s32 $0x4200;
	s18 =	simm.s32 $0x4A00  }
0x118: {  	[tilespmem:s7], [sflag:$0x1] =	stream.indirect_vreg.gather [hbm4b:s1+s2], $0x80, v2, vm0, $0xb8;
	[tilespmem:$0x10200] =	vst v63  }
0x119: {  	s19 =	simm.s32 $0x5200;
	s20 =	simm.s32 $0x5A00;
	s1 =	simm.s32 $0xFA00  }
0x11a: {  	[tilespmem:s1], [sflag:$0x1] =	stream.indirect_vreg.gather [hbm4b:s3+s2], $0x80, v2, vm0, $0xb8;
	[tilespmem:$0x10200] =	vst v63  }
0x11b: {  	s21 =	simm.s32 $0x6200;
	s22 =	simm.s32 $0x6A00;
	_ =	swait.ge [sflag:s5], $0x10000  }
0x11c: {  	s23 =	simm.s32 $0x7200;
	s24 =	simm.s32 $0x7A00;
	s7 =	sld [smem:$0x7FC]  }
0x11d: {  	s25 =	simm.s32 $0x8200;
	s26 =	simm.s32 $0x8A00;
	[sflag:s5] =	ssyncset.done $0x0  }
.Ltmp2:
0x11e: {  	s28 =	simm.s32 $0x9200;
	[sflag:s5] =	ssyncadd.s32 $0xFFFF0000;
	(pc) =	sbr.rel @p0 .LBB2_3-.Ltmp2, $4  }
0x11f: {  	[hbm4b:s7+s2] =	stream.linear.scatter [tilespmem:s10], [sflag:$0x2], $0x10000, $0x38;
	[tilespmem:$0x10200] =	vst v63  }
0x120: {  	s29 =	simm.s32 $0x9A00;
	s30 =	simm.s32 $0xA200;
	_ =	swait.ge [sflag:s8], $0x10000  }
0x121: {  	s31 =	simm.s32 $0xAA00;
	s6 =	simm.s32 $0xDA00;
	[sflag:s8] =	ssyncset.done $0x0  }
0x122: {  	s9 =	simm.s32 $0xE200;
	s4 =	simm.s32 $0xF200;
	[sflag:s8] =	ssyncadd.s32 $0xFFFF0000  }
0x123: {  	v2 =	vld.msk [tilespmem:$0x180], $0xff;
	_ =	sdelay $0x4  }
0x124: {  	v3 =	vshll.u32 v2, $0x6  }
0x125: {  	v2 =	vand.u32 $0x7, v2;
	v3 =	vand.u32 $0xFFFFFE00, v3  }
0x126: {  	v2 =	vor.u32 v2, v3  }
0x127: {  	v2 =	vperm.xlane v2, v0;
	_ =	sdelay $0x1  }
0x128: {  	v2 =	vadd.s32 v1, v2;
	_ =	sdelay $0x2  }
0x129: {  	s10 =	rddreg [dreg:$0x2]  }
0x12a: {  	s1 =	simm.s32 $0x200;
	s3 =	rddreg [dreg:$0x4]  }
0x12b: {  	[tilespmem:s1], [sflag:$0x1] =	stream.indirect_vreg.gather [hbm4b:s10+s2], $0x80, v2, vm0, $0xb8;
	[tilespmem:$0x10200] =	vst v63  }
0x12c: {  	s0 =	simm.s32 $0xA00;
	s7 =	rddreg [dreg:$0x5]  }
0x12d: {  	[tilespmem:s0], [sflag:$0x1] =	stream.indirect_vreg.gather [hbm4b:s3+s2], $0x80, v2, vm0, $0xb8;
	[tilespmem:$0x10200] =	vst v63  }
0x12e: {  	s0 =	rddreg [dreg:$0x15]  }
0x12f: {  	[tilespmem:s11], [sflag:$0x1] =	stream.indirect_vreg.gather [hbm4b:s7+s2], $0x80, v2, vm0, $0xb8;
	[tilespmem:$0x10200] =	vst v63  }
0x130: {  	s11 =	rddreg [dreg:$0x6]  }
0x131: {  	[tilespmem:s12], [sflag:$0x1] =	stream.indirect_vreg.gather [hbm4b:s11+s2], $0x80, v2, vm0, $0xb8;
	[tilespmem:$0x10200] =	vst v63  }
0x132: {  	s12 =	rddreg [dreg:$0x7]  }
0x133: {  	[tilespmem:s13], [sflag:$0x1] =	stream.indirect_vreg.gather [hbm4b:s12+s2], $0x80, v2, vm0, $0xb8;
	[tilespmem:$0x10200] =	vst v63  }
0x134: {  	s13 =	rddreg [dreg:$0x8]  }
0x135: {  	[tilespmem:s14], [sflag:$0x1] =	stream.indirect_vreg.gather [hbm4b:s13+s2], $0x80, v2, vm0, $0xb8;
	[tilespmem:$0x10200] =	vst v63  }
0x136: {  	s14 =	rddreg [dreg:$0x9]  }
0x137: {  	[tilespmem:s15], [sflag:$0x1] =	stream.indirect_vreg.gather [hbm4b:s14+s2], $0x80, v2, vm0, $0xb8;
	[tilespmem:$0x10200] =	vst v63  }
0x138: {  	s15 =	rddreg [dreg:$0xa]  }
0x139: {  	[tilespmem:s16], [sflag:$0x1] =	stream.indirect_vreg.gather [hbm4b:s15+s2], $0x80, v2, vm0, $0xb8;
	[tilespmem:$0x10200] =	vst v63  }
0x13a: {  	s16 =	rddreg [dreg:$0xb]  }
0x13b: {  	[tilespmem:s17], [sflag:$0x1] =	stream.indirect_vreg.gather [hbm4b:s16+s2], $0x80, v2, vm0, $0xb8;
	[tilespmem:$0x10200] =	vst v63  }
0x13c: {  	s17 =	rddreg [dreg:$0xc]  }
0x13d: {  	[tilespmem:s18], [sflag:$0x1] =	stream.indirect_vreg.gather [hbm4b:s17+s2], $0x80, v2, vm0, $0xb8;
	[tilespmem:$0x10200] =	vst v63  }
0x13e: {  	s18 =	rddreg [dreg:$0xd]  }
0x13f: {  	[tilespmem:s19], [sflag:$0x1] =	stream.indirect_vreg.gather [hbm4b:s18+s2], $0x80, v2, vm0, $0xb8;
	[tilespmem:$0x10200] =	vst v63  }
0x140: {  	s19 =	rddreg [dreg:$0xe]  }
0x141: {  	[tilespmem:s20], [sflag:$0x1] =	stream.indirect_vreg.gather [hbm4b:s19+s2], $0x80, v2, vm0, $0xb8;
	[tilespmem:$0x10200] =	vst v63  }
0x142: {  	s20 =	rddreg [dreg:$0xf]  }
0x143: {  	[tilespmem:s21], [sflag:$0x1] =	stream.indirect_vreg.gather [hbm4b:s20+s2], $0x80, v2, vm0, $0xb8;
	[tilespmem:$0x10200] =	vst v63  }
0x144: {  	s21 =	rddreg [dreg:$0x10]  }
0x145: {  	[tilespmem:s22], [sflag:$0x1] =	stream.indirect_vreg.gather [hbm4b:s21+s2], $0x80, v2, vm0, $0xb8;
	[tilespmem:$0x10200] =	vst v63  }
0x146: {  	s22 =	rddreg [dreg:$0x11]  }
0x147: {  	[tilespmem:s23], [sflag:$0x1] =	stream.indirect_vreg.gather [hbm4b:s22+s2], $0x80, v2, vm0, $0xb8;
	[tilespmem:$0x10200] =	vst v63  }
0x148: {  	s23 =	rddreg [dreg:$0x12]  }
0x149: {  	[tilespmem:s24], [sflag:$0x1] =	stream.indirect_vreg.gather [hbm4b:s23+s2], $0x80, v2, vm0, $0xb8;
	[tilespmem:$0x10200] =	vst v63  }
0x14a: {  	s24 =	rddreg [dreg:$0x13]  }
0x14b: {  	[tilespmem:s25], [sflag:$0x1] =	stream.indirect_vreg.gather [hbm4b:s24+s2], $0x80, v2, vm0, $0xb8;
	[tilespmem:$0x10200] =	vst v63  }
0x14c: {  	s25 =	rddreg [dreg:$0x14]  }
0x14d: {  	[tilespmem:s26], [sflag:$0x1] =	stream.indirect_vreg.gather [hbm4b:s25+s2], $0x80, v2, vm0, $0xb8;
	[tilespmem:$0x10200] =	vst v63  }
0x14e: {  	s3 =	rddreg [dreg:$0x16]  }
0x14f: {  	[tilespmem:s28], [sflag:$0x1] =	stream.indirect_vreg.gather [hbm4b:s0+s2], $0x80, v2, vm0, $0xb8;
	[tilespmem:$0x10200] =	vst v63  }
0x150: {  	s7 =	rddreg [dreg:$0x17]  }
0x151: {  	[tilespmem:s29], [sflag:$0x1] =	stream.indirect_vreg.gather [hbm4b:s3+s2], $0x80, v2, vm0, $0xb8;
	[tilespmem:$0x10200] =	vst v63  }
0x152: {  	s11 =	rddreg [dreg:$0x18]  }
0x153: {  	[tilespmem:s30], [sflag:$0x1] =	stream.indirect_vreg.gather [hbm4b:s7+s2], $0x80, v2, vm0, $0xb8;
	[tilespmem:$0x10200] =	vst v63  }
0x154: {  	s12 =	rddreg [dreg:$0x19]  }
0x155: {  	[tilespmem:s31], [sflag:$0x1] =	stream.indirect_vreg.gather [hbm4b:s11+s2], $0x80, v2, vm0, $0xb8;
	[tilespmem:$0x10200] =	vst v63  }
0x156: {  	s13 =	rddreg [dreg:$0x1a];
	s3 =	simm.s32 $0xB200  }
0x157: {  	[tilespmem:s3], [sflag:$0x1] =	stream.indirect_vreg.gather [hbm4b:s12+s2], $0x80, v2, vm0, $0xb8;
	[tilespmem:$0x10200] =	vst v63  }
0x158: {  	s14 =	simm.s32 $0xBA00;
	s15 =	rddreg [dreg:$0x1b]  }
0x159: {  	[tilespmem:s14], [sflag:$0x1] =	stream.indirect_vreg.gather [hbm4b:s13+s2], $0x80, v2, vm0, $0xb8;
	[tilespmem:$0x10200] =	vst v63  }
0x15a: {  	s16 =	simm.s32 $0xC200;
	s17 =	rddreg [dreg:$0x1c]  }
0x15b: {  	[tilespmem:s16], [sflag:$0x1] =	stream.indirect_vreg.gather [hbm4b:s15+s2], $0x80, v2, vm0, $0xb8;
	[tilespmem:$0x10200] =	vst v63  }
0x15c: {  	s18 =	simm.s32 $0xCA00;
	s19 =	rddreg [dreg:$0x1d]  }
0x15d: {  	[tilespmem:s18], [sflag:$0x1] =	stream.indirect_vreg.gather [hbm4b:s17+s2], $0x80, v2, vm0, $0xb8;
	[tilespmem:$0x10200] =	vst v63  }
0x15e: {  	s20 =	simm.s32 $0xD200;
	s21 =	rddreg [dreg:$0x1e]  }
0x15f: {  	[tilespmem:s20], [sflag:$0x1] =	stream.indirect_vreg.gather [hbm4b:s19+s2], $0x80, v2, vm0, $0xb8;
	[tilespmem:$0x10200] =	vst v63  }
0x160: {  	s22 =	rddreg [dreg:$0x1f]  }
0x161: {  	[tilespmem:s6], [sflag:$0x1] =	stream.indirect_vreg.gather [hbm4b:s21+s2], $0x80, v2, vm0, $0xb8;
	[tilespmem:$0x10200] =	vst v63  }
0x162: {  	s23 =	sld [smem:$0x7F7]  }
0x163: {  	[tilespmem:s9], [sflag:$0x1] =	stream.indirect_vreg.gather [hbm4b:s22+s2], $0x80, v2, vm0, $0xb8;
	[tilespmem:$0x10200] =	vst v63  }
0x164: {  	s24 =	simm.s32 $0xEA00;
	s25 =	sld [smem:$0x7F8]  }
0x165: {  	[tilespmem:s24], [sflag:$0x1] =	stream.indirect_vreg.gather [hbm4b:s23+s2], $0x80, v2, vm0, $0xb8;
	[tilespmem:$0x10200] =	vst v63  }
0x166: {  	s26 =	sld [smem:$0x7F9]  }
0x167: {  	[tilespmem:s4], [sflag:$0x1] =	stream.indirect_vreg.gather [hbm4b:s25+s2], $0x80, v2, vm0, $0xb8;
	[tilespmem:$0x10200] =	vst v63  }
0x168: {  	s28 =	simm.s32 $0xFA00;
	s29 =	simm.s32 $0x1  }
0x169: {  	[tilespmem:s28], [sflag:$0x1] =	stream.indirect_vreg.gather [hbm4b:s26+s2], $0x80, v2, vm0, $0xb8;
	[tilespmem:$0x10200] =	vst v63  }
0x16a: {  	_ =	swait.ge [sflag:s29], $0x10000  }
0x16b: {  	s30 =	sld [smem:$0x7FD]  }
0x16c: {  	[sflag:s29] =	ssyncset.done $0x0  }
.Ltmp3:
0x16d: {  	s31 =	simm.s32 $0x2;
	[sflag:s29] =	ssyncadd.s32 $0xFFFF0000;
	(pc) =	sbr.rel .LBB2_3-.Ltmp3, $4  }
0x16e: {  	[hbm4b:s30+s2] =	stream.linear.scatter [tilespmem:s1], [sflag:$0x2], $0x10000, $0x38;
	[tilespmem:$0x10200] =	vst v63  }
0x16f: {  	_ =	swait.ge [sflag:s31], $0x10000  }
0x170: {  	[sflag:s31] =	ssyncset.done $0x0  }
0x171: {  	[sflag:s31] =	ssyncadd.s32 $0xFFFF0000  }
.LBB2_4:
0x172: {  	_ =	sfence.sel $0x180000  }
0x173: {  	[bflag:$0x0] =	sbarrier.arrive $0xFFFF  }
0x174: {  	_ =	strace $0x90000047  }
0x175: {  	s0 =	stileid.u32;
	[bflag:$0x2] =	sbarrier.arrive $0xFFFF  }
0x176: {  	p0 =	sne.s32 s0, $0x0;
	s0 =	rddreg [dreg:$0x1]  }
0x177: {  	s0 =	sadd.s32 @!p0 $0x100000, s0  }
0x178: {  	[sflag:s0] =	ssyncadd.tile.s32 @!p0 $0x1;
	_ =	shalt  }
.Lfunc_end2:
_tile_overlayer_lowered:
.L_overlay_start_2:
0x179: {  	(tag) =	ssettag $0x2  }
0x17a: {  	s0 =	rddreg [dreg:$0x0];
	s2 =	stileid.u32  }
0x17b: {  	s1 =	rddreg [dreg:$0x1];
	p0 =	sne.s32 s2, $0x0  }
0x17c: {  	s3 =	rddreg [dreg:$0x2];
	[bflag:$0x3] =	sbarrier.arrive $0xFFFF;
	s2 =	simm.s32 @!p0 $0x1C02  }
0x17d: {  	[timem:s3], [sflag:s2] =	dma.local @!p0 [hbm:s0], s1  }
0x17e: {  	s0 =	simm.s32 @!p0 $0x2  }
0x17f: {  	_ =	swait.ge @!p0 [sflag:s0], s1  }
0x180: {  	s1 =	ssub.s32 @!p0 $0x0, s1;
	[sflag:s0] =	ssyncset.done @!p0 $0x0  }
0x181: {  	[sflag:s0] =	ssyncadd.s32 @!p0 s1  }
0x182: {  	[bflag:$0x3] =	sbarrier.arrive $0xFFFF  }
0x183: {  	_ =	shalt  }

</sc_bundles>
